<compile_context>
chip_gen: v7x
topology: tpu7x:2x2x1
jax: 0.10.2.dev20260603
libtpu: 0.0.44.dev20260713+nightly
codegen_flags: <defaults>
</compile_context>

<pallas_src>
import functools

import numpy as np
import jax
import jax.numpy as jnp
from jax import lax
from jax.experimental import pallas as pl
from jax.experimental.pallas import tpu as pltpu
from jax.experimental.pallas import tpu_sc as plsc

VOCAB = 100000
D = 64
B = 4096
L = 200
N = B * L

NC = 2
NS = 16
NW = NC * NS

BBLK = 128
NBT = B // BBLK
NTASK = L * NBT
TASKS_PER_W = NTASK // NW
NBUF = 5
LW = 8
OPAD = 133


def _positional_encoding() -> np.ndarray:
    pos = np.arange(L, dtype=np.float64)[:, None]
    idx = np.arange(D, dtype=np.float64)[None, :]
    inner = pos / np.power(10000.0, 2.0 * idx / D)
    even = (np.arange(D)[None, :] % 2) == 0
    pe = np.where(even, np.sin(inner), np.cos(inner))
    return pe.astype(np.float32)


_PE8 = np.zeros((L + LW, D), dtype=np.float32)
_PE8[:L] = _positional_encoding() * 8.0


def _sc_embed(xt_flat, table, pe8):
    mesh = plsc.VectorSubcoreMesh(
        core_axis_name="c", subcore_axis_name="s", num_cores=NC, num_subcores=NS
    )

    @functools.partial(
        pl.kernel,
        out_type=jax.ShapeDtypeStruct((L, D // 8, NBT, 8, BBLK), jnp.float32),
        mesh=mesh,
        scratch_types=[
            pltpu.VMEM((LW, D), jnp.float32),
            pltpu.VMEM((TASKS_PER_W * BBLK,), jnp.int32),
            [pltpu.VMEM((BBLK, D), jnp.float32) for _ in range(NBUF)],
            [pltpu.VMEM((D // 8, 8, OPAD), jnp.float32) for _ in range(NBUF)],
            [pltpu.SemaphoreType.DMA for _ in range(NBUF)],
            [pltpu.SemaphoreType.DMA for _ in range(NBUF)],
        ],
        compiler_params=pltpu.CompilerParams(
            use_tc_tiling_on_sc=False, needs_layout_passes=False
        ),
    )
    def k(xt_hbm, tab_hbm, pe8_hbm, out_hbm, pe8_v, idx_v, g_v, o_v, gsem, wsem):
        wid = lax.axis_index("s") * NC + lax.axis_index("c")
        base = wid * TASKS_PER_W
        lmin = base // NBT

        pltpu.sync_copy(pe8_hbm.at[pl.ds(lmin, LW)], pe8_v)
        pltpu.sync_copy(xt_hbm.at[pl.ds(base * BBLK, TASKS_PER_W * BBLK)], idx_v)
        iota = lax.iota(jnp.int32, 16)
        dt_base = iota // 8
        di_vec = lax.rem(iota, 8)

        def idx_slice(ci):
            return idx_v.at[pl.ds(ci * BBLK, BBLK)]

        def start_gather(b, ci):
            pltpu.async_copy(tab_hbm.at[idx_slice(ci)], g_v[b], gsem[b])

        for b in range(NBUF - 1):
            start_gather(b, b)

        def compute(b, lpos):
            g = g_v[b]
            o = o_v[b]
            lrel = lpos - lmin

            for kk in range(D // 16):
                pe8vec = pe8_v[lrel, pl.ds(kk * 16, 16)]
                dt_vec = dt_base + (2 * kk)

                @plsc.parallel_loop(0, BBLK, unroll=4)
                def body(bb):
                    v = g[bb, pl.ds(kk * 16, 16)]
                    res = v * 8.0 + pe8vec
                    b_vec = jnp.full((16,), bb, dtype=jnp.int32)
                    plsc.store_scatter(o, [dt_vec, di_vec, b_vec], res)

        def out_slice(ci):
            tid = base + ci
            return out_hbm.at[tid // NBT, :, tid % NBT]

        def o_src(b):
            return o_v[b].at[:, :, pl.ds(0, BBLK)]

        def step(it, carry):
            for b in range(NBUF):
                ci = it * NBUF + b
                tid = base + ci
                pltpu.make_async_copy(tab_hbm.at[idx_slice(ci)], g_v[b], gsem[b]).wait()
                compute(b, tid // NBT)
                pltpu.async_copy(o_src(b), out_slice(ci), wsem[b])

                nci = ci + NBUF - 1
                pb = (b + NBUF - 1) % NBUF

                @pl.when(nci < TASKS_PER_W)
                def _prep():
                    @pl.when(ci >= 1)
                    def _drain_prev_write():
                        pltpu.make_async_copy(o_src(pb), out_slice(ci - 1), wsem[pb]).wait()

                    start_gather(pb, nci)

            return carry

        lax.fori_loop(0, TASKS_PER_W // NBUF, step, 0)

        for b in range(NBUF):
            ci = TASKS_PER_W - NBUF + b
            pltpu.make_async_copy(o_src(b), out_slice(ci), wsem[b]).wait()

    return k(xt_flat, table, pe8)


def kernel(x, table):
    pe8 = jnp.asarray(_PE8)
    xt = x.T.reshape(N)
    out5 = _sc_embed(xt, table, pe8)
    return out5.transpose(2, 4, 0, 1, 3).reshape(B, L, D)

# --- scband reference (transcript-rebuilt; emitter-appended) ---
"""Pipeline reference for scband-embedding-layer-81784767250855 (READ-ONLY COPY).

The authoritative reference and input builder live on the scoring server;
editing this copy changes nothing except your own understanding.
"""

import jax, jax.numpy as jnp
import numpy as np

VOCAB = 100000
D_MODEL = 64
BATCH = 4096
SEQ = 200


def _positional_embedding(vocab_size, d_model):
    # Vectorized, numerically identical to the original double loop:
    # inner = token / 10000 ** (2 * index / d_model); sin for even index, cos for odd.
    pos = np.arange(vocab_size, dtype=np.float64)[:, None]
    idx = np.arange(d_model, dtype=np.float64)[None, :]
    inner = pos / np.power(10000.0, 2.0 * idx / d_model)
    even = (np.arange(d_model)[None, :] % 2) == 0
    pe = np.where(even, np.sin(inner), np.cos(inner))
    return jnp.asarray(pe, dtype=jnp.float32)


def setup_inputs(seed: int = 0) -> dict:
    key = jax.random.key(seed)
    k1, k2 = jax.random.split(key)
    x = jax.random.randint(k1, (BATCH, SEQ), 0, VOCAB, dtype=jnp.int32)
    # Keras Embedding default initializer: uniform(-0.05, 0.05)
    table = jax.random.uniform(k2, (VOCAB, D_MODEL), minval=-0.05, maxval=0.05, dtype=jnp.float32)
    return {"x": x, "table": table}


def reference(x, table):
    # EmbeddingLayer.call: embedding lookup -> add positional encoding -> scale by sqrt(d_model)
    input_length = x.shape[1]
    emb = jnp.take(table, x, axis=0)  # [B, L, D] gather
    pe = _positional_embedding(VOCAB, D_MODEL)[:input_length, :]  # [L, D]
    out = emb + pe[None, :, :]
    return out * jnp.sqrt(jnp.asarray(D_MODEL, dtype=jnp.float32))

if __name__ == "__main__":
    import jax
    _d = setup_inputs()
    print(jax.jit(kernel)(*tuple(_d.values())))

</pallas_src>

<mosaic_0001>
#map = affine_map<(d0, d1) -> (0)>
#map1 = affine_map<(d0, d1) -> (0, 0)>
#map2 = affine_map<(d0, d1) -> (0, 0, 0, 0, 0)>
module attributes {stable_mosaic.version = 14 : i64} {
  func.func @k(%arg0: i32, %arg1: i32, %arg2: memref<819200xi32, #tpu.memory_space<hbm>>, %arg3: memref<100000x64xf32, #tpu.memory_space<hbm>>, %arg4: memref<208x64xf32, #tpu.memory_space<hbm>>, %arg5: memref<200x8x32x8x128xf32, #tpu.memory_space<hbm>>, %arg6: memref<8x64xf32, #tpu.memory_space<vmem>>, %arg7: memref<25600xi32, #tpu.memory_space<vmem>>, %arg8: memref<128x64xf32, #tpu.memory_space<vmem>>, %arg9: memref<128x64xf32, #tpu.memory_space<vmem>>, %arg10: memref<128x64xf32, #tpu.memory_space<vmem>>, %arg11: memref<128x64xf32, #tpu.memory_space<vmem>>, %arg12: memref<128x64xf32, #tpu.memory_space<vmem>>, %arg13: memref<8x8x133xf32, #tpu.memory_space<vmem>>, %arg14: memref<8x8x133xf32, #tpu.memory_space<vmem>>, %arg15: memref<8x8x133xf32, #tpu.memory_space<vmem>>, %arg16: memref<8x8x133xf32, #tpu.memory_space<vmem>>, %arg17: memref<8x8x133xf32, #tpu.memory_space<vmem>>, %arg18: memref<!tpu.dma_semaphore, #tpu.memory_space<semaphore_mem>>, %arg19: memref<!tpu.dma_semaphore, #tpu.memory_space<semaphore_mem>>, %arg20: memref<!tpu.dma_semaphore, #tpu.memory_space<semaphore_mem>>, %arg21: memref<!tpu.dma_semaphore, #tpu.memory_space<semaphore_mem>>, %arg22: memref<!tpu.dma_semaphore, #tpu.memory_space<semaphore_mem>>, %arg23: memref<!tpu.dma_semaphore, #tpu.memory_space<semaphore_mem>>, %arg24: memref<!tpu.dma_semaphore, #tpu.memory_space<semaphore_mem>>, %arg25: memref<!tpu.dma_semaphore, #tpu.memory_space<semaphore_mem>>, %arg26: memref<!tpu.dma_semaphore, #tpu.memory_space<semaphore_mem>>, %arg27: memref<!tpu.dma_semaphore, #tpu.memory_space<semaphore_mem>>) attributes {dimension_semantics = [#tpu.dimension_semantics<core_parallel>, #tpu.dimension_semantics<subcore_parallel>], iteration_bounds = array<i64: 2, 16>, scalar_prefetch = 0 : i64, scratch_operands = 22 : i64, tpu.core_type = #tpu.core_type<sc_vector_subcore>, window_params = [{transform_indices = #map}, {transform_indices = #map1}, {transform_indices = #map1}, {transform_indices = #map2}]} {
    %mul3A = arith.constant 2 : i32
    %mul3A_0 = arith.muli %arg1, %mul3A : i32
    %add3A = arith.addi %mul3A_0, %arg0 : i32
    %mul3A_1 = arith.constant 200 : i32
    %mul3A_2 = arith.muli %add3A, %mul3A_1 : i32
    %jit3A = arith.constant 32 : i32
    %div3A = arith.divsi %mul3A_2, %jit3A : i32
    %sign3A = arith.constant 0 : i32
    %sign3A_3 = arith.cmpi sgt, %mul3A_2, %sign3A : i32
    %sign3A_4 = arith.extui %sign3A_3 : i1 to i32
    %sign3A_5 = arith.constant 0 : i32
    %sign3A_6 = arith.cmpi slt, %mul3A_2, %sign3A_5 : i32
    %sign3A_7 = arith.extui %sign3A_6 : i1 to i32
    %sign3A_8 = arith.subi %sign3A_4, %sign3A_7 : i32
    %sign3A_9 = arith.constant 0 : i32
    %sign3A_10 = arith.cmpi sgt, %jit3A, %sign3A_9 : i32
    %sign3A_11 = arith.extui %sign3A_10 : i1 to i32
    %sign3A_12 = arith.constant 0 : i32
    %sign3A_13 = arith.cmpi slt, %jit3A, %sign3A_12 : i32
    %sign3A_14 = arith.extui %sign3A_13 : i1 to i32
    %sign3A_15 = arith.subi %sign3A_11, %sign3A_14 : i32
    %ne3A = arith.cmpi ne, %sign3A_8, %sign3A_15 : i32
    %rem3A = arith.remsi %mul3A_2, %jit3A : i32
    %ne3A_16 = arith.constant 0 : i32
    %ne3A_17 = arith.cmpi ne, %rem3A, %ne3A_16 : i32
    %and3A = arith.andi %ne3A, %ne3A_17 : i1
    %sub3A = arith.constant 1 : i32
    %sub3A_18 = arith.subi %div3A, %sub3A : i32
    %select_n3A = arith.select %and3A, %sub3A_18, %div3A : i32
    "tpu.region"() ({
      %run_scoped3A = tpu.sem_alloc : memref<!tpu.dma_semaphore, #tpu.memory_space<semaphore_mem>>
      %dma_start3A_376 = arith.constant 0 : i32
      %dma_start3A_377 = tpu.memref_slice %arg4[%select_n3A, %dma_start3A_376] : memref<208x64xf32, #tpu.memory_space<hbm>> -> memref<8x64xf32, #tpu.memory_space<hbm>>
      %dma_start3A_378 = arith.constant 0 : i32
      %dma_start3A_379 = tpu.memref_slice %arg4[%select_n3A, %dma_start3A_378] : memref<208x64xf32, #tpu.memory_space<hbm>> -> memref<8x64xf32, #tpu.memory_space<hbm>>
      tpu.enqueue_dma source(%dma_start3A_379 : memref<8x64xf32, #tpu.memory_space<hbm>>) target(%arg6 : memref<8x64xf32, #tpu.memory_space<vmem>>) target_semaphore(%run_scoped3A : memref<!tpu.dma_semaphore, #tpu.memory_space<semaphore_mem>>)
      %dma_wait3A_380 = arith.constant 0 : i32
      %dma_wait3A_381 = tpu.memref_slice %arg4[%select_n3A, %dma_wait3A_380] : memref<208x64xf32, #tpu.memory_space<hbm>> -> memref<8x64xf32, #tpu.memory_space<hbm>>
      %dma_wait3A_382 = arith.constant 0 : i32
      %dma_wait3A_383 = tpu.memref_slice %arg4[%select_n3A, %dma_wait3A_382] : memref<208x64xf32, #tpu.memory_space<hbm>> -> memref<8x64xf32, #tpu.memory_space<hbm>>
      tpu.wait_dma2 semaphore(%run_scoped3A : memref<!tpu.dma_semaphore, #tpu.memory_space<semaphore_mem>>) src(%dma_wait3A_383 : memref<8x64xf32, #tpu.memory_space<hbm>>) dst(%arg6 : memref<8x64xf32, #tpu.memory_space<vmem>>)
      tpu.yield
    }) : () -> ()
    %mul3A_19 = arith.constant 128 : i32
    %mul3A_20 = arith.muli %mul3A_2, %mul3A_19 : i32
    "tpu.region"() ({
      %run_scoped3A = tpu.sem_alloc : memref<!tpu.dma_semaphore, #tpu.memory_space<semaphore_mem>>
      %dma_start3A_376 = tpu.memref_slice %arg2[%mul3A_20] : memref<819200xi32, #tpu.memory_space<hbm>> -> memref<25600xi32, #tpu.memory_space<hbm>>
      %dma_start3A_377 = tpu.memref_slice %arg2[%mul3A_20] : memref<819200xi32, #tpu.memory_space<hbm>> -> memref<25600xi32, #tpu.memory_space<hbm>>
      tpu.enqueue_dma source(%dma_start3A_377 : memref<25600xi32, #tpu.memory_space<hbm>>) target(%arg7 : memref<25600xi32, #tpu.memory_space<vmem>>) target_semaphore(%run_scoped3A : memref<!tpu.dma_semaphore, #tpu.memory_space<semaphore_mem>>)
      %dma_wait3A_378 = tpu.memref_slice %arg2[%mul3A_20] : memref<819200xi32, #tpu.memory_space<hbm>> -> memref<25600xi32, #tpu.memory_space<hbm>>
      %dma_wait3A_379 = tpu.memref_slice %arg2[%mul3A_20] : memref<819200xi32, #tpu.memory_space<hbm>> -> memref<25600xi32, #tpu.memory_space<hbm>>
      tpu.wait_dma2 semaphore(%run_scoped3A : memref<!tpu.dma_semaphore, #tpu.memory_space<semaphore_mem>>) src(%dma_wait3A_379 : memref<25600xi32, #tpu.memory_space<hbm>>) dst(%arg7 : memref<25600xi32, #tpu.memory_space<vmem>>)
      tpu.yield
    }) : () -> ()
    %iota3A = tpu.iota {dimensions = array<i32: 0>} : vector<16xi32>
    %jit3A_21 = arith.constant 8 : i32
    %div3A_22 = vector.broadcast %jit3A_21 : i32 to vector<16xi32>
    %div3A_23 = arith.divsi %iota3A, %div3A_22 : vector<16xi32>
    %sign3A_24 = arith.constant 0 : i32
    %sign3A_25 = vector.broadcast %sign3A_24 : i32 to vector<16xi32>
    %sign3A_26 = arith.cmpi sgt, %iota3A, %sign3A_25 : vector<16xi32>
    %sign3A_27 = arith.extui %sign3A_26 : vector<16xi1> to vector<16xi32>
    %sign3A_28 = arith.constant 0 : i32
    %sign3A_29 = vector.broadcast %sign3A_28 : i32 to vector<16xi32>
    %sign3A_30 = arith.cmpi slt, %iota3A, %sign3A_29 : vector<16xi32>
    %sign3A_31 = arith.extui %sign3A_30 : vector<16xi1> to vector<16xi32>
    %sign3A_32 = arith.subi %sign3A_27, %sign3A_31 : vector<16xi32>
    %sign3A_33 = arith.constant 0 : i32
    %sign3A_34 = arith.cmpi sgt, %jit3A_21, %sign3A_33 : i32
    %sign3A_35 = arith.extui %sign3A_34 : i1 to i32
    %sign3A_36 = arith.constant 0 : i32
    %sign3A_37 = arith.cmpi slt, %jit3A_21, %sign3A_36 : i32
    %sign3A_38 = arith.extui %sign3A_37 : i1 to i32
    %sign3A_39 = arith.subi %sign3A_35, %sign3A_38 : i32
    %ne3A_40 = vector.broadcast %sign3A_39 : i32 to vector<16xi32>
    %ne3A_41 = arith.cmpi ne, %sign3A_32, %ne3A_40 : vector<16xi32>
    %rem3A_42 = vector.broadcast %jit3A_21 : i32 to vector<16xi32>
    %rem3A_43 = arith.remsi %iota3A, %rem3A_42 : vector<16xi32>
    %ne3A_44 = arith.constant 0 : i32
    %ne3A_45 = vector.broadcast %ne3A_44 : i32 to vector<16xi32>
    %ne3A_46 = arith.cmpi ne, %rem3A_43, %ne3A_45 : vector<16xi32>
    %and3A_47 = arith.andi %ne3A_41, %ne3A_46 : vector<16xi1>
    %sub3A_48 = arith.constant 1 : i32
    %sub3A_49 = vector.broadcast %sub3A_48 : i32 to vector<16xi32>
    %sub3A_50 = arith.subi %div3A_23, %sub3A_49 : vector<16xi32>
    %select_n3A_51 = arith.select %and3A_47, %sub3A_50, %div3A_23 : vector<16xi1>, vector<16xi32>
    %rem3A_52 = arith.constant 8 : i32
    %rem3A_53 = vector.broadcast %rem3A_52 : i32 to vector<16xi32>
    %rem3A_54 = arith.remsi %iota3A, %rem3A_53 : vector<16xi32>
    %dma_start3A = arith.constant 0 : i32
    %dma_start3A_55 = tpu.memref_slice %arg7[%dma_start3A] : memref<25600xi32, #tpu.memory_space<vmem>> -> memref<128xi32, #tpu.memory_space<vmem>>
    %dma_start3A_56 = arith.constant 0 : i32
    %dma_start3A_57 = arith.constant 0 : i32
    %dma_start3A_58 = tpu.memref_slice %arg3[%dma_start3A_56, %dma_start3A_57] : memref<100000x64xf32, #tpu.memory_space<hbm>> -> memref<100000x64xf32, #tpu.memory_space<hbm>>
    tpu.enqueue_indirect_dma source(%dma_start3A_58 : memref<100000x64xf32, #tpu.memory_space<hbm>>) target(%arg8 : memref<128x64xf32, #tpu.memory_space<vmem>>) offsets(%dma_start3A_55 : memref<128xi32, #tpu.memory_space<vmem>>) semaphore(%arg18 : memref<!tpu.dma_semaphore, #tpu.memory_space<semaphore_mem>>)
    %dma_start3A_59 = arith.constant 128 : i32
    %dma_start3A_60 = tpu.memref_slice %arg7[%dma_start3A_59] : memref<25600xi32, #tpu.memory_space<vmem>> -> memref<128xi32, #tpu.memory_space<vmem>>
    %dma_start3A_61 = arith.constant 0 : i32
    %dma_start3A_62 = arith.constant 0 : i32
    %dma_start3A_63 = tpu.memref_slice %arg3[%dma_start3A_61, %dma_start3A_62] : memref<100000x64xf32, #tpu.memory_space<hbm>> -> memref<100000x64xf32, #tpu.memory_space<hbm>>
    tpu.enqueue_indirect_dma source(%dma_start3A_63 : memref<100000x64xf32, #tpu.memory_space<hbm>>) target(%arg9 : memref<128x64xf32, #tpu.memory_space<vmem>>) offsets(%dma_start3A_60 : memref<128xi32, #tpu.memory_space<vmem>>) semaphore(%arg19 : memref<!tpu.dma_semaphore, #tpu.memory_space<semaphore_mem>>)
    %dma_start3A_64 = arith.constant 256 : i32
    %dma_start3A_65 = tpu.memref_slice %arg7[%dma_start3A_64] : memref<25600xi32, #tpu.memory_space<vmem>> -> memref<128xi32, #tpu.memory_space<vmem>>
    %dma_start3A_66 = arith.constant 0 : i32
    %dma_start3A_67 = arith.constant 0 : i32
    %dma_start3A_68 = tpu.memref_slice %arg3[%dma_start3A_66, %dma_start3A_67] : memref<100000x64xf32, #tpu.memory_space<hbm>> -> memref<100000x64xf32, #tpu.memory_space<hbm>>
    tpu.enqueue_indirect_dma source(%dma_start3A_68 : memref<100000x64xf32, #tpu.memory_space<hbm>>) target(%arg10 : memref<128x64xf32, #tpu.memory_space<vmem>>) offsets(%dma_start3A_65 : memref<128xi32, #tpu.memory_space<vmem>>) semaphore(%arg20 : memref<!tpu.dma_semaphore, #tpu.memory_space<semaphore_mem>>)
    %dma_start3A_69 = arith.constant 384 : i32
    %dma_start3A_70 = tpu.memref_slice %arg7[%dma_start3A_69] : memref<25600xi32, #tpu.memory_space<vmem>> -> memref<128xi32, #tpu.memory_space<vmem>>
    %dma_start3A_71 = arith.constant 0 : i32
    %dma_start3A_72 = arith.constant 0 : i32
    %dma_start3A_73 = tpu.memref_slice %arg3[%dma_start3A_71, %dma_start3A_72] : memref<100000x64xf32, #tpu.memory_space<hbm>> -> memref<100000x64xf32, #tpu.memory_space<hbm>>
    tpu.enqueue_indirect_dma source(%dma_start3A_73 : memref<100000x64xf32, #tpu.memory_space<hbm>>) target(%arg11 : memref<128x64xf32, #tpu.memory_space<vmem>>) offsets(%dma_start3A_70 : memref<128xi32, #tpu.memory_space<vmem>>) semaphore(%arg21 : memref<!tpu.dma_semaphore, #tpu.memory_space<semaphore_mem>>)
    %scan3A = arith.constant 0 : i32
    %scan3A_74 = arith.constant 0 : i32
    %scan3A_75 = arith.constant 40 : i32
    %scan3A_76 = arith.addi %scan3A_74, %scan3A_75 : i32
    %scan3A_77 = arith.constant 1 : i32
    scf.for %scan3A_376 = %scan3A_74 to %scan3A_76 step %scan3A_77  : i32 {
      %mul3A_377 = arith.constant 5 : i32
      %mul3A_378 = arith.muli %scan3A_376, %mul3A_377 : i32
      %add3A_379 = arith.constant 0 : i32
      %add3A_380 = arith.addi %mul3A_378, %add3A_379 : i32
      %add3A_381 = arith.addi %mul3A_2, %add3A_380 : i32
      %mul3A_382 = arith.constant 128 : i32
      %mul3A_383 = arith.muli %add3A_380, %mul3A_382 : i32
      %dma_wait3A_384 = tpu.memref_slice %arg7[%mul3A_383] : memref<25600xi32, #tpu.memory_space<vmem>> -> memref<128xi32, #tpu.memory_space<vmem>>
      %dma_wait3A_385 = arith.constant 0 : i32
      %dma_wait3A_386 = arith.constant 0 : i32
      %dma_wait3A_387 = tpu.memref_slice %arg3[%dma_wait3A_385, %dma_wait3A_386] : memref<100000x64xf32, #tpu.memory_space<hbm>> -> memref<100000x64xf32, #tpu.memory_space<hbm>>
      tpu.wait_indirect_dma semaphore(%arg18 : memref<!tpu.dma_semaphore, #tpu.memory_space<semaphore_mem>>) src(%dma_wait3A_387 : memref<100000x64xf32, #tpu.memory_space<hbm>>) dst(%arg8 : memref<128x64xf32, #tpu.memory_space<vmem>>)
      %jit3A_388 = arith.constant 32 : i32
      %div3A_389 = arith.divsi %add3A_381, %jit3A_388 : i32
      %sign3A_390 = arith.constant 0 : i32
      %sign3A_391 = arith.cmpi sgt, %add3A_381, %sign3A_390 : i32
      %sign3A_392 = arith.extui %sign3A_391 : i1 to i32
      %sign3A_393 = arith.constant 0 : i32
      %sign3A_394 = arith.cmpi slt, %add3A_381, %sign3A_393 : i32
      %sign3A_395 = arith.extui %sign3A_394 : i1 to i32
      %sign3A_396 = arith.subi %sign3A_392, %sign3A_395 : i32
      %sign3A_397 = arith.constant 0 : i32
      %sign3A_398 = arith.cmpi sgt, %jit3A_388, %sign3A_397 : i32
      %sign3A_399 = arith.extui %sign3A_398 : i1 to i32
      %sign3A_400 = arith.constant 0 : i32
      %sign3A_401 = arith.cmpi slt, %jit3A_388, %sign3A_400 : i32
      %sign3A_402 = arith.extui %sign3A_401 : i1 to i32
      %sign3A_403 = arith.subi %sign3A_399, %sign3A_402 : i32
      %ne3A_404 = arith.cmpi ne, %sign3A_396, %sign3A_403 : i32
      %rem3A_405 = arith.remsi %add3A_381, %jit3A_388 : i32
      %ne3A_406 = arith.constant 0 : i32
      %ne3A_407 = arith.cmpi ne, %rem3A_405, %ne3A_406 : i32
      %and3A_408 = arith.andi %ne3A_404, %ne3A_407 : i1
      %sub3A_409 = arith.constant 1 : i32
      %sub3A_410 = arith.subi %div3A_389, %sub3A_409 : i32
      %select_n3A_411 = arith.select %and3A_408, %sub3A_410, %div3A_389 : i32
      %sub3A_412 = arith.subi %select_n3A_411, %select_n3A : i32
      %get3A = arith.index_cast %sub3A_412 : i32 to index
      %get3A_413 = arith.constant 0 : index
      %get3A_414 = tpu.vector_load %arg6[%get3A, %get3A_413] {strides = array<i32>} : memref<8x64xf32, #tpu.memory_space<vmem>>, vector<16xf32>,
      %add3A_415 = arith.constant 0 : i32
      %add3A_416 = vector.broadcast %add3A_415 : i32 to vector<16xi32>
      %add3A_417 = arith.addi %select_n3A_51, %add3A_416 : vector<16xi32>
      %parallel_loop3A = arith.constant 0 : i32
      %parallel_loop3A_418 = arith.constant 128 : i32
      %parallel_loop3A_419 = arith.constant 1 : i32
      scf.for %parallel_loop3A_1073 = %parallel_loop3A to %parallel_loop3A_418 step %parallel_loop3A_419  : i32 {
        %parallel_loop3A_1074 = arith.index_cast %parallel_loop3A_1073 : i32 to index
        %parallel_loop3A_1075 = arith.constant 0 : index
        %parallel_loop3A_1076 = tpu.vector_load %arg8[%parallel_loop3A_1074, %parallel_loop3A_1075] {strides = array<i32>} : memref<128x64xf32, #tpu.memory_space<vmem>>, vector<16xf32>,
        %parallel_loop3A_1077 = arith.constant 8.000000e+00 : f32
        %parallel_loop3A_1078 = vector.broadcast %parallel_loop3A_1077 : f32 to vector<16xf32>
        %parallel_loop3A_1079 = arith.mulf %parallel_loop3A_1076, %parallel_loop3A_1078 : vector<16xf32>
        %parallel_loop3A_1080 = arith.addf %parallel_loop3A_1079, %get3A_414 : vector<16xf32>
        %parallel_loop3A_1081 = vector.broadcast %parallel_loop3A_1073 : i32 to vector<16xi32>
        tpu.vector_store_idx %arg13[%add3A_417, %rem3A_54, %parallel_loop3A_1081], %parallel_loop3A_1080 : memref<8x8x133xf32, #tpu.memory_space<vmem>>[vector<16xi32>, vector<16xi32>, vector<16xi32>], vector<16xf32>,
      } {sc.loop_unroll_factor = 4 : i64, sc.parallel_access}
      %get3A_420 = arith.index_cast %sub3A_412 : i32 to index
      %get3A_421 = arith.constant 16 : index
      %get3A_422 = tpu.vector_load %arg6[%get3A_420, %get3A_421] {strides = array<i32>} : memref<8x64xf32, #tpu.memory_space<vmem>>, vector<16xf32>,
      %add3A_423 = arith.constant 2 : i32
      %add3A_424 = vector.broadcast %add3A_423 : i32 to vector<16xi32>
      %add3A_425 = arith.addi %select_n3A_51, %add3A_424 : vector<16xi32>
      %parallel_loop3A_426 = arith.constant 0 : i32
      %parallel_loop3A_427 = arith.constant 128 : i32
      %parallel_loop3A_428 = arith.constant 1 : i32
      scf.for %parallel_loop3A_1073 = %parallel_loop3A_426 to %parallel_loop3A_427 step %parallel_loop3A_428  : i32 {
        %parallel_loop3A_1074 = arith.index_cast %parallel_loop3A_1073 : i32 to index
        %parallel_loop3A_1075 = arith.constant 16 : index
        %parallel_loop3A_1076 = tpu.vector_load %arg8[%parallel_loop3A_1074, %parallel_loop3A_1075] {strides = array<i32>} : memref<128x64xf32, #tpu.memory_space<vmem>>, vector<16xf32>,
        %parallel_loop3A_1077 = arith.constant 8.000000e+00 : f32
        %parallel_loop3A_1078 = vector.broadcast %parallel_loop3A_1077 : f32 to vector<16xf32>
        %parallel_loop3A_1079 = arith.mulf %parallel_loop3A_1076, %parallel_loop3A_1078 : vector<16xf32>
        %parallel_loop3A_1080 = arith.addf %parallel_loop3A_1079, %get3A_422 : vector<16xf32>
        %parallel_loop3A_1081 = vector.broadcast %parallel_loop3A_1073 : i32 to vector<16xi32>
        tpu.vector_store_idx %arg13[%add3A_425, %rem3A_54, %parallel_loop3A_1081], %parallel_loop3A_1080 : memref<8x8x133xf32, #tpu.memory_space<vmem>>[vector<16xi32>, vector<16xi32>, vector<16xi32>], vector<16xf32>,
      } {sc.loop_unroll_factor = 4 : i64, sc.parallel_access}
      %get3A_429 = arith.index_cast %sub3A_412 : i32 to index
      %get3A_430 = arith.constant 32 : index
      %get3A_431 = tpu.vector_load %arg6[%get3A_429, %get3A_430] {strides = array<i32>} : memref<8x64xf32, #tpu.memory_space<vmem>>, vector<16xf32>,
      %add3A_432 = arith.constant 4 : i32
      %add3A_433 = vector.broadcast %add3A_432 : i32 to vector<16xi32>
      %add3A_434 = arith.addi %select_n3A_51, %add3A_433 : vector<16xi32>
      %parallel_loop3A_435 = arith.constant 0 : i32
      %parallel_loop3A_436 = arith.constant 128 : i32
      %parallel_loop3A_437 = arith.constant 1 : i32
      scf.for %parallel_loop3A_1073 = %parallel_loop3A_435 to %parallel_loop3A_436 step %parallel_loop3A_437  : i32 {
        %parallel_loop3A_1074 = arith.index_cast %parallel_loop3A_1073 : i32 to index
        %parallel_loop3A_1075 = arith.constant 32 : index
        %parallel_loop3A_1076 = tpu.vector_load %arg8[%parallel_loop3A_1074, %parallel_loop3A_1075] {strides = array<i32>} : memref<128x64xf32, #tpu.memory_space<vmem>>, vector<16xf32>,
        %parallel_loop3A_1077 = arith.constant 8.000000e+00 : f32
        %parallel_loop3A_1078 = vector.broadcast %parallel_loop3A_1077 : f32 to vector<16xf32>
        %parallel_loop3A_1079 = arith.mulf %parallel_loop3A_1076, %parallel_loop3A_1078 : vector<16xf32>
        %parallel_loop3A_1080 = arith.addf %parallel_loop3A_1079, %get3A_431 : vector<16xf32>
        %parallel_loop3A_1081 = vector.broadcast %parallel_loop3A_1073 : i32 to vector<16xi32>
        tpu.vector_store_idx %arg13[%add3A_434, %rem3A_54, %parallel_loop3A_1081], %parallel_loop3A_1080 : memref<8x8x133xf32, #tpu.memory_space<vmem>>[vector<16xi32>, vector<16xi32>, vector<16xi32>], vector<16xf32>,
      } {sc.loop_unroll_factor = 4 : i64, sc.parallel_access}
      %get3A_438 = arith.index_cast %sub3A_412 : i32 to index
      %get3A_439 = arith.constant 48 : index
      %get3A_440 = tpu.vector_load %arg6[%get3A_438, %get3A_439] {strides = array<i32>} : memref<8x64xf32, #tpu.memory_space<vmem>>, vector<16xf32>,
      %add3A_441 = arith.constant 6 : i32
      %add3A_442 = vector.broadcast %add3A_441 : i32 to vector<16xi32>
      %add3A_443 = arith.addi %select_n3A_51, %add3A_442 : vector<16xi32>
      %parallel_loop3A_444 = arith.constant 0 : i32
      %parallel_loop3A_445 = arith.constant 128 : i32
      %parallel_loop3A_446 = arith.constant 1 : i32
      scf.for %parallel_loop3A_1073 = %parallel_loop3A_444 to %parallel_loop3A_445 step %parallel_loop3A_446  : i32 {
        %parallel_loop3A_1074 = arith.index_cast %parallel_loop3A_1073 : i32 to index
        %parallel_loop3A_1075 = arith.constant 48 : index
        %parallel_loop3A_1076 = tpu.vector_load %arg8[%parallel_loop3A_1074, %parallel_loop3A_1075] {strides = array<i32>} : memref<128x64xf32, #tpu.memory_space<vmem>>, vector<16xf32>,
        %parallel_loop3A_1077 = arith.constant 8.000000e+00 : f32
        %parallel_loop3A_1078 = vector.broadcast %parallel_loop3A_1077 : f32 to vector<16xf32>
        %parallel_loop3A_1079 = arith.mulf %parallel_loop3A_1076, %parallel_loop3A_1078 : vector<16xf32>
        %parallel_loop3A_1080 = arith.addf %parallel_loop3A_1079, %get3A_440 : vector<16xf32>
        %parallel_loop3A_1081 = vector.broadcast %parallel_loop3A_1073 : i32 to vector<16xi32>
        tpu.vector_store_idx %arg13[%add3A_443, %rem3A_54, %parallel_loop3A_1081], %parallel_loop3A_1080 : memref<8x8x133xf32, #tpu.memory_space<vmem>>[vector<16xi32>, vector<16xi32>, vector<16xi32>], vector<16xf32>,
      } {sc.loop_unroll_factor = 4 : i64, sc.parallel_access}
      %add3A_447 = arith.addi %mul3A_2, %add3A_380 : i32
      %jit3A_448 = arith.constant 32 : i32
      %div3A_449 = arith.divsi %add3A_447, %jit3A_448 : i32
      %sign3A_450 = arith.constant 0 : i32
      %sign3A_451 = arith.cmpi sgt, %add3A_447, %sign3A_450 : i32
      %sign3A_452 = arith.extui %sign3A_451 : i1 to i32
      %sign3A_453 = arith.constant 0 : i32
      %sign3A_454 = arith.cmpi slt, %add3A_447, %sign3A_453 : i32
      %sign3A_455 = arith.extui %sign3A_454 : i1 to i32
      %sign3A_456 = arith.subi %sign3A_452, %sign3A_455 : i32
      %sign3A_457 = arith.constant 0 : i32
      %sign3A_458 = arith.cmpi sgt, %jit3A_448, %sign3A_457 : i32
      %sign3A_459 = arith.extui %sign3A_458 : i1 to i32
      %sign3A_460 = arith.constant 0 : i32
      %sign3A_461 = arith.cmpi slt, %jit3A_448, %sign3A_460 : i32
      %sign3A_462 = arith.extui %sign3A_461 : i1 to i32
      %sign3A_463 = arith.subi %sign3A_459, %sign3A_462 : i32
      %ne3A_464 = arith.cmpi ne, %sign3A_456, %sign3A_463 : i32
      %rem3A_465 = arith.remsi %add3A_447, %jit3A_448 : i32
      %ne3A_466 = arith.constant 0 : i32
      %ne3A_467 = arith.cmpi ne, %rem3A_465, %ne3A_466 : i32
      %and3A_468 = arith.andi %ne3A_464, %ne3A_467 : i1
      %sub3A_469 = arith.constant 1 : i32
      %sub3A_470 = arith.subi %div3A_449, %sub3A_469 : i32
      %select_n3A_471 = arith.select %and3A_468, %sub3A_470, %div3A_449 : i32
      %jit3A_472 = arith.constant 32 : i32
      %eq3A_473 = arith.constant 0 : i32
      %eq3A_474 = arith.cmpi eq, %jit3A_472, %eq3A_473 : i32
      %jit3A_475 = arith.constant 1 : i32
      %select_n3A_476 = arith.select %eq3A_474, %jit3A_475, %jit3A_472 : i32
      %rem3A_477 = arith.remsi %add3A_447, %select_n3A_476 : i32
      %ne3A_478 = arith.constant 0 : i32
      %ne3A_479 = arith.cmpi ne, %rem3A_477, %ne3A_478 : i32
      %lt3A_480 = arith.constant 0 : i32
      %lt3A_481 = arith.cmpi slt, %rem3A_477, %lt3A_480 : i32
      %lt3A_482 = arith.constant 0 : i32
      %lt3A_483 = arith.cmpi slt, %select_n3A_476, %lt3A_482 : i32
      %ne3A_484 = arith.xori %lt3A_481, %lt3A_483 : i1
      %and3A_485 = arith.andi %ne3A_484, %ne3A_479 : i1
      %add3A_486 = arith.addi %rem3A_477, %select_n3A_476 : i32
      %select_n3A_487 = arith.select %and3A_485, %add3A_486, %rem3A_477 : i32
      %dma_start3A_488 = arith.constant 0 : i32
      %dma_start3A_489 = arith.constant 0 : i32
      %dma_start3A_490 = arith.constant 0 : i32
      %dma_start3A_491 = tpu.memref_slice %arg13[%dma_start3A_488, %dma_start3A_489, %dma_start3A_490] : memref<8x8x133xf32, #tpu.memory_space<vmem>> -> memref<8x8x128xf32, #tpu.memory_space<vmem>>
      %dma_start3A_492 = arith.constant 0 : i32
      %dma_start3A_493 = arith.constant 0 : i32
      %dma_start3A_494 = arith.constant 0 : i32
      %dma_start3A_495 = tpu.memref_slice %arg5[%select_n3A_471, %dma_start3A_492, %select_n3A_487, %dma_start3A_493, %dma_start3A_494] : memref<200x8x32x8x128xf32, #tpu.memory_space<hbm>> -> memref<1x8x1x8x128xf32, #tpu.memory_space<hbm>>
      %dma_start3A_496 = tpu.memref_squeeze %dma_start3A_495 : memref<1x8x1x8x128xf32, #tpu.memory_space<hbm>> -> memref<8x8x128xf32, #tpu.memory_space<hbm>>
      %dma_start3A_497 = arith.constant 0 : i32
      %dma_start3A_498 = arith.constant 0 : i32
      %dma_start3A_499 = arith.constant 0 : i32
      %dma_start3A_500 = tpu.memref_slice %arg5[%select_n3A_471, %dma_start3A_497, %select_n3A_487, %dma_start3A_498, %dma_start3A_499] : memref<200x8x32x8x128xf32, #tpu.memory_space<hbm>> -> memref<1x8x1x8x128xf32, #tpu.memory_space<hbm>>
      %dma_start3A_501 = tpu.memref_squeeze %dma_start3A_500 : memref<1x8x1x8x128xf32, #tpu.memory_space<hbm>> -> memref<8x8x128xf32, #tpu.memory_space<hbm>>
      %dma_start3A_502 = arith.constant 0 : i32
      %dma_start3A_503 = arith.constant 0 : i32
      %dma_start3A_504 = arith.constant 0 : i32
      %dma_start3A_505 = tpu.memref_slice %arg13[%dma_start3A_502, %dma_start3A_503, %dma_start3A_504] : memref<8x8x133xf32, #tpu.memory_space<vmem>> -> memref<8x8x128xf32, #tpu.memory_space<vmem>>
      tpu.enqueue_dma source(%dma_start3A_505 : memref<8x8x128xf32, #tpu.memory_space<vmem>>) target(%dma_start3A_501 : memref<8x8x128xf32, #tpu.memory_space<hbm>>) target_semaphore(%arg23 : memref<!tpu.dma_semaphore, #tpu.memory_space<semaphore_mem>>)
      %add3A_506 = arith.constant 5 : i32
      %add3A_507 = arith.addi %add3A_380, %add3A_506 : i32
      %sub3A_508 = arith.constant 1 : i32
      %sub3A_509 = arith.subi %add3A_507, %sub3A_508 : i32
      %lt3A_510 = arith.constant 200 : i32
      %lt3A_511 = arith.cmpi slt, %sub3A_509, %lt3A_510 : i32
      %convert_element_type3A = arith.extui %lt3A_511 : i1 to i32
      %cond3A = arith.constant 0 : i32
      %cond3A_512 = arith.cmpi ne, %convert_element_type3A, %cond3A : i32
      scf.if %cond3A_512 {
        %ge3A = arith.constant 1 : i32
        %ge3A_1073 = arith.cmpi sge, %add3A_380, %ge3A : i32
        %convert_element_type3A_1074 = arith.extui %ge3A_1073 : i1 to i32
        %cond3A_1075 = arith.constant 0 : i32
        %cond3A_1076 = arith.cmpi ne, %convert_element_type3A_1074, %cond3A_1075 : i32
        scf.if %cond3A_1076 {
          %sub3A_1083 = arith.constant 1 : i32
          %sub3A_1084 = arith.subi %add3A_380, %sub3A_1083 : i32
          %add3A_1085 = arith.addi %mul3A_2, %sub3A_1084 : i32
          %jit3A_1086 = arith.constant 32 : i32
          %div3A_1087 = arith.divsi %add3A_1085, %jit3A_1086 : i32
          %sign3A_1088 = arith.constant 0 : i32
          %sign3A_1089 = arith.cmpi sgt, %add3A_1085, %sign3A_1088 : i32
          %sign3A_1090 = arith.extui %sign3A_1089 : i1 to i32
          %sign3A_1091 = arith.constant 0 : i32
          %sign3A_1092 = arith.cmpi slt, %add3A_1085, %sign3A_1091 : i32
          %sign3A_1093 = arith.extui %sign3A_1092 : i1 to i32
          %sign3A_1094 = arith.subi %sign3A_1090, %sign3A_1093 : i32
          %sign3A_1095 = arith.constant 0 : i32
          %sign3A_1096 = arith.cmpi sgt, %jit3A_1086, %sign3A_1095 : i32
          %sign3A_1097 = arith.extui %sign3A_1096 : i1 to i32
          %sign3A_1098 = arith.constant 0 : i32
          %sign3A_1099 = arith.cmpi slt, %jit3A_1086, %sign3A_1098 : i32
          %sign3A_1100 = arith.extui %sign3A_1099 : i1 to i32
          %sign3A_1101 = arith.subi %sign3A_1097, %sign3A_1100 : i32
          %ne3A_1102 = arith.cmpi ne, %sign3A_1094, %sign3A_1101 : i32
          %rem3A_1103 = arith.remsi %add3A_1085, %jit3A_1086 : i32
          %ne3A_1104 = arith.constant 0 : i32
          %ne3A_1105 = arith.cmpi ne, %rem3A_1103, %ne3A_1104 : i32
          %and3A_1106 = arith.andi %ne3A_1102, %ne3A_1105 : i1
          %sub3A_1107 = arith.constant 1 : i32
          %sub3A_1108 = arith.subi %div3A_1087, %sub3A_1107 : i32
          %select_n3A_1109 = arith.select %and3A_1106, %sub3A_1108, %div3A_1087 : i32
          %jit3A_1110 = arith.constant 32 : i32
          %eq3A_1111 = arith.constant 0 : i32
          %eq3A_1112 = arith.cmpi eq, %jit3A_1110, %eq3A_1111 : i32
          %jit3A_1113 = arith.constant 1 : i32
          %select_n3A_1114 = arith.select %eq3A_1112, %jit3A_1113, %jit3A_1110 : i32
          %rem3A_1115 = arith.remsi %add3A_1085, %select_n3A_1114 : i32
          %ne3A_1116 = arith.constant 0 : i32
          %ne3A_1117 = arith.cmpi ne, %rem3A_1115, %ne3A_1116 : i32
          %lt3A_1118 = arith.constant 0 : i32
          %lt3A_1119 = arith.cmpi slt, %rem3A_1115, %lt3A_1118 : i32
          %lt3A_1120 = arith.constant 0 : i32
          %lt3A_1121 = arith.cmpi slt, %select_n3A_1114, %lt3A_1120 : i32
          %ne3A_1122 = arith.xori %lt3A_1119, %lt3A_1121 : i1
          %and3A_1123 = arith.andi %ne3A_1122, %ne3A_1117 : i1
          %add3A_1124 = arith.addi %rem3A_1115, %select_n3A_1114 : i32
          %select_n3A_1125 = arith.select %and3A_1123, %add3A_1124, %rem3A_1115 : i32
          %dma_wait3A_1126 = arith.constant 0 : i32
          %dma_wait3A_1127 = arith.constant 0 : i32
          %dma_wait3A_1128 = arith.constant 0 : i32
          %dma_wait3A_1129 = tpu.memref_slice %arg17[%dma_wait3A_1126, %dma_wait3A_1127, %dma_wait3A_1128] : memref<8x8x133xf32, #tpu.memory_space<vmem>> -> memref<8x8x128xf32, #tpu.memory_space<vmem>>
          %dma_wait3A_1130 = arith.constant 0 : i32
          %dma_wait3A_1131 = arith.constant 0 : i32
          %dma_wait3A_1132 = arith.constant 0 : i32
          %dma_wait3A_1133 = tpu.memref_slice %arg5[%select_n3A_1109, %dma_wait3A_1130, %select_n3A_1125, %dma_wait3A_1131, %dma_wait3A_1132] : memref<200x8x32x8x128xf32, #tpu.memory_space<hbm>> -> memref<1x8x1x8x128xf32, #tpu.memory_space<hbm>>
          %dma_wait3A_1134 = tpu.memref_squeeze %dma_wait3A_1133 : memref<1x8x1x8x128xf32, #tpu.memory_space<hbm>> -> memref<8x8x128xf32, #tpu.memory_space<hbm>>
          %dma_wait3A_1135 = arith.constant 0 : i32
          %dma_wait3A_1136 = arith.constant 0 : i32
          %dma_wait3A_1137 = arith.constant 0 : i32
          %dma_wait3A_1138 = tpu.memref_slice %arg5[%select_n3A_1109, %dma_wait3A_1135, %select_n3A_1125, %dma_wait3A_1136, %dma_wait3A_1137] : memref<200x8x32x8x128xf32, #tpu.memory_space<hbm>> -> memref<1x8x1x8x128xf32, #tpu.memory_space<hbm>>
          %dma_wait3A_1139 = tpu.memref_squeeze %dma_wait3A_1138 : memref<1x8x1x8x128xf32, #tpu.memory_space<hbm>> -> memref<8x8x128xf32, #tpu.memory_space<hbm>>
          %dma_wait3A_1140 = arith.constant 0 : i32
          %dma_wait3A_1141 = arith.constant 0 : i32
          %dma_wait3A_1142 = arith.constant 0 : i32
          %dma_wait3A_1143 = tpu.memref_slice %arg17[%dma_wait3A_1140, %dma_wait3A_1141, %dma_wait3A_1142] : memref<8x8x133xf32, #tpu.memory_space<vmem>> -> memref<8x8x128xf32, #tpu.memory_space<vmem>>
          tpu.wait_dma2 semaphore(%arg27 : memref<!tpu.dma_semaphore, #tpu.memory_space<semaphore_mem>>) src(%dma_wait3A_1143 : memref<8x8x128xf32, #tpu.memory_space<vmem>>) dst(%dma_wait3A_1139 : memref<8x8x128xf32, #tpu.memory_space<hbm>>)
        } else {
        }
        %mul3A_1077 = arith.constant 128 : i32
        %mul3A_1078 = arith.muli %sub3A_509, %mul3A_1077 : i32
        %dma_start3A_1079 = tpu.memref_slice %arg7[%mul3A_1078] : memref<25600xi32, #tpu.memory_space<vmem>> -> memref<128xi32, #tpu.memory_space<vmem>>
        %dma_start3A_1080 = arith.constant 0 : i32
        %dma_start3A_1081 = arith.constant 0 : i32
        %dma_start3A_1082 = tpu.memref_slice %arg3[%dma_start3A_1080, %dma_start3A_1081] : memref<100000x64xf32, #tpu.memory_space<hbm>> -> memref<100000x64xf32, #tpu.memory_space<hbm>>
        tpu.enqueue_indirect_dma source(%dma_start3A_1082 : memref<100000x64xf32, #tpu.memory_space<hbm>>) target(%arg12 : memref<128x64xf32, #tpu.memory_space<vmem>>) offsets(%dma_start3A_1079 : memref<128xi32, #tpu.memory_space<vmem>>) semaphore(%arg22 : memref<!tpu.dma_semaphore, #tpu.memory_space<semaphore_mem>>)
      } else {
      }
      %mul3A_513 = arith.constant 5 : i32
      %mul3A_514 = arith.muli %scan3A_376, %mul3A_513 : i32
      %add3A_515 = arith.constant 1 : i32
      %add3A_516 = arith.addi %mul3A_514, %add3A_515 : i32
      %add3A_517 = arith.addi %mul3A_2, %add3A_516 : i32
      %mul3A_518 = arith.constant 128 : i32
      %mul3A_519 = arith.muli %add3A_516, %mul3A_518 : i32
      %dma_wait3A_520 = tpu.memref_slice %arg7[%mul3A_519] : memref<25600xi32, #tpu.memory_space<vmem>> -> memref<128xi32, #tpu.memory_space<vmem>>
      %dma_wait3A_521 = arith.constant 0 : i32
      %dma_wait3A_522 = arith.constant 0 : i32
      %dma_wait3A_523 = tpu.memref_slice %arg3[%dma_wait3A_521, %dma_wait3A_522] : memref<100000x64xf32, #tpu.memory_space<hbm>> -> memref<100000x64xf32, #tpu.memory_space<hbm>>
      tpu.wait_indirect_dma semaphore(%arg19 : memref<!tpu.dma_semaphore, #tpu.memory_space<semaphore_mem>>) src(%dma_wait3A_523 : memref<100000x64xf32, #tpu.memory_space<hbm>>) dst(%arg9 : memref<128x64xf32, #tpu.memory_space<vmem>>)
      %jit3A_524 = arith.constant 32 : i32
      %div3A_525 = arith.divsi %add3A_517, %jit3A_524 : i32
      %sign3A_526 = arith.constant 0 : i32
      %sign3A_527 = arith.cmpi sgt, %add3A_517, %sign3A_526 : i32
      %sign3A_528 = arith.extui %sign3A_527 : i1 to i32
      %sign3A_529 = arith.constant 0 : i32
      %sign3A_530 = arith.cmpi slt, %add3A_517, %sign3A_529 : i32
      %sign3A_531 = arith.extui %sign3A_530 : i1 to i32
      %sign3A_532 = arith.subi %sign3A_528, %sign3A_531 : i32
      %sign3A_533 = arith.constant 0 : i32
      %sign3A_534 = arith.cmpi sgt, %jit3A_524, %sign3A_533 : i32
      %sign3A_535 = arith.extui %sign3A_534 : i1 to i32
      %sign3A_536 = arith.constant 0 : i32
      %sign3A_537 = arith.cmpi slt, %jit3A_524, %sign3A_536 : i32
      %sign3A_538 = arith.extui %sign3A_537 : i1 to i32
      %sign3A_539 = arith.subi %sign3A_535, %sign3A_538 : i32
      %ne3A_540 = arith.cmpi ne, %sign3A_532, %sign3A_539 : i32
      %rem3A_541 = arith.remsi %add3A_517, %jit3A_524 : i32
      %ne3A_542 = arith.constant 0 : i32
      %ne3A_543 = arith.cmpi ne, %rem3A_541, %ne3A_542 : i32
      %and3A_544 = arith.andi %ne3A_540, %ne3A_543 : i1
      %sub3A_545 = arith.constant 1 : i32
      %sub3A_546 = arith.subi %div3A_525, %sub3A_545 : i32
      %select_n3A_547 = arith.select %and3A_544, %sub3A_546, %div3A_525 : i32
      %sub3A_548 = arith.subi %select_n3A_547, %select_n3A : i32
      %get3A_549 = arith.index_cast %sub3A_548 : i32 to index
      %get3A_550 = arith.constant 0 : index
      %get3A_551 = tpu.vector_load %arg6[%get3A_549, %get3A_550] {strides = array<i32>} : memref<8x64xf32, #tpu.memory_space<vmem>>, vector<16xf32>,
      %add3A_552 = arith.constant 0 : i32
      %add3A_553 = vector.broadcast %add3A_552 : i32 to vector<16xi32>
      %add3A_554 = arith.addi %select_n3A_51, %add3A_553 : vector<16xi32>
      %parallel_loop3A_555 = arith.constant 0 : i32
      %parallel_loop3A_556 = arith.constant 128 : i32
      %parallel_loop3A_557 = arith.constant 1 : i32
      scf.for %parallel_loop3A_1073 = %parallel_loop3A_555 to %parallel_loop3A_556 step %parallel_loop3A_557  : i32 {
        %parallel_loop3A_1074 = arith.index_cast %parallel_loop3A_1073 : i32 to index
        %parallel_loop3A_1075 = arith.constant 0 : index
        %parallel_loop3A_1076 = tpu.vector_load %arg9[%parallel_loop3A_1074, %parallel_loop3A_1075] {strides = array<i32>} : memref<128x64xf32, #tpu.memory_space<vmem>>, vector<16xf32>,
        %parallel_loop3A_1077 = arith.constant 8.000000e+00 : f32
        %parallel_loop3A_1078 = vector.broadcast %parallel_loop3A_1077 : f32 to vector<16xf32>
        %parallel_loop3A_1079 = arith.mulf %parallel_loop3A_1076, %parallel_loop3A_1078 : vector<16xf32>
        %parallel_loop3A_1080 = arith.addf %parallel_loop3A_1079, %get3A_551 : vector<16xf32>
        %parallel_loop3A_1081 = vector.broadcast %parallel_loop3A_1073 : i32 to vector<16xi32>
        tpu.vector_store_idx %arg14[%add3A_554, %rem3A_54, %parallel_loop3A_1081], %parallel_loop3A_1080 : memref<8x8x133xf32, #tpu.memory_space<vmem>>[vector<16xi32>, vector<16xi32>, vector<16xi32>], vector<16xf32>,
      } {sc.loop_unroll_factor = 4 : i64, sc.parallel_access}
      %get3A_558 = arith.index_cast %sub3A_548 : i32 to index
      %get3A_559 = arith.constant 16 : index
      %get3A_560 = tpu.vector_load %arg6[%get3A_558, %get3A_559] {strides = array<i32>} : memref<8x64xf32, #tpu.memory_space<vmem>>, vector<16xf32>,
      %add3A_561 = arith.constant 2 : i32
      %add3A_562 = vector.broadcast %add3A_561 : i32 to vector<16xi32>
      %add3A_563 = arith.addi %select_n3A_51, %add3A_562 : vector<16xi32>
      %parallel_loop3A_564 = arith.constant 0 : i32
      %parallel_loop3A_565 = arith.constant 128 : i32
      %parallel_loop3A_566 = arith.constant 1 : i32
      scf.for %parallel_loop3A_1073 = %parallel_loop3A_564 to %parallel_loop3A_565 step %parallel_loop3A_566  : i32 {
        %parallel_loop3A_1074 = arith.index_cast %parallel_loop3A_1073 : i32 to index
        %parallel_loop3A_1075 = arith.constant 16 : index
        %parallel_loop3A_1076 = tpu.vector_load %arg9[%parallel_loop3A_1074, %parallel_loop3A_1075] {strides = array<i32>} : memref<128x64xf32, #tpu.memory_space<vmem>>, vector<16xf32>,
        %parallel_loop3A_1077 = arith.constant 8.000000e+00 : f32
        %parallel_loop3A_1078 = vector.broadcast %parallel_loop3A_1077 : f32 to vector<16xf32>
        %parallel_loop3A_1079 = arith.mulf %parallel_loop3A_1076, %parallel_loop3A_1078 : vector<16xf32>
        %parallel_loop3A_1080 = arith.addf %parallel_loop3A_1079, %get3A_560 : vector<16xf32>
        %parallel_loop3A_1081 = vector.broadcast %parallel_loop3A_1073 : i32 to vector<16xi32>
        tpu.vector_store_idx %arg14[%add3A_563, %rem3A_54, %parallel_loop3A_1081], %parallel_loop3A_1080 : memref<8x8x133xf32, #tpu.memory_space<vmem>>[vector<16xi32>, vector<16xi32>, vector<16xi32>], vector<16xf32>,
      } {sc.loop_unroll_factor = 4 : i64, sc.parallel_access}
      %get3A_567 = arith.index_cast %sub3A_548 : i32 to index
      %get3A_568 = arith.constant 32 : index
      %get3A_569 = tpu.vector_load %arg6[%get3A_567, %get3A_568] {strides = array<i32>} : memref<8x64xf32, #tpu.memory_space<vmem>>, vector<16xf32>,
      %add3A_570 = arith.constant 4 : i32
      %add3A_571 = vector.broadcast %add3A_570 : i32 to vector<16xi32>
      %add3A_572 = arith.addi %select_n3A_51, %add3A_571 : vector<16xi32>
      %parallel_loop3A_573 = arith.constant 0 : i32
      %parallel_loop3A_574 = arith.constant 128 : i32
      %parallel_loop3A_575 = arith.constant 1 : i32
      scf.for %parallel_loop3A_1073 = %parallel_loop3A_573 to %parallel_loop3A_574 step %parallel_loop3A_575  : i32 {
        %parallel_loop3A_1074 = arith.index_cast %parallel_loop3A_1073 : i32 to index
        %parallel_loop3A_1075 = arith.constant 32 : index
        %parallel_loop3A_1076 = tpu.vector_load %arg9[%parallel_loop3A_1074, %parallel_loop3A_1075] {strides = array<i32>} : memref<128x64xf32, #tpu.memory_space<vmem>>, vector<16xf32>,
        %parallel_loop3A_1077 = arith.constant 8.000000e+00 : f32
        %parallel_loop3A_1078 = vector.broadcast %parallel_loop3A_1077 : f32 to vector<16xf32>
        %parallel_loop3A_1079 = arith.mulf %parallel_loop3A_1076, %parallel_loop3A_1078 : vector<16xf32>
        %parallel_loop3A_1080 = arith.addf %parallel_loop3A_1079, %get3A_569 : vector<16xf32>
        %parallel_loop3A_1081 = vector.broadcast %parallel_loop3A_1073 : i32 to vector<16xi32>
        tpu.vector_store_idx %arg14[%add3A_572, %rem3A_54, %parallel_loop3A_1081], %parallel_loop3A_1080 : memref<8x8x133xf32, #tpu.memory_space<vmem>>[vector<16xi32>, vector<16xi32>, vector<16xi32>], vector<16xf32>,
      } {sc.loop_unroll_factor = 4 : i64, sc.parallel_access}
      %get3A_576 = arith.index_cast %sub3A_548 : i32 to index
      %get3A_577 = arith.constant 48 : index
      %get3A_578 = tpu.vector_load %arg6[%get3A_576, %get3A_577] {strides = array<i32>} : memref<8x64xf32, #tpu.memory_space<vmem>>, vector<16xf32>,
      %add3A_579 = arith.constant 6 : i32
      %add3A_580 = vector.broadcast %add3A_579 : i32 to vector<16xi32>
      %add3A_581 = arith.addi %select_n3A_51, %add3A_580 : vector<16xi32>
      %parallel_loop3A_582 = arith.constant 0 : i32
      %parallel_loop3A_583 = arith.constant 128 : i32
      %parallel_loop3A_584 = arith.constant 1 : i32
      scf.for %parallel_loop3A_1073 = %parallel_loop3A_582 to %parallel_loop3A_583 step %parallel_loop3A_584  : i32 {
        %parallel_loop3A_1074 = arith.index_cast %parallel_loop3A_1073 : i32 to index
        %parallel_loop3A_1075 = arith.constant 48 : index
        %parallel_loop3A_1076 = tpu.vector_load %arg9[%parallel_loop3A_1074, %parallel_loop3A_1075] {strides = array<i32>} : memref<128x64xf32, #tpu.memory_space<vmem>>, vector<16xf32>,
        %parallel_loop3A_1077 = arith.constant 8.000000e+00 : f32
        %parallel_loop3A_1078 = vector.broadcast %parallel_loop3A_1077 : f32 to vector<16xf32>
        %parallel_loop3A_1079 = arith.mulf %parallel_loop3A_1076, %parallel_loop3A_1078 : vector<16xf32>
        %parallel_loop3A_1080 = arith.addf %parallel_loop3A_1079, %get3A_578 : vector<16xf32>
        %parallel_loop3A_1081 = vector.broadcast %parallel_loop3A_1073 : i32 to vector<16xi32>
        tpu.vector_store_idx %arg14[%add3A_581, %rem3A_54, %parallel_loop3A_1081], %parallel_loop3A_1080 : memref<8x8x133xf32, #tpu.memory_space<vmem>>[vector<16xi32>, vector<16xi32>, vector<16xi32>], vector<16xf32>,
      } {sc.loop_unroll_factor = 4 : i64, sc.parallel_access}
      %add3A_585 = arith.addi %mul3A_2, %add3A_516 : i32
      %jit3A_586 = arith.constant 32 : i32
      %div3A_587 = arith.divsi %add3A_585, %jit3A_586 : i32
      %sign3A_588 = arith.constant 0 : i32
      %sign3A_589 = arith.cmpi sgt, %add3A_585, %sign3A_588 : i32
      %sign3A_590 = arith.extui %sign3A_589 : i1 to i32
      %sign3A_591 = arith.constant 0 : i32
      %sign3A_592 = arith.cmpi slt, %add3A_585, %sign3A_591 : i32
      %sign3A_593 = arith.extui %sign3A_592 : i1 to i32
      %sign3A_594 = arith.subi %sign3A_590, %sign3A_593 : i32
      %sign3A_595 = arith.constant 0 : i32
      %sign3A_596 = arith.cmpi sgt, %jit3A_586, %sign3A_595 : i32
      %sign3A_597 = arith.extui %sign3A_596 : i1 to i32
      %sign3A_598 = arith.constant 0 : i32
      %sign3A_599 = arith.cmpi slt, %jit3A_586, %sign3A_598 : i32
      %sign3A_600 = arith.extui %sign3A_599 : i1 to i32
      %sign3A_601 = arith.subi %sign3A_597, %sign3A_600 : i32
      %ne3A_602 = arith.cmpi ne, %sign3A_594, %sign3A_601 : i32
      %rem3A_603 = arith.remsi %add3A_585, %jit3A_586 : i32
      %ne3A_604 = arith.constant 0 : i32
      %ne3A_605 = arith.cmpi ne, %rem3A_603, %ne3A_604 : i32
      %and3A_606 = arith.andi %ne3A_602, %ne3A_605 : i1
      %sub3A_607 = arith.constant 1 : i32
      %sub3A_608 = arith.subi %div3A_587, %sub3A_607 : i32
      %select_n3A_609 = arith.select %and3A_606, %sub3A_608, %div3A_587 : i32
      %jit3A_610 = arith.constant 32 : i32
      %eq3A_611 = arith.constant 0 : i32
      %eq3A_612 = arith.cmpi eq, %jit3A_610, %eq3A_611 : i32
      %jit3A_613 = arith.constant 1 : i32
      %select_n3A_614 = arith.select %eq3A_612, %jit3A_613, %jit3A_610 : i32
      %rem3A_615 = arith.remsi %add3A_585, %select_n3A_614 : i32
      %ne3A_616 = arith.constant 0 : i32
      %ne3A_617 = arith.cmpi ne, %rem3A_615, %ne3A_616 : i32
      %lt3A_618 = arith.constant 0 : i32
      %lt3A_619 = arith.cmpi slt, %rem3A_615, %lt3A_618 : i32
      %lt3A_620 = arith.constant 0 : i32
      %lt3A_621 = arith.cmpi slt, %select_n3A_614, %lt3A_620 : i32
      %ne3A_622 = arith.xori %lt3A_619, %lt3A_621 : i1
      %and3A_623 = arith.andi %ne3A_622, %ne3A_617 : i1
      %add3A_624 = arith.addi %rem3A_615, %select_n3A_614 : i32
      %select_n3A_625 = arith.select %and3A_623, %add3A_624, %rem3A_615 : i32
      %dma_start3A_626 = arith.constant 0 : i32
      %dma_start3A_627 = arith.constant 0 : i32
      %dma_start3A_628 = arith.constant 0 : i32
      %dma_start3A_629 = tpu.memref_slice %arg14[%dma_start3A_626, %dma_start3A_627, %dma_start3A_628] : memref<8x8x133xf32, #tpu.memory_space<vmem>> -> memref<8x8x128xf32, #tpu.memory_space<vmem>>
      %dma_start3A_630 = arith.constant 0 : i32
      %dma_start3A_631 = arith.constant 0 : i32
      %dma_start3A_632 = arith.constant 0 : i32
      %dma_start3A_633 = tpu.memref_slice %arg5[%select_n3A_609, %dma_start3A_630, %select_n3A_625, %dma_start3A_631, %dma_start3A_632] : memref<200x8x32x8x128xf32, #tpu.memory_space<hbm>> -> memref<1x8x1x8x128xf32, #tpu.memory_space<hbm>>
      %dma_start3A_634 = tpu.memref_squeeze %dma_start3A_633 : memref<1x8x1x8x128xf32, #tpu.memory_space<hbm>> -> memref<8x8x128xf32, #tpu.memory_space<hbm>>
      %dma_start3A_635 = arith.constant 0 : i32
      %dma_start3A_636 = arith.constant 0 : i32
      %dma_start3A_637 = arith.constant 0 : i32
      %dma_start3A_638 = tpu.memref_slice %arg5[%select_n3A_609, %dma_start3A_635, %select_n3A_625, %dma_start3A_636, %dma_start3A_637] : memref<200x8x32x8x128xf32, #tpu.memory_space<hbm>> -> memref<1x8x1x8x128xf32, #tpu.memory_space<hbm>>
      %dma_start3A_639 = tpu.memref_squeeze %dma_start3A_638 : memref<1x8x1x8x128xf32, #tpu.memory_space<hbm>> -> memref<8x8x128xf32, #tpu.memory_space<hbm>>
      %dma_start3A_640 = arith.constant 0 : i32
      %dma_start3A_641 = arith.constant 0 : i32
      %dma_start3A_642 = arith.constant 0 : i32
      %dma_start3A_643 = tpu.memref_slice %arg14[%dma_start3A_640, %dma_start3A_641, %dma_start3A_642] : memref<8x8x133xf32, #tpu.memory_space<vmem>> -> memref<8x8x128xf32, #tpu.memory_space<vmem>>
      tpu.enqueue_dma source(%dma_start3A_643 : memref<8x8x128xf32, #tpu.memory_space<vmem>>) target(%dma_start3A_639 : memref<8x8x128xf32, #tpu.memory_space<hbm>>) target_semaphore(%arg24 : memref<!tpu.dma_semaphore, #tpu.memory_space<semaphore_mem>>)
      %add3A_644 = arith.constant 5 : i32
      %add3A_645 = arith.addi %add3A_516, %add3A_644 : i32
      %sub3A_646 = arith.constant 1 : i32
      %sub3A_647 = arith.subi %add3A_645, %sub3A_646 : i32
      %lt3A_648 = arith.constant 200 : i32
      %lt3A_649 = arith.cmpi slt, %sub3A_647, %lt3A_648 : i32
      %convert_element_type3A_650 = arith.extui %lt3A_649 : i1 to i32
      %cond3A_651 = arith.constant 0 : i32
      %cond3A_652 = arith.cmpi ne, %convert_element_type3A_650, %cond3A_651 : i32
      scf.if %cond3A_652 {
        %ge3A = arith.constant 1 : i32
        %ge3A_1073 = arith.cmpi sge, %add3A_516, %ge3A : i32
        %convert_element_type3A_1074 = arith.extui %ge3A_1073 : i1 to i32
        %cond3A_1075 = arith.constant 0 : i32
        %cond3A_1076 = arith.cmpi ne, %convert_element_type3A_1074, %cond3A_1075 : i32
        scf.if %cond3A_1076 {
          %sub3A_1083 = arith.constant 1 : i32
          %sub3A_1084 = arith.subi %add3A_516, %sub3A_1083 : i32
          %add3A_1085 = arith.addi %mul3A_2, %sub3A_1084 : i32
          %jit3A_1086 = arith.constant 32 : i32
          %div3A_1087 = arith.divsi %add3A_1085, %jit3A_1086 : i32
          %sign3A_1088 = arith.constant 0 : i32
          %sign3A_1089 = arith.cmpi sgt, %add3A_1085, %sign3A_1088 : i32
          %sign3A_1090 = arith.extui %sign3A_1089 : i1 to i32
          %sign3A_1091 = arith.constant 0 : i32
          %sign3A_1092 = arith.cmpi slt, %add3A_1085, %sign3A_1091 : i32
          %sign3A_1093 = arith.extui %sign3A_1092 : i1 to i32
          %sign3A_1094 = arith.subi %sign3A_1090, %sign3A_1093 : i32
          %sign3A_1095 = arith.constant 0 : i32
          %sign3A_1096 = arith.cmpi sgt, %jit3A_1086, %sign3A_1095 : i32
          %sign3A_1097 = arith.extui %sign3A_1096 : i1 to i32
          %sign3A_1098 = arith.constant 0 : i32
          %sign3A_1099 = arith.cmpi slt, %jit3A_1086, %sign3A_1098 : i32
          %sign3A_1100 = arith.extui %sign3A_1099 : i1 to i32
          %sign3A_1101 = arith.subi %sign3A_1097, %sign3A_1100 : i32
          %ne3A_1102 = arith.cmpi ne, %sign3A_1094, %sign3A_1101 : i32
          %rem3A_1103 = arith.remsi %add3A_1085, %jit3A_1086 : i32
          %ne3A_1104 = arith.constant 0 : i32
          %ne3A_1105 = arith.cmpi ne, %rem3A_1103, %ne3A_1104 : i32
          %and3A_1106 = arith.andi %ne3A_1102, %ne3A_1105 : i1
          %sub3A_1107 = arith.constant 1 : i32
          %sub3A_1108 = arith.subi %div3A_1087, %sub3A_1107 : i32
          %select_n3A_1109 = arith.select %and3A_1106, %sub3A_1108, %div3A_1087 : i32
          %jit3A_1110 = arith.constant 32 : i32
          %eq3A_1111 = arith.constant 0 : i32
          %eq3A_1112 = arith.cmpi eq, %jit3A_1110, %eq3A_1111 : i32
          %jit3A_1113 = arith.constant 1 : i32
          %select_n3A_1114 = arith.select %eq3A_1112, %jit3A_1113, %jit3A_1110 : i32
          %rem3A_1115 = arith.remsi %add3A_1085, %select_n3A_1114 : i32
          %ne3A_1116 = arith.constant 0 : i32
          %ne3A_1117 = arith.cmpi ne, %rem3A_1115, %ne3A_1116 : i32
          %lt3A_1118 = arith.constant 0 : i32
          %lt3A_1119 = arith.cmpi slt, %rem3A_1115, %lt3A_1118 : i32
          %lt3A_1120 = arith.constant 0 : i32
          %lt3A_1121 = arith.cmpi slt, %select_n3A_1114, %lt3A_1120 : i32
          %ne3A_1122 = arith.xori %lt3A_1119, %lt3A_1121 : i1
          %and3A_1123 = arith.andi %ne3A_1122, %ne3A_1117 : i1
          %add3A_1124 = arith.addi %rem3A_1115, %select_n3A_1114 : i32
          %select_n3A_1125 = arith.select %and3A_1123, %add3A_1124, %rem3A_1115 : i32
          %dma_wait3A_1126 = arith.constant 0 : i32
          %dma_wait3A_1127 = arith.constant 0 : i32
          %dma_wait3A_1128 = arith.constant 0 : i32
          %dma_wait3A_1129 = tpu.memref_slice %arg13[%dma_wait3A_1126, %dma_wait3A_1127, %dma_wait3A_1128] : memref<8x8x133xf32, #tpu.memory_space<vmem>> -> memref<8x8x128xf32, #tpu.memory_space<vmem>>
          %dma_wait3A_1130 = arith.constant 0 : i32
          %dma_wait3A_1131 = arith.constant 0 : i32
          %dma_wait3A_1132 = arith.constant 0 : i32
          %dma_wait3A_1133 = tpu.memref_slice %arg5[%select_n3A_1109, %dma_wait3A_1130, %select_n3A_1125, %dma_wait3A_1131, %dma_wait3A_1132] : memref<200x8x32x8x128xf32, #tpu.memory_space<hbm>> -> memref<1x8x1x8x128xf32, #tpu.memory_space<hbm>>
          %dma_wait3A_1134 = tpu.memref_squeeze %dma_wait3A_1133 : memref<1x8x1x8x128xf32, #tpu.memory_space<hbm>> -> memref<8x8x128xf32, #tpu.memory_space<hbm>>
          %dma_wait3A_1135 = arith.constant 0 : i32
          %dma_wait3A_1136 = arith.constant 0 : i32
          %dma_wait3A_1137 = arith.constant 0 : i32
          %dma_wait3A_1138 = tpu.memref_slice %arg5[%select_n3A_1109, %dma_wait3A_1135, %select_n3A_1125, %dma_wait3A_1136, %dma_wait3A_1137] : memref<200x8x32x8x128xf32, #tpu.memory_space<hbm>> -> memref<1x8x1x8x128xf32, #tpu.memory_space<hbm>>
          %dma_wait3A_1139 = tpu.memref_squeeze %dma_wait3A_1138 : memref<1x8x1x8x128xf32, #tpu.memory_space<hbm>> -> memref<8x8x128xf32, #tpu.memory_space<hbm>>
          %dma_wait3A_1140 = arith.constant 0 : i32
          %dma_wait3A_1141 = arith.constant 0 : i32
          %dma_wait3A_1142 = arith.constant 0 : i32
          %dma_wait3A_1143 = tpu.memref_slice %arg13[%dma_wait3A_1140, %dma_wait3A_1141, %dma_wait3A_1142] : memref<8x8x133xf32, #tpu.memory_space<vmem>> -> memref<8x8x128xf32, #tpu.memory_space<vmem>>
          tpu.wait_dma2 semaphore(%arg23 : memref<!tpu.dma_semaphore, #tpu.memory_space<semaphore_mem>>) src(%dma_wait3A_1143 : memref<8x8x128xf32, #tpu.memory_space<vmem>>) dst(%dma_wait3A_1139 : memref<8x8x128xf32, #tpu.memory_space<hbm>>)
        } else {
        }
        %mul3A_1077 = arith.constant 128 : i32
        %mul3A_1078 = arith.muli %sub3A_647, %mul3A_1077 : i32
        %dma_start3A_1079 = tpu.memref_slice %arg7[%mul3A_1078] : memref<25600xi32, #tpu.memory_space<vmem>> -> memref<128xi32, #tpu.memory_space<vmem>>
        %dma_start3A_1080 = arith.constant 0 : i32
        %dma_start3A_1081 = arith.constant 0 : i32
        %dma_start3A_1082 = tpu.memref_slice %arg3[%dma_start3A_1080, %dma_start3A_1081] : memref<100000x64xf32, #tpu.memory_space<hbm>> -> memref<100000x64xf32, #tpu.memory_space<hbm>>
        tpu.enqueue_indirect_dma source(%dma_start3A_1082 : memref<100000x64xf32, #tpu.memory_space<hbm>>) target(%arg8 : memref<128x64xf32, #tpu.memory_space<vmem>>) offsets(%dma_start3A_1079 : memref<128xi32, #tpu.memory_space<vmem>>) semaphore(%arg18 : memref<!tpu.dma_semaphore, #tpu.memory_space<semaphore_mem>>)
      } else {
      }
      %mul3A_653 = arith.constant 5 : i32
      %mul3A_654 = arith.muli %scan3A_376, %mul3A_653 : i32
      %add3A_655 = arith.constant 2 : i32
      %add3A_656 = arith.addi %mul3A_654, %add3A_655 : i32
      %add3A_657 = arith.addi %mul3A_2, %add3A_656 : i32
      %mul3A_658 = arith.constant 128 : i32
      %mul3A_659 = arith.muli %add3A_656, %mul3A_658 : i32
      %dma_wait3A_660 = tpu.memref_slice %arg7[%mul3A_659] : memref<25600xi32, #tpu.memory_space<vmem>> -> memref<128xi32, #tpu.memory_space<vmem>>
      %dma_wait3A_661 = arith.constant 0 : i32
      %dma_wait3A_662 = arith.constant 0 : i32
      %dma_wait3A_663 = tpu.memref_slice %arg3[%dma_wait3A_661, %dma_wait3A_662] : memref<100000x64xf32, #tpu.memory_space<hbm>> -> memref<100000x64xf32, #tpu.memory_space<hbm>>
      tpu.wait_indirect_dma semaphore(%arg20 : memref<!tpu.dma_semaphore, #tpu.memory_space<semaphore_mem>>) src(%dma_wait3A_663 : memref<100000x64xf32, #tpu.memory_space<hbm>>) dst(%arg10 : memref<128x64xf32, #tpu.memory_space<vmem>>)
      %jit3A_664 = arith.constant 32 : i32
      %div3A_665 = arith.divsi %add3A_657, %jit3A_664 : i32
      %sign3A_666 = arith.constant 0 : i32
      %sign3A_667 = arith.cmpi sgt, %add3A_657, %sign3A_666 : i32
      %sign3A_668 = arith.extui %sign3A_667 : i1 to i32
      %sign3A_669 = arith.constant 0 : i32
      %sign3A_670 = arith.cmpi slt, %add3A_657, %sign3A_669 : i32
      %sign3A_671 = arith.extui %sign3A_670 : i1 to i32
      %sign3A_672 = arith.subi %sign3A_668, %sign3A_671 : i32
      %sign3A_673 = arith.constant 0 : i32
      %sign3A_674 = arith.cmpi sgt, %jit3A_664, %sign3A_673 : i32
      %sign3A_675 = arith.extui %sign3A_674 : i1 to i32
      %sign3A_676 = arith.constant 0 : i32
      %sign3A_677 = arith.cmpi slt, %jit3A_664, %sign3A_676 : i32
      %sign3A_678 = arith.extui %sign3A_677 : i1 to i32
      %sign3A_679 = arith.subi %sign3A_675, %sign3A_678 : i32
      %ne3A_680 = arith.cmpi ne, %sign3A_672, %sign3A_679 : i32
      %rem3A_681 = arith.remsi %add3A_657, %jit3A_664 : i32
      %ne3A_682 = arith.constant 0 : i32
      %ne3A_683 = arith.cmpi ne, %rem3A_681, %ne3A_682 : i32
      %and3A_684 = arith.andi %ne3A_680, %ne3A_683 : i1
      %sub3A_685 = arith.constant 1 : i32
      %sub3A_686 = arith.subi %div3A_665, %sub3A_685 : i32
      %select_n3A_687 = arith.select %and3A_684, %sub3A_686, %div3A_665 : i32
      %sub3A_688 = arith.subi %select_n3A_687, %select_n3A : i32
      %get3A_689 = arith.index_cast %sub3A_688 : i32 to index
      %get3A_690 = arith.constant 0 : index
      %get3A_691 = tpu.vector_load %arg6[%get3A_689, %get3A_690] {strides = array<i32>} : memref<8x64xf32, #tpu.memory_space<vmem>>, vector<16xf32>,
      %add3A_692 = arith.constant 0 : i32
      %add3A_693 = vector.broadcast %add3A_692 : i32 to vector<16xi32>
      %add3A_694 = arith.addi %select_n3A_51, %add3A_693 : vector<16xi32>
      %parallel_loop3A_695 = arith.constant 0 : i32
      %parallel_loop3A_696 = arith.constant 128 : i32
      %parallel_loop3A_697 = arith.constant 1 : i32
      scf.for %parallel_loop3A_1073 = %parallel_loop3A_695 to %parallel_loop3A_696 step %parallel_loop3A_697  : i32 {
        %parallel_loop3A_1074 = arith.index_cast %parallel_loop3A_1073 : i32 to index
        %parallel_loop3A_1075 = arith.constant 0 : index
        %parallel_loop3A_1076 = tpu.vector_load %arg10[%parallel_loop3A_1074, %parallel_loop3A_1075] {strides = array<i32>} : memref<128x64xf32, #tpu.memory_space<vmem>>, vector<16xf32>,
        %parallel_loop3A_1077 = arith.constant 8.000000e+00 : f32
        %parallel_loop3A_1078 = vector.broadcast %parallel_loop3A_1077 : f32 to vector<16xf32>
        %parallel_loop3A_1079 = arith.mulf %parallel_loop3A_1076, %parallel_loop3A_1078 : vector<16xf32>
        %parallel_loop3A_1080 = arith.addf %parallel_loop3A_1079, %get3A_691 : vector<16xf32>
        %parallel_loop3A_1081 = vector.broadcast %parallel_loop3A_1073 : i32 to vector<16xi32>
        tpu.vector_store_idx %arg15[%add3A_694, %rem3A_54, %parallel_loop3A_1081], %parallel_loop3A_1080 : memref<8x8x133xf32, #tpu.memory_space<vmem>>[vector<16xi32>, vector<16xi32>, vector<16xi32>], vector<16xf32>,
      } {sc.loop_unroll_factor = 4 : i64, sc.parallel_access}
      %get3A_698 = arith.index_cast %sub3A_688 : i32 to index
      %get3A_699 = arith.constant 16 : index
      %get3A_700 = tpu.vector_load %arg6[%get3A_698, %get3A_699] {strides = array<i32>} : memref<8x64xf32, #tpu.memory_space<vmem>>, vector<16xf32>,
      %add3A_701 = arith.constant 2 : i32
      %add3A_702 = vector.broadcast %add3A_701 : i32 to vector<16xi32>
      %add3A_703 = arith.addi %select_n3A_51, %add3A_702 : vector<16xi32>
      %parallel_loop3A_704 = arith.constant 0 : i32
      %parallel_loop3A_705 = arith.constant 128 : i32
      %parallel_loop3A_706 = arith.constant 1 : i32
      scf.for %parallel_loop3A_1073 = %parallel_loop3A_704 to %parallel_loop3A_705 step %parallel_loop3A_706  : i32 {
        %parallel_loop3A_1074 = arith.index_cast %parallel_loop3A_1073 : i32 to index
        %parallel_loop3A_1075 = arith.constant 16 : index
        %parallel_loop3A_1076 = tpu.vector_load %arg10[%parallel_loop3A_1074, %parallel_loop3A_1075] {strides = array<i32>} : memref<128x64xf32, #tpu.memory_space<vmem>>, vector<16xf32>,
        %parallel_loop3A_1077 = arith.constant 8.000000e+00 : f32
        %parallel_loop3A_1078 = vector.broadcast %parallel_loop3A_1077 : f32 to vector<16xf32>
        %parallel_loop3A_1079 = arith.mulf %parallel_loop3A_1076, %parallel_loop3A_1078 : vector<16xf32>
        %parallel_loop3A_1080 = arith.addf %parallel_loop3A_1079, %get3A_700 : vector<16xf32>
        %parallel_loop3A_1081 = vector.broadcast %parallel_loop3A_1073 : i32 to vector<16xi32>
        tpu.vector_store_idx %arg15[%add3A_703, %rem3A_54, %parallel_loop3A_1081], %parallel_loop3A_1080 : memref<8x8x133xf32, #tpu.memory_space<vmem>>[vector<16xi32>, vector<16xi32>, vector<16xi32>], vector<16xf32>,
      } {sc.loop_unroll_factor = 4 : i64, sc.parallel_access}
      %get3A_707 = arith.index_cast %sub3A_688 : i32 to index
      %get3A_708 = arith.constant 32 : index
      %get3A_709 = tpu.vector_load %arg6[%get3A_707, %get3A_708] {strides = array<i32>} : memref<8x64xf32, #tpu.memory_space<vmem>>, vector<16xf32>,
      %add3A_710 = arith.constant 4 : i32
      %add3A_711 = vector.broadcast %add3A_710 : i32 to vector<16xi32>
      %add3A_712 = arith.addi %select_n3A_51, %add3A_711 : vector<16xi32>
      %parallel_loop3A_713 = arith.constant 0 : i32
      %parallel_loop3A_714 = arith.constant 128 : i32
      %parallel_loop3A_715 = arith.constant 1 : i32
      scf.for %parallel_loop3A_1073 = %parallel_loop3A_713 to %parallel_loop3A_714 step %parallel_loop3A_715  : i32 {
        %parallel_loop3A_1074 = arith.index_cast %parallel_loop3A_1073 : i32 to index
        %parallel_loop3A_1075 = arith.constant 32 : index
        %parallel_loop3A_1076 = tpu.vector_load %arg10[%parallel_loop3A_1074, %parallel_loop3A_1075] {strides = array<i32>} : memref<128x64xf32, #tpu.memory_space<vmem>>, vector<16xf32>,
        %parallel_loop3A_1077 = arith.constant 8.000000e+00 : f32
        %parallel_loop3A_1078 = vector.broadcast %parallel_loop3A_1077 : f32 to vector<16xf32>
        %parallel_loop3A_1079 = arith.mulf %parallel_loop3A_1076, %parallel_loop3A_1078 : vector<16xf32>
        %parallel_loop3A_1080 = arith.addf %parallel_loop3A_1079, %get3A_709 : vector<16xf32>
        %parallel_loop3A_1081 = vector.broadcast %parallel_loop3A_1073 : i32 to vector<16xi32>
        tpu.vector_store_idx %arg15[%add3A_712, %rem3A_54, %parallel_loop3A_1081], %parallel_loop3A_1080 : memref<8x8x133xf32, #tpu.memory_space<vmem>>[vector<16xi32>, vector<16xi32>, vector<16xi32>], vector<16xf32>,
      } {sc.loop_unroll_factor = 4 : i64, sc.parallel_access}
      %get3A_716 = arith.index_cast %sub3A_688 : i32 to index
      %get3A_717 = arith.constant 48 : index
      %get3A_718 = tpu.vector_load %arg6[%get3A_716, %get3A_717] {strides = array<i32>} : memref<8x64xf32, #tpu.memory_space<vmem>>, vector<16xf32>,
      %add3A_719 = arith.constant 6 : i32
      %add3A_720 = vector.broadcast %add3A_719 : i32 to vector<16xi32>
      %add3A_721 = arith.addi %select_n3A_51, %add3A_720 : vector<16xi32>
      %parallel_loop3A_722 = arith.constant 0 : i32
      %parallel_loop3A_723 = arith.constant 128 : i32
      %parallel_loop3A_724 = arith.constant 1 : i32
      scf.for %parallel_loop3A_1073 = %parallel_loop3A_722 to %parallel_loop3A_723 step %parallel_loop3A_724  : i32 {
        %parallel_loop3A_1074 = arith.index_cast %parallel_loop3A_1073 : i32 to index
        %parallel_loop3A_1075 = arith.constant 48 : index
        %parallel_loop3A_1076 = tpu.vector_load %arg10[%parallel_loop3A_1074, %parallel_loop3A_1075] {strides = array<i32>} : memref<128x64xf32, #tpu.memory_space<vmem>>, vector<16xf32>,
        %parallel_loop3A_1077 = arith.constant 8.000000e+00 : f32
        %parallel_loop3A_1078 = vector.broadcast %parallel_loop3A_1077 : f32 to vector<16xf32>
        %parallel_loop3A_1079 = arith.mulf %parallel_loop3A_1076, %parallel_loop3A_1078 : vector<16xf32>
        %parallel_loop3A_1080 = arith.addf %parallel_loop3A_1079, %get3A_718 : vector<16xf32>
        %parallel_loop3A_1081 = vector.broadcast %parallel_loop3A_1073 : i32 to vector<16xi32>
        tpu.vector_store_idx %arg15[%add3A_721, %rem3A_54, %parallel_loop3A_1081], %parallel_loop3A_1080 : memref<8x8x133xf32, #tpu.memory_space<vmem>>[vector<16xi32>, vector<16xi32>, vector<16xi32>], vector<16xf32>,
      } {sc.loop_unroll_factor = 4 : i64, sc.parallel_access}
      %add3A_725 = arith.addi %mul3A_2, %add3A_656 : i32
      %jit3A_726 = arith.constant 32 : i32
      %div3A_727 = arith.divsi %add3A_725, %jit3A_726 : i32
      %sign3A_728 = arith.constant 0 : i32
      %sign3A_729 = arith.cmpi sgt, %add3A_725, %sign3A_728 : i32
      %sign3A_730 = arith.extui %sign3A_729 : i1 to i32
      %sign3A_731 = arith.constant 0 : i32
      %sign3A_732 = arith.cmpi slt, %add3A_725, %sign3A_731 : i32
      %sign3A_733 = arith.extui %sign3A_732 : i1 to i32
      %sign3A_734 = arith.subi %sign3A_730, %sign3A_733 : i32
      %sign3A_735 = arith.constant 0 : i32
      %sign3A_736 = arith.cmpi sgt, %jit3A_726, %sign3A_735 : i32
      %sign3A_737 = arith.extui %sign3A_736 : i1 to i32
      %sign3A_738 = arith.constant 0 : i32
      %sign3A_739 = arith.cmpi slt, %jit3A_726, %sign3A_738 : i32
      %sign3A_740 = arith.extui %sign3A_739 : i1 to i32
      %sign3A_741 = arith.subi %sign3A_737, %sign3A_740 : i32
      %ne3A_742 = arith.cmpi ne, %sign3A_734, %sign3A_741 : i32
      %rem3A_743 = arith.remsi %add3A_725, %jit3A_726 : i32
      %ne3A_744 = arith.constant 0 : i32
      %ne3A_745 = arith.cmpi ne, %rem3A_743, %ne3A_744 : i32
      %and3A_746 = arith.andi %ne3A_742, %ne3A_745 : i1
      %sub3A_747 = arith.constant 1 : i32
      %sub3A_748 = arith.subi %div3A_727, %sub3A_747 : i32
      %select_n3A_749 = arith.select %and3A_746, %sub3A_748, %div3A_727 : i32
      %jit3A_750 = arith.constant 32 : i32
      %eq3A_751 = arith.constant 0 : i32
      %eq3A_752 = arith.cmpi eq, %jit3A_750, %eq3A_751 : i32
      %jit3A_753 = arith.constant 1 : i32
      %select_n3A_754 = arith.select %eq3A_752, %jit3A_753, %jit3A_750 : i32
      %rem3A_755 = arith.remsi %add3A_725, %select_n3A_754 : i32
      %ne3A_756 = arith.constant 0 : i32
      %ne3A_757 = arith.cmpi ne, %rem3A_755, %ne3A_756 : i32
      %lt3A_758 = arith.constant 0 : i32
      %lt3A_759 = arith.cmpi slt, %rem3A_755, %lt3A_758 : i32
      %lt3A_760 = arith.constant 0 : i32
      %lt3A_761 = arith.cmpi slt, %select_n3A_754, %lt3A_760 : i32
      %ne3A_762 = arith.xori %lt3A_759, %lt3A_761 : i1
      %and3A_763 = arith.andi %ne3A_762, %ne3A_757 : i1
      %add3A_764 = arith.addi %rem3A_755, %select_n3A_754 : i32
      %select_n3A_765 = arith.select %and3A_763, %add3A_764, %rem3A_755 : i32
      %dma_start3A_766 = arith.constant 0 : i32
      %dma_start3A_767 = arith.constant 0 : i32
      %dma_start3A_768 = arith.constant 0 : i32
      %dma_start3A_769 = tpu.memref_slice %arg15[%dma_start3A_766, %dma_start3A_767, %dma_start3A_768] : memref<8x8x133xf32, #tpu.memory_space<vmem>> -> memref<8x8x128xf32, #tpu.memory_space<vmem>>
      %dma_start3A_770 = arith.constant 0 : i32
      %dma_start3A_771 = arith.constant 0 : i32
      %dma_start3A_772 = arith.constant 0 : i32
      %dma_start3A_773 = tpu.memref_slice %arg5[%select_n3A_749, %dma_start3A_770, %select_n3A_765, %dma_start3A_771, %dma_start3A_772] : memref<200x8x32x8x128xf32, #tpu.memory_space<hbm>> -> memref<1x8x1x8x128xf32, #tpu.memory_space<hbm>>
      %dma_start3A_774 = tpu.memref_squeeze %dma_start3A_773 : memref<1x8x1x8x128xf32, #tpu.memory_space<hbm>> -> memref<8x8x128xf32, #tpu.memory_space<hbm>>
      %dma_start3A_775 = arith.constant 0 : i32
      %dma_start3A_776 = arith.constant 0 : i32
      %dma_start3A_777 = arith.constant 0 : i32
      %dma_start3A_778 = tpu.memref_slice %arg5[%select_n3A_749, %dma_start3A_775, %select_n3A_765, %dma_start3A_776, %dma_start3A_777] : memref<200x8x32x8x128xf32, #tpu.memory_space<hbm>> -> memref<1x8x1x8x128xf32, #tpu.memory_space<hbm>>
      %dma_start3A_779 = tpu.memref_squeeze %dma_start3A_778 : memref<1x8x1x8x128xf32, #tpu.memory_space<hbm>> -> memref<8x8x128xf32, #tpu.memory_space<hbm>>
      %dma_start3A_780 = arith.constant 0 : i32
      %dma_start3A_781 = arith.constant 0 : i32
      %dma_start3A_782 = arith.constant 0 : i32
      %dma_start3A_783 = tpu.memref_slice %arg15[%dma_start3A_780, %dma_start3A_781, %dma_start3A_782] : memref<8x8x133xf32, #tpu.memory_space<vmem>> -> memref<8x8x128xf32, #tpu.memory_space<vmem>>
      tpu.enqueue_dma source(%dma_start3A_783 : memref<8x8x128xf32, #tpu.memory_space<vmem>>) target(%dma_start3A_779 : memref<8x8x128xf32, #tpu.memory_space<hbm>>) target_semaphore(%arg25 : memref<!tpu.dma_semaphore, #tpu.memory_space<semaphore_mem>>)
      %add3A_784 = arith.constant 5 : i32
      %add3A_785 = arith.addi %add3A_656, %add3A_784 : i32
      %sub3A_786 = arith.constant 1 : i32
      %sub3A_787 = arith.subi %add3A_785, %sub3A_786 : i32
      %lt3A_788 = arith.constant 200 : i32
      %lt3A_789 = arith.cmpi slt, %sub3A_787, %lt3A_788 : i32
      %convert_element_type3A_790 = arith.extui %lt3A_789 : i1 to i32
      %cond3A_791 = arith.constant 0 : i32
      %cond3A_792 = arith.cmpi ne, %convert_element_type3A_790, %cond3A_791 : i32
      scf.if %cond3A_792 {
        %ge3A = arith.constant 1 : i32
        %ge3A_1073 = arith.cmpi sge, %add3A_656, %ge3A : i32
        %convert_element_type3A_1074 = arith.extui %ge3A_1073 : i1 to i32
        %cond3A_1075 = arith.constant 0 : i32
        %cond3A_1076 = arith.cmpi ne, %convert_element_type3A_1074, %cond3A_1075 : i32
        scf.if %cond3A_1076 {
          %sub3A_1083 = arith.constant 1 : i32
          %sub3A_1084 = arith.subi %add3A_656, %sub3A_1083 : i32
          %add3A_1085 = arith.addi %mul3A_2, %sub3A_1084 : i32
          %jit3A_1086 = arith.constant 32 : i32
          %div3A_1087 = arith.divsi %add3A_1085, %jit3A_1086 : i32
          %sign3A_1088 = arith.constant 0 : i32
          %sign3A_1089 = arith.cmpi sgt, %add3A_1085, %sign3A_1088 : i32
          %sign3A_1090 = arith.extui %sign3A_1089 : i1 to i32
          %sign3A_1091 = arith.constant 0 : i32
          %sign3A_1092 = arith.cmpi slt, %add3A_1085, %sign3A_1091 : i32
          %sign3A_1093 = arith.extui %sign3A_1092 : i1 to i32
          %sign3A_1094 = arith.subi %sign3A_1090, %sign3A_1093 : i32
          %sign3A_1095 = arith.constant 0 : i32
          %sign3A_1096 = arith.cmpi sgt, %jit3A_1086, %sign3A_1095 : i32
          %sign3A_1097 = arith.extui %sign3A_1096 : i1 to i32
          %sign3A_1098 = arith.constant 0 : i32
          %sign3A_1099 = arith.cmpi slt, %jit3A_1086, %sign3A_1098 : i32
          %sign3A_1100 = arith.extui %sign3A_1099 : i1 to i32
          %sign3A_1101 = arith.subi %sign3A_1097, %sign3A_1100 : i32
          %ne3A_1102 = arith.cmpi ne, %sign3A_1094, %sign3A_1101 : i32
          %rem3A_1103 = arith.remsi %add3A_1085, %jit3A_1086 : i32
          %ne3A_1104 = arith.constant 0 : i32
          %ne3A_1105 = arith.cmpi ne, %rem3A_1103, %ne3A_1104 : i32
          %and3A_1106 = arith.andi %ne3A_1102, %ne3A_1105 : i1
          %sub3A_1107 = arith.constant 1 : i32
          %sub3A_1108 = arith.subi %div3A_1087, %sub3A_1107 : i32
          %select_n3A_1109 = arith.select %and3A_1106, %sub3A_1108, %div3A_1087 : i32
          %jit3A_1110 = arith.constant 32 : i32
          %eq3A_1111 = arith.constant 0 : i32
          %eq3A_1112 = arith.cmpi eq, %jit3A_1110, %eq3A_1111 : i32
          %jit3A_1113 = arith.constant 1 : i32
          %select_n3A_1114 = arith.select %eq3A_1112, %jit3A_1113, %jit3A_1110 : i32
          %rem3A_1115 = arith.remsi %add3A_1085, %select_n3A_1114 : i32
          %ne3A_1116 = arith.constant 0 : i32
          %ne3A_1117 = arith.cmpi ne, %rem3A_1115, %ne3A_1116 : i32
          %lt3A_1118 = arith.constant 0 : i32
          %lt3A_1119 = arith.cmpi slt, %rem3A_1115, %lt3A_1118 : i32
          %lt3A_1120 = arith.constant 0 : i32
          %lt3A_1121 = arith.cmpi slt, %select_n3A_1114, %lt3A_1120 : i32
          %ne3A_1122 = arith.xori %lt3A_1119, %lt3A_1121 : i1
          %and3A_1123 = arith.andi %ne3A_1122, %ne3A_1117 : i1
          %add3A_1124 = arith.addi %rem3A_1115, %select_n3A_1114 : i32
          %select_n3A_1125 = arith.select %and3A_1123, %add3A_1124, %rem3A_1115 : i32
          %dma_wait3A_1126 = arith.constant 0 : i32
          %dma_wait3A_1127 = arith.constant 0 : i32
          %dma_wait3A_1128 = arith.constant 0 : i32
          %dma_wait3A_1129 = tpu.memref_slice %arg14[%dma_wait3A_1126, %dma_wait3A_1127, %dma_wait3A_1128] : memref<8x8x133xf32, #tpu.memory_space<vmem>> -> memref<8x8x128xf32, #tpu.memory_space<vmem>>
          %dma_wait3A_1130 = arith.constant 0 : i32
          %dma_wait3A_1131 = arith.constant 0 : i32
          %dma_wait3A_1132 = arith.constant 0 : i32
          %dma_wait3A_1133 = tpu.memref_slice %arg5[%select_n3A_1109, %dma_wait3A_1130, %select_n3A_1125, %dma_wait3A_1131, %dma_wait3A_1132] : memref<200x8x32x8x128xf32, #tpu.memory_space<hbm>> -> memref<1x8x1x8x128xf32, #tpu.memory_space<hbm>>
          %dma_wait3A_1134 = tpu.memref_squeeze %dma_wait3A_1133 : memref<1x8x1x8x128xf32, #tpu.memory_space<hbm>> -> memref<8x8x128xf32, #tpu.memory_space<hbm>>
          %dma_wait3A_1135 = arith.constant 0 : i32
          %dma_wait3A_1136 = arith.constant 0 : i32
          %dma_wait3A_1137 = arith.constant 0 : i32
          %dma_wait3A_1138 = tpu.memref_slice %arg5[%select_n3A_1109, %dma_wait3A_1135, %select_n3A_1125, %dma_wait3A_1136, %dma_wait3A_1137] : memref<200x8x32x8x128xf32, #tpu.memory_space<hbm>> -> memref<1x8x1x8x128xf32, #tpu.memory_space<hbm>>
          %dma_wait3A_1139 = tpu.memref_squeeze %dma_wait3A_1138 : memref<1x8x1x8x128xf32, #tpu.memory_space<hbm>> -> memref<8x8x128xf32, #tpu.memory_space<hbm>>
          %dma_wait3A_1140 = arith.constant 0 : i32
          %dma_wait3A_1141 = arith.constant 0 : i32
          %dma_wait3A_1142 = arith.constant 0 : i32
          %dma_wait3A_1143 = tpu.memref_slice %arg14[%dma_wait3A_1140, %dma_wait3A_1141, %dma_wait3A_1142] : memref<8x8x133xf32, #tpu.memory_space<vmem>> -> memref<8x8x128xf32, #tpu.memory_space<vmem>>
          tpu.wait_dma2 semaphore(%arg24 : memref<!tpu.dma_semaphore, #tpu.memory_space<semaphore_mem>>) src(%dma_wait3A_1143 : memref<8x8x128xf32, #tpu.memory_space<vmem>>) dst(%dma_wait3A_1139 : memref<8x8x128xf32, #tpu.memory_space<hbm>>)
        } else {
        }
        %mul3A_1077 = arith.constant 128 : i32
        %mul3A_1078 = arith.muli %sub3A_787, %mul3A_1077 : i32
        %dma_start3A_1079 = tpu.memref_slice %arg7[%mul3A_1078] : memref<25600xi32, #tpu.memory_space<vmem>> -> memref<128xi32, #tpu.memory_space<vmem>>
        %dma_start3A_1080 = arith.constant 0 : i32
        %dma_start3A_1081 = arith.constant 0 : i32
        %dma_start3A_1082 = tpu.memref_slice %arg3[%dma_start3A_1080, %dma_start3A_1081] : memref<100000x64xf32, #tpu.memory_space<hbm>> -> memref<100000x64xf32, #tpu.memory_space<hbm>>
        tpu.enqueue_indirect_dma source(%dma_start3A_1082 : memref<100000x64xf32, #tpu.memory_space<hbm>>) target(%arg9 : memref<128x64xf32, #tpu.memory_space<vmem>>) offsets(%dma_start3A_1079 : memref<128xi32, #tpu.memory_space<vmem>>) semaphore(%arg19 : memref<!tpu.dma_semaphore, #tpu.memory_space<semaphore_mem>>)
      } else {
      }
      %mul3A_793 = arith.constant 5 : i32
      %mul3A_794 = arith.muli %scan3A_376, %mul3A_793 : i32
      %add3A_795 = arith.constant 3 : i32
      %add3A_796 = arith.addi %mul3A_794, %add3A_795 : i32
      %add3A_797 = arith.addi %mul3A_2, %add3A_796 : i32
      %mul3A_798 = arith.constant 128 : i32
      %mul3A_799 = arith.muli %add3A_796, %mul3A_798 : i32
      %dma_wait3A_800 = tpu.memref_slice %arg7[%mul3A_799] : memref<25600xi32, #tpu.memory_space<vmem>> -> memref<128xi32, #tpu.memory_space<vmem>>
      %dma_wait3A_801 = arith.constant 0 : i32
      %dma_wait3A_802 = arith.constant 0 : i32
      %dma_wait3A_803 = tpu.memref_slice %arg3[%dma_wait3A_801, %dma_wait3A_802] : memref<100000x64xf32, #tpu.memory_space<hbm>> -> memref<100000x64xf32, #tpu.memory_space<hbm>>
      tpu.wait_indirect_dma semaphore(%arg21 : memref<!tpu.dma_semaphore, #tpu.memory_space<semaphore_mem>>) src(%dma_wait3A_803 : memref<100000x64xf32, #tpu.memory_space<hbm>>) dst(%arg11 : memref<128x64xf32, #tpu.memory_space<vmem>>)
      %jit3A_804 = arith.constant 32 : i32
      %div3A_805 = arith.divsi %add3A_797, %jit3A_804 : i32
      %sign3A_806 = arith.constant 0 : i32
      %sign3A_807 = arith.cmpi sgt, %add3A_797, %sign3A_806 : i32
      %sign3A_808 = arith.extui %sign3A_807 : i1 to i32
      %sign3A_809 = arith.constant 0 : i32
      %sign3A_810 = arith.cmpi slt, %add3A_797, %sign3A_809 : i32
      %sign3A_811 = arith.extui %sign3A_810 : i1 to i32
      %sign3A_812 = arith.subi %sign3A_808, %sign3A_811 : i32
      %sign3A_813 = arith.constant 0 : i32
      %sign3A_814 = arith.cmpi sgt, %jit3A_804, %sign3A_813 : i32
      %sign3A_815 = arith.extui %sign3A_814 : i1 to i32
      %sign3A_816 = arith.constant 0 : i32
      %sign3A_817 = arith.cmpi slt, %jit3A_804, %sign3A_816 : i32
      %sign3A_818 = arith.extui %sign3A_817 : i1 to i32
      %sign3A_819 = arith.subi %sign3A_815, %sign3A_818 : i32
      %ne3A_820 = arith.cmpi ne, %sign3A_812, %sign3A_819 : i32
      %rem3A_821 = arith.remsi %add3A_797, %jit3A_804 : i32
      %ne3A_822 = arith.constant 0 : i32
      %ne3A_823 = arith.cmpi ne, %rem3A_821, %ne3A_822 : i32
      %and3A_824 = arith.andi %ne3A_820, %ne3A_823 : i1
      %sub3A_825 = arith.constant 1 : i32
      %sub3A_826 = arith.subi %div3A_805, %sub3A_825 : i32
      %select_n3A_827 = arith.select %and3A_824, %sub3A_826, %div3A_805 : i32
      %sub3A_828 = arith.subi %select_n3A_827, %select_n3A : i32
      %get3A_829 = arith.index_cast %sub3A_828 : i32 to index
      %get3A_830 = arith.constant 0 : index
      %get3A_831 = tpu.vector_load %arg6[%get3A_829, %get3A_830] {strides = array<i32>} : memref<8x64xf32, #tpu.memory_space<vmem>>, vector<16xf32>,
      %add3A_832 = arith.constant 0 : i32
      %add3A_833 = vector.broadcast %add3A_832 : i32 to vector<16xi32>
      %add3A_834 = arith.addi %select_n3A_51, %add3A_833 : vector<16xi32>
      %parallel_loop3A_835 = arith.constant 0 : i32
      %parallel_loop3A_836 = arith.constant 128 : i32
      %parallel_loop3A_837 = arith.constant 1 : i32
      scf.for %parallel_loop3A_1073 = %parallel_loop3A_835 to %parallel_loop3A_836 step %parallel_loop3A_837  : i32 {
        %parallel_loop3A_1074 = arith.index_cast %parallel_loop3A_1073 : i32 to index
        %parallel_loop3A_1075 = arith.constant 0 : index
        %parallel_loop3A_1076 = tpu.vector_load %arg11[%parallel_loop3A_1074, %parallel_loop3A_1075] {strides = array<i32>} : memref<128x64xf32, #tpu.memory_space<vmem>>, vector<16xf32>,
        %parallel_loop3A_1077 = arith.constant 8.000000e+00 : f32
        %parallel_loop3A_1078 = vector.broadcast %parallel_loop3A_1077 : f32 to vector<16xf32>
        %parallel_loop3A_1079 = arith.mulf %parallel_loop3A_1076, %parallel_loop3A_1078 : vector<16xf32>
        %parallel_loop3A_1080 = arith.addf %parallel_loop3A_1079, %get3A_831 : vector<16xf32>
        %parallel_loop3A_1081 = vector.broadcast %parallel_loop3A_1073 : i32 to vector<16xi32>
        tpu.vector_store_idx %arg16[%add3A_834, %rem3A_54, %parallel_loop3A_1081], %parallel_loop3A_1080 : memref<8x8x133xf32, #tpu.memory_space<vmem>>[vector<16xi32>, vector<16xi32>, vector<16xi32>], vector<16xf32>,
      } {sc.loop_unroll_factor = 4 : i64, sc.parallel_access}
      %get3A_838 = arith.index_cast %sub3A_828 : i32 to index
      %get3A_839 = arith.constant 16 : index
      %get3A_840 = tpu.vector_load %arg6[%get3A_838, %get3A_839] {strides = array<i32>} : memref<8x64xf32, #tpu.memory_space<vmem>>, vector<16xf32>,
      %add3A_841 = arith.constant 2 : i32
      %add3A_842 = vector.broadcast %add3A_841 : i32 to vector<16xi32>
      %add3A_843 = arith.addi %select_n3A_51, %add3A_842 : vector<16xi32>
      %parallel_loop3A_844 = arith.constant 0 : i32
      %parallel_loop3A_845 = arith.constant 128 : i32
      %parallel_loop3A_846 = arith.constant 1 : i32
      scf.for %parallel_loop3A_1073 = %parallel_loop3A_844 to %parallel_loop3A_845 step %parallel_loop3A_846  : i32 {
        %parallel_loop3A_1074 = arith.index_cast %parallel_loop3A_1073 : i32 to index
        %parallel_loop3A_1075 = arith.constant 16 : index
        %parallel_loop3A_1076 = tpu.vector_load %arg11[%parallel_loop3A_1074, %parallel_loop3A_1075] {strides = array<i32>} : memref<128x64xf32, #tpu.memory_space<vmem>>, vector<16xf32>,
        %parallel_loop3A_1077 = arith.constant 8.000000e+00 : f32
        %parallel_loop3A_1078 = vector.broadcast %parallel_loop3A_1077 : f32 to vector<16xf32>
        %parallel_loop3A_1079 = arith.mulf %parallel_loop3A_1076, %parallel_loop3A_1078 : vector<16xf32>
        %parallel_loop3A_1080 = arith.addf %parallel_loop3A_1079, %get3A_840 : vector<16xf32>
        %parallel_loop3A_1081 = vector.broadcast %parallel_loop3A_1073 : i32 to vector<16xi32>
        tpu.vector_store_idx %arg16[%add3A_843, %rem3A_54, %parallel_loop3A_1081], %parallel_loop3A_1080 : memref<8x8x133xf32, #tpu.memory_space<vmem>>[vector<16xi32>, vector<16xi32>, vector<16xi32>], vector<16xf32>,
      } {sc.loop_unroll_factor = 4 : i64, sc.parallel_access}
      %get3A_847 = arith.index_cast %sub3A_828 : i32 to index
      %get3A_848 = arith.constant 32 : index
      %get3A_849 = tpu.vector_load %arg6[%get3A_847, %get3A_848] {strides = array<i32>} : memref<8x64xf32, #tpu.memory_space<vmem>>, vector<16xf32>,
      %add3A_850 = arith.constant 4 : i32
      %add3A_851 = vector.broadcast %add3A_850 : i32 to vector<16xi32>
      %add3A_852 = arith.addi %select_n3A_51, %add3A_851 : vector<16xi32>
      %parallel_loop3A_853 = arith.constant 0 : i32
      %parallel_loop3A_854 = arith.constant 128 : i32
      %parallel_loop3A_855 = arith.constant 1 : i32
      scf.for %parallel_loop3A_1073 = %parallel_loop3A_853 to %parallel_loop3A_854 step %parallel_loop3A_855  : i32 {
        %parallel_loop3A_1074 = arith.index_cast %parallel_loop3A_1073 : i32 to index
        %parallel_loop3A_1075 = arith.constant 32 : index
        %parallel_loop3A_1076 = tpu.vector_load %arg11[%parallel_loop3A_1074, %parallel_loop3A_1075] {strides = array<i32>} : memref<128x64xf32, #tpu.memory_space<vmem>>, vector<16xf32>,
        %parallel_loop3A_1077 = arith.constant 8.000000e+00 : f32
        %parallel_loop3A_1078 = vector.broadcast %parallel_loop3A_1077 : f32 to vector<16xf32>
        %parallel_loop3A_1079 = arith.mulf %parallel_loop3A_1076, %parallel_loop3A_1078 : vector<16xf32>
        %parallel_loop3A_1080 = arith.addf %parallel_loop3A_1079, %get3A_849 : vector<16xf32>
        %parallel_loop3A_1081 = vector.broadcast %parallel_loop3A_1073 : i32 to vector<16xi32>
        tpu.vector_store_idx %arg16[%add3A_852, %rem3A_54, %parallel_loop3A_1081], %parallel_loop3A_1080 : memref<8x8x133xf32, #tpu.memory_space<vmem>>[vector<16xi32>, vector<16xi32>, vector<16xi32>], vector<16xf32>,
      } {sc.loop_unroll_factor = 4 : i64, sc.parallel_access}
      %get3A_856 = arith.index_cast %sub3A_828 : i32 to index
      %get3A_857 = arith.constant 48 : index
      %get3A_858 = tpu.vector_load %arg6[%get3A_856, %get3A_857] {strides = array<i32>} : memref<8x64xf32, #tpu.memory_space<vmem>>, vector<16xf32>,
      %add3A_859 = arith.constant 6 : i32
      %add3A_860 = vector.broadcast %add3A_859 : i32 to vector<16xi32>
      %add3A_861 = arith.addi %select_n3A_51, %add3A_860 : vector<16xi32>
      %parallel_loop3A_862 = arith.constant 0 : i32
      %parallel_loop3A_863 = arith.constant 128 : i32
      %parallel_loop3A_864 = arith.constant 1 : i32
      scf.for %parallel_loop3A_1073 = %parallel_loop3A_862 to %parallel_loop3A_863 step %parallel_loop3A_864  : i32 {
        %parallel_loop3A_1074 = arith.index_cast %parallel_loop3A_1073 : i32 to index
        %parallel_loop3A_1075 = arith.constant 48 : index
        %parallel_loop3A_1076 = tpu.vector_load %arg11[%parallel_loop3A_1074, %parallel_loop3A_1075] {strides = array<i32>} : memref<128x64xf32, #tpu.memory_space<vmem>>, vector<16xf32>,
        %parallel_loop3A_1077 = arith.constant 8.000000e+00 : f32
        %parallel_loop3A_1078 = vector.broadcast %parallel_loop3A_1077 : f32 to vector<16xf32>
        %parallel_loop3A_1079 = arith.mulf %parallel_loop3A_1076, %parallel_loop3A_1078 : vector<16xf32>
        %parallel_loop3A_1080 = arith.addf %parallel_loop3A_1079, %get3A_858 : vector<16xf32>
        %parallel_loop3A_1081 = vector.broadcast %parallel_loop3A_1073 : i32 to vector<16xi32>
        tpu.vector_store_idx %arg16[%add3A_861, %rem3A_54, %parallel_loop3A_1081], %parallel_loop3A_1080 : memref<8x8x133xf32, #tpu.memory_space<vmem>>[vector<16xi32>, vector<16xi32>, vector<16xi32>], vector<16xf32>,
      } {sc.loop_unroll_factor = 4 : i64, sc.parallel_access}
      %add3A_865 = arith.addi %mul3A_2, %add3A_796 : i32
      %jit3A_866 = arith.constant 32 : i32
      %div3A_867 = arith.divsi %add3A_865, %jit3A_866 : i32
      %sign3A_868 = arith.constant 0 : i32
      %sign3A_869 = arith.cmpi sgt, %add3A_865, %sign3A_868 : i32
      %sign3A_870 = arith.extui %sign3A_869 : i1 to i32
      %sign3A_871 = arith.constant 0 : i32
      %sign3A_872 = arith.cmpi slt, %add3A_865, %sign3A_871 : i32
      %sign3A_873 = arith.extui %sign3A_872 : i1 to i32
      %sign3A_874 = arith.subi %sign3A_870, %sign3A_873 : i32
      %sign3A_875 = arith.constant 0 : i32
      %sign3A_876 = arith.cmpi sgt, %jit3A_866, %sign3A_875 : i32
      %sign3A_877 = arith.extui %sign3A_876 : i1 to i32
      %sign3A_878 = arith.constant 0 : i32
      %sign3A_879 = arith.cmpi slt, %jit3A_866, %sign3A_878 : i32
      %sign3A_880 = arith.extui %sign3A_879 : i1 to i32
      %sign3A_881 = arith.subi %sign3A_877, %sign3A_880 : i32
      %ne3A_882 = arith.cmpi ne, %sign3A_874, %sign3A_881 : i32
      %rem3A_883 = arith.remsi %add3A_865, %jit3A_866 : i32
      %ne3A_884 = arith.constant 0 : i32
      %ne3A_885 = arith.cmpi ne, %rem3A_883, %ne3A_884 : i32
      %and3A_886 = arith.andi %ne3A_882, %ne3A_885 : i1
      %sub3A_887 = arith.constant 1 : i32
      %sub3A_888 = arith.subi %div3A_867, %sub3A_887 : i32
      %select_n3A_889 = arith.select %and3A_886, %sub3A_888, %div3A_867 : i32
      %jit3A_890 = arith.constant 32 : i32
      %eq3A_891 = arith.constant 0 : i32
      %eq3A_892 = arith.cmpi eq, %jit3A_890, %eq3A_891 : i32
      %jit3A_893 = arith.constant 1 : i32
      %select_n3A_894 = arith.select %eq3A_892, %jit3A_893, %jit3A_890 : i32
      %rem3A_895 = arith.remsi %add3A_865, %select_n3A_894 : i32
      %ne3A_896 = arith.constant 0 : i32
      %ne3A_897 = arith.cmpi ne, %rem3A_895, %ne3A_896 : i32
      %lt3A_898 = arith.constant 0 : i32
      %lt3A_899 = arith.cmpi slt, %rem3A_895, %lt3A_898 : i32
      %lt3A_900 = arith.constant 0 : i32
      %lt3A_901 = arith.cmpi slt, %select_n3A_894, %lt3A_900 : i32
      %ne3A_902 = arith.xori %lt3A_899, %lt3A_901 : i1
      %and3A_903 = arith.andi %ne3A_902, %ne3A_897 : i1
      %add3A_904 = arith.addi %rem3A_895, %select_n3A_894 : i32
      %select_n3A_905 = arith.select %and3A_903, %add3A_904, %rem3A_895 : i32
      %dma_start3A_906 = arith.constant 0 : i32
      %dma_start3A_907 = arith.constant 0 : i32
      %dma_start3A_908 = arith.constant 0 : i32
      %dma_start3A_909 = tpu.memref_slice %arg16[%dma_start3A_906, %dma_start3A_907, %dma_start3A_908] : memref<8x8x133xf32, #tpu.memory_space<vmem>> -> memref<8x8x128xf32, #tpu.memory_space<vmem>>
      %dma_start3A_910 = arith.constant 0 : i32
      %dma_start3A_911 = arith.constant 0 : i32
      %dma_start3A_912 = arith.constant 0 : i32
      %dma_start3A_913 = tpu.memref_slice %arg5[%select_n3A_889, %dma_start3A_910, %select_n3A_905, %dma_start3A_911, %dma_start3A_912] : memref<200x8x32x8x128xf32, #tpu.memory_space<hbm>> -> memref<1x8x1x8x128xf32, #tpu.memory_space<hbm>>
      %dma_start3A_914 = tpu.memref_squeeze %dma_start3A_913 : memref<1x8x1x8x128xf32, #tpu.memory_space<hbm>> -> memref<8x8x128xf32, #tpu.memory_space<hbm>>
      %dma_start3A_915 = arith.constant 0 : i32
      %dma_start3A_916 = arith.constant 0 : i32
      %dma_start3A_917 = arith.constant 0 : i32
      %dma_start3A_918 = tpu.memref_slice %arg5[%select_n3A_889, %dma_start3A_915, %select_n3A_905, %dma_start3A_916, %dma_start3A_917] : memref<200x8x32x8x128xf32, #tpu.memory_space<hbm>> -> memref<1x8x1x8x128xf32, #tpu.memory_space<hbm>>
      %dma_start3A_919 = tpu.memref_squeeze %dma_start3A_918 : memref<1x8x1x8x128xf32, #tpu.memory_space<hbm>> -> memref<8x8x128xf32, #tpu.memory_space<hbm>>
      %dma_start3A_920 = arith.constant 0 : i32
      %dma_start3A_921 = arith.constant 0 : i32
      %dma_start3A_922 = arith.constant 0 : i32
      %dma_start3A_923 = tpu.memref_slice %arg16[%dma_start3A_920, %dma_start3A_921, %dma_start3A_922] : memref<8x8x133xf32, #tpu.memory_space<vmem>> -> memref<8x8x128xf32, #tpu.memory_space<vmem>>
      tpu.enqueue_dma source(%dma_start3A_923 : memref<8x8x128xf32, #tpu.memory_space<vmem>>) target(%dma_start3A_919 : memref<8x8x128xf32, #tpu.memory_space<hbm>>) target_semaphore(%arg26 : memref<!tpu.dma_semaphore, #tpu.memory_space<semaphore_mem>>)
      %add3A_924 = arith.constant 5 : i32
      %add3A_925 = arith.addi %add3A_796, %add3A_924 : i32
      %sub3A_926 = arith.constant 1 : i32
      %sub3A_927 = arith.subi %add3A_925, %sub3A_926 : i32
      %lt3A_928 = arith.constant 200 : i32
      %lt3A_929 = arith.cmpi slt, %sub3A_927, %lt3A_928 : i32
      %convert_element_type3A_930 = arith.extui %lt3A_929 : i1 to i32
      %cond3A_931 = arith.constant 0 : i32
      %cond3A_932 = arith.cmpi ne, %convert_element_type3A_930, %cond3A_931 : i32
      scf.if %cond3A_932 {
        %ge3A = arith.constant 1 : i32
        %ge3A_1073 = arith.cmpi sge, %add3A_796, %ge3A : i32
        %convert_element_type3A_1074 = arith.extui %ge3A_1073 : i1 to i32
        %cond3A_1075 = arith.constant 0 : i32
        %cond3A_1076 = arith.cmpi ne, %convert_element_type3A_1074, %cond3A_1075 : i32
        scf.if %cond3A_1076 {
          %sub3A_1083 = arith.constant 1 : i32
          %sub3A_1084 = arith.subi %add3A_796, %sub3A_1083 : i32
          %add3A_1085 = arith.addi %mul3A_2, %sub3A_1084 : i32
          %jit3A_1086 = arith.constant 32 : i32
          %div3A_1087 = arith.divsi %add3A_1085, %jit3A_1086 : i32
          %sign3A_1088 = arith.constant 0 : i32
          %sign3A_1089 = arith.cmpi sgt, %add3A_1085, %sign3A_1088 : i32
          %sign3A_1090 = arith.extui %sign3A_1089 : i1 to i32
          %sign3A_1091 = arith.constant 0 : i32
          %sign3A_1092 = arith.cmpi slt, %add3A_1085, %sign3A_1091 : i32
          %sign3A_1093 = arith.extui %sign3A_1092 : i1 to i32
          %sign3A_1094 = arith.subi %sign3A_1090, %sign3A_1093 : i32
          %sign3A_1095 = arith.constant 0 : i32
          %sign3A_1096 = arith.cmpi sgt, %jit3A_1086, %sign3A_1095 : i32
          %sign3A_1097 = arith.extui %sign3A_1096 : i1 to i32
          %sign3A_1098 = arith.constant 0 : i32
          %sign3A_1099 = arith.cmpi slt, %jit3A_1086, %sign3A_1098 : i32
          %sign3A_1100 = arith.extui %sign3A_1099 : i1 to i32
          %sign3A_1101 = arith.subi %sign3A_1097, %sign3A_1100 : i32
          %ne3A_1102 = arith.cmpi ne, %sign3A_1094, %sign3A_1101 : i32
          %rem3A_1103 = arith.remsi %add3A_1085, %jit3A_1086 : i32
          %ne3A_1104 = arith.constant 0 : i32
          %ne3A_1105 = arith.cmpi ne, %rem3A_1103, %ne3A_1104 : i32
          %and3A_1106 = arith.andi %ne3A_1102, %ne3A_1105 : i1
          %sub3A_1107 = arith.constant 1 : i32
          %sub3A_1108 = arith.subi %div3A_1087, %sub3A_1107 : i32
          %select_n3A_1109 = arith.select %and3A_1106, %sub3A_1108, %div3A_1087 : i32
          %jit3A_1110 = arith.constant 32 : i32
          %eq3A_1111 = arith.constant 0 : i32
          %eq3A_1112 = arith.cmpi eq, %jit3A_1110, %eq3A_1111 : i32
          %jit3A_1113 = arith.constant 1 : i32
          %select_n3A_1114 = arith.select %eq3A_1112, %jit3A_1113, %jit3A_1110 : i32
          %rem3A_1115 = arith.remsi %add3A_1085, %select_n3A_1114 : i32
          %ne3A_1116 = arith.constant 0 : i32
          %ne3A_1117 = arith.cmpi ne, %rem3A_1115, %ne3A_1116 : i32
          %lt3A_1118 = arith.constant 0 : i32
          %lt3A_1119 = arith.cmpi slt, %rem3A_1115, %lt3A_1118 : i32
          %lt3A_1120 = arith.constant 0 : i32
          %lt3A_1121 = arith.cmpi slt, %select_n3A_1114, %lt3A_1120 : i32
          %ne3A_1122 = arith.xori %lt3A_1119, %lt3A_1121 : i1
          %and3A_1123 = arith.andi %ne3A_1122, %ne3A_1117 : i1
          %add3A_1124 = arith.addi %rem3A_1115, %select_n3A_1114 : i32
          %select_n3A_1125 = arith.select %and3A_1123, %add3A_1124, %rem3A_1115 : i32
          %dma_wait3A_1126 = arith.constant 0 : i32
          %dma_wait3A_1127 = arith.constant 0 : i32
          %dma_wait3A_1128 = arith.constant 0 : i32
          %dma_wait3A_1129 = tpu.memref_slice %arg15[%dma_wait3A_1126, %dma_wait3A_1127, %dma_wait3A_1128] : memref<8x8x133xf32, #tpu.memory_space<vmem>> -> memref<8x8x128xf32, #tpu.memory_space<vmem>>
          %dma_wait3A_1130 = arith.constant 0 : i32
          %dma_wait3A_1131 = arith.constant 0 : i32
          %dma_wait3A_1132 = arith.constant 0 : i32
          %dma_wait3A_1133 = tpu.memref_slice %arg5[%select_n3A_1109, %dma_wait3A_1130, %select_n3A_1125, %dma_wait3A_1131, %dma_wait3A_1132] : memref<200x8x32x8x128xf32, #tpu.memory_space<hbm>> -> memref<1x8x1x8x128xf32, #tpu.memory_space<hbm>>
          %dma_wait3A_1134 = tpu.memref_squeeze %dma_wait3A_1133 : memref<1x8x1x8x128xf32, #tpu.memory_space<hbm>> -> memref<8x8x128xf32, #tpu.memory_space<hbm>>
          %dma_wait3A_1135 = arith.constant 0 : i32
          %dma_wait3A_1136 = arith.constant 0 : i32
          %dma_wait3A_1137 = arith.constant 0 : i32
          %dma_wait3A_1138 = tpu.memref_slice %arg5[%select_n3A_1109, %dma_wait3A_1135, %select_n3A_1125, %dma_wait3A_1136, %dma_wait3A_1137] : memref<200x8x32x8x128xf32, #tpu.memory_space<hbm>> -> memref<1x8x1x8x128xf32, #tpu.memory_space<hbm>>
          %dma_wait3A_1139 = tpu.memref_squeeze %dma_wait3A_1138 : memref<1x8x1x8x128xf32, #tpu.memory_space<hbm>> -> memref<8x8x128xf32, #tpu.memory_space<hbm>>
          %dma_wait3A_1140 = arith.constant 0 : i32
          %dma_wait3A_1141 = arith.constant 0 : i32
          %dma_wait3A_1142 = arith.constant 0 : i32
          %dma_wait3A_1143 = tpu.memref_slice %arg15[%dma_wait3A_1140, %dma_wait3A_1141, %dma_wait3A_1142] : memref<8x8x133xf32, #tpu.memory_space<vmem>> -> memref<8x8x128xf32, #tpu.memory_space<vmem>>
          tpu.wait_dma2 semaphore(%arg25 : memref<!tpu.dma_semaphore, #tpu.memory_space<semaphore_mem>>) src(%dma_wait3A_1143 : memref<8x8x128xf32, #tpu.memory_space<vmem>>) dst(%dma_wait3A_1139 : memref<8x8x128xf32, #tpu.memory_space<hbm>>)
        } else {
        }
        %mul3A_1077 = arith.constant 128 : i32
        %mul3A_1078 = arith.muli %sub3A_927, %mul3A_1077 : i32
        %dma_start3A_1079 = tpu.memref_slice %arg7[%mul3A_1078] : memref<25600xi32, #tpu.memory_space<vmem>> -> memref<128xi32, #tpu.memory_space<vmem>>
        %dma_start3A_1080 = arith.constant 0 : i32
        %dma_start3A_1081 = arith.constant 0 : i32
        %dma_start3A_1082 = tpu.memref_slice %arg3[%dma_start3A_1080, %dma_start3A_1081] : memref<100000x64xf32, #tpu.memory_space<hbm>> -> memref<100000x64xf32, #tpu.memory_space<hbm>>
        tpu.enqueue_indirect_dma source(%dma_start3A_1082 : memref<100000x64xf32, #tpu.memory_space<hbm>>) target(%arg10 : memref<128x64xf32, #tpu.memory_space<vmem>>) offsets(%dma_start3A_1079 : memref<128xi32, #tpu.memory_space<vmem>>) semaphore(%arg20 : memref<!tpu.dma_semaphore, #tpu.memory_space<semaphore_mem>>)
      } else {
      }
      %mul3A_933 = arith.constant 5 : i32
      %mul3A_934 = arith.muli %scan3A_376, %mul3A_933 : i32
      %add3A_935 = arith.constant 4 : i32
      %add3A_936 = arith.addi %mul3A_934, %add3A_935 : i32
      %add3A_937 = arith.addi %mul3A_2, %add3A_936 : i32
      %mul3A_938 = arith.constant 128 : i32
      %mul3A_939 = arith.muli %add3A_936, %mul3A_938 : i32
      %dma_wait3A_940 = tpu.memref_slice %arg7[%mul3A_939] : memref<25600xi32, #tpu.memory_space<vmem>> -> memref<128xi32, #tpu.memory_space<vmem>>
      %dma_wait3A_941 = arith.constant 0 : i32
      %dma_wait3A_942 = arith.constant 0 : i32
      %dma_wait3A_943 = tpu.memref_slice %arg3[%dma_wait3A_941, %dma_wait3A_942] : memref<100000x64xf32, #tpu.memory_space<hbm>> -> memref<100000x64xf32, #tpu.memory_space<hbm>>
      tpu.wait_indirect_dma semaphore(%arg22 : memref<!tpu.dma_semaphore, #tpu.memory_space<semaphore_mem>>) src(%dma_wait3A_943 : memref<100000x64xf32, #tpu.memory_space<hbm>>) dst(%arg12 : memref<128x64xf32, #tpu.memory_space<vmem>>)
      %jit3A_944 = arith.constant 32 : i32
      %div3A_945 = arith.divsi %add3A_937, %jit3A_944 : i32
      %sign3A_946 = arith.constant 0 : i32
      %sign3A_947 = arith.cmpi sgt, %add3A_937, %sign3A_946 : i32
      %sign3A_948 = arith.extui %sign3A_947 : i1 to i32
      %sign3A_949 = arith.constant 0 : i32
      %sign3A_950 = arith.cmpi slt, %add3A_937, %sign3A_949 : i32
      %sign3A_951 = arith.extui %sign3A_950 : i1 to i32
      %sign3A_952 = arith.subi %sign3A_948, %sign3A_951 : i32
      %sign3A_953 = arith.constant 0 : i32
      %sign3A_954 = arith.cmpi sgt, %jit3A_944, %sign3A_953 : i32
      %sign3A_955 = arith.extui %sign3A_954 : i1 to i32
      %sign3A_956 = arith.constant 0 : i32
      %sign3A_957 = arith.cmpi slt, %jit3A_944, %sign3A_956 : i32
      %sign3A_958 = arith.extui %sign3A_957 : i1 to i32
      %sign3A_959 = arith.subi %sign3A_955, %sign3A_958 : i32
      %ne3A_960 = arith.cmpi ne, %sign3A_952, %sign3A_959 : i32
      %rem3A_961 = arith.remsi %add3A_937, %jit3A_944 : i32
      %ne3A_962 = arith.constant 0 : i32
      %ne3A_963 = arith.cmpi ne, %rem3A_961, %ne3A_962 : i32
      %and3A_964 = arith.andi %ne3A_960, %ne3A_963 : i1
      %sub3A_965 = arith.constant 1 : i32
      %sub3A_966 = arith.subi %div3A_945, %sub3A_965 : i32
      %select_n3A_967 = arith.select %and3A_964, %sub3A_966, %div3A_945 : i32
      %sub3A_968 = arith.subi %select_n3A_967, %select_n3A : i32
      %get3A_969 = arith.index_cast %sub3A_968 : i32 to index
      %get3A_970 = arith.constant 0 : index
      %get3A_971 = tpu.vector_load %arg6[%get3A_969, %get3A_970] {strides = array<i32>} : memref<8x64xf32, #tpu.memory_space<vmem>>, vector<16xf32>,
      %add3A_972 = arith.constant 0 : i32
      %add3A_973 = vector.broadcast %add3A_972 : i32 to vector<16xi32>
      %add3A_974 = arith.addi %select_n3A_51, %add3A_973 : vector<16xi32>
      %parallel_loop3A_975 = arith.constant 0 : i32
      %parallel_loop3A_976 = arith.constant 128 : i32
      %parallel_loop3A_977 = arith.constant 1 : i32
      scf.for %parallel_loop3A_1073 = %parallel_loop3A_975 to %parallel_loop3A_976 step %parallel_loop3A_977  : i32 {
        %parallel_loop3A_1074 = arith.index_cast %parallel_loop3A_1073 : i32 to index
        %parallel_loop3A_1075 = arith.constant 0 : index
        %parallel_loop3A_1076 = tpu.vector_load %arg12[%parallel_loop3A_1074, %parallel_loop3A_1075] {strides = array<i32>} : memref<128x64xf32, #tpu.memory_space<vmem>>, vector<16xf32>,
        %parallel_loop3A_1077 = arith.constant 8.000000e+00 : f32
        %parallel_loop3A_1078 = vector.broadcast %parallel_loop3A_1077 : f32 to vector<16xf32>
        %parallel_loop3A_1079 = arith.mulf %parallel_loop3A_1076, %parallel_loop3A_1078 : vector<16xf32>
        %parallel_loop3A_1080 = arith.addf %parallel_loop3A_1079, %get3A_971 : vector<16xf32>
        %parallel_loop3A_1081 = vector.broadcast %parallel_loop3A_1073 : i32 to vector<16xi32>
        tpu.vector_store_idx %arg17[%add3A_974, %rem3A_54, %parallel_loop3A_1081], %parallel_loop3A_1080 : memref<8x8x133xf32, #tpu.memory_space<vmem>>[vector<16xi32>, vector<16xi32>, vector<16xi32>], vector<16xf32>,
      } {sc.loop_unroll_factor = 4 : i64, sc.parallel_access}
      %get3A_978 = arith.index_cast %sub3A_968 : i32 to index
      %get3A_979 = arith.constant 16 : index
      %get3A_980 = tpu.vector_load %arg6[%get3A_978, %get3A_979] {strides = array<i32>} : memref<8x64xf32, #tpu.memory_space<vmem>>, vector<16xf32>,
      %add3A_981 = arith.constant 2 : i32
      %add3A_982 = vector.broadcast %add3A_981 : i32 to vector<16xi32>
      %add3A_983 = arith.addi %select_n3A_51, %add3A_982 : vector<16xi32>
      %parallel_loop3A_984 = arith.constant 0 : i32
      %parallel_loop3A_985 = arith.constant 128 : i32
      %parallel_loop3A_986 = arith.constant 1 : i32
      scf.for %parallel_loop3A_1073 = %parallel_loop3A_984 to %parallel_loop3A_985 step %parallel_loop3A_986  : i32 {
        %parallel_loop3A_1074 = arith.index_cast %parallel_loop3A_1073 : i32 to index
        %parallel_loop3A_1075 = arith.constant 16 : index
        %parallel_loop3A_1076 = tpu.vector_load %arg12[%parallel_loop3A_1074, %parallel_loop3A_1075] {strides = array<i32>} : memref<128x64xf32, #tpu.memory_space<vmem>>, vector<16xf32>,
        %parallel_loop3A_1077 = arith.constant 8.000000e+00 : f32
        %parallel_loop3A_1078 = vector.broadcast %parallel_loop3A_1077 : f32 to vector<16xf32>
        %parallel_loop3A_1079 = arith.mulf %parallel_loop3A_1076, %parallel_loop3A_1078 : vector<16xf32>
        %parallel_loop3A_1080 = arith.addf %parallel_loop3A_1079, %get3A_980 : vector<16xf32>
        %parallel_loop3A_1081 = vector.broadcast %parallel_loop3A_1073 : i32 to vector<16xi32>
        tpu.vector_store_idx %arg17[%add3A_983, %rem3A_54, %parallel_loop3A_1081], %parallel_loop3A_1080 : memref<8x8x133xf32, #tpu.memory_space<vmem>>[vector<16xi32>, vector<16xi32>, vector<16xi32>], vector<16xf32>,
      } {sc.loop_unroll_factor = 4 : i64, sc.parallel_access}
      %get3A_987 = arith.index_cast %sub3A_968 : i32 to index
      %get3A_988 = arith.constant 32 : index
      %get3A_989 = tpu.vector_load %arg6[%get3A_987, %get3A_988] {strides = array<i32>} : memref<8x64xf32, #tpu.memory_space<vmem>>, vector<16xf32>,
      %add3A_990 = arith.constant 4 : i32
      %add3A_991 = vector.broadcast %add3A_990 : i32 to vector<16xi32>
      %add3A_992 = arith.addi %select_n3A_51, %add3A_991 : vector<16xi32>
      %parallel_loop3A_993 = arith.constant 0 : i32
      %parallel_loop3A_994 = arith.constant 128 : i32
      %parallel_loop3A_995 = arith.constant 1 : i32
      scf.for %parallel_loop3A_1073 = %parallel_loop3A_993 to %parallel_loop3A_994 step %parallel_loop3A_995  : i32 {
        %parallel_loop3A_1074 = arith.index_cast %parallel_loop3A_1073 : i32 to index
        %parallel_loop3A_1075 = arith.constant 32 : index
        %parallel_loop3A_1076 = tpu.vector_load %arg12[%parallel_loop3A_1074, %parallel_loop3A_1075] {strides = array<i32>} : memref<128x64xf32, #tpu.memory_space<vmem>>, vector<16xf32>,
        %parallel_loop3A_1077 = arith.constant 8.000000e+00 : f32
        %parallel_loop3A_1078 = vector.broadcast %parallel_loop3A_1077 : f32 to vector<16xf32>
        %parallel_loop3A_1079 = arith.mulf %parallel_loop3A_1076, %parallel_loop3A_1078 : vector<16xf32>
        %parallel_loop3A_1080 = arith.addf %parallel_loop3A_1079, %get3A_989 : vector<16xf32>
        %parallel_loop3A_1081 = vector.broadcast %parallel_loop3A_1073 : i32 to vector<16xi32>
        tpu.vector_store_idx %arg17[%add3A_992, %rem3A_54, %parallel_loop3A_1081], %parallel_loop3A_1080 : memref<8x8x133xf32, #tpu.memory_space<vmem>>[vector<16xi32>, vector<16xi32>, vector<16xi32>], vector<16xf32>,
      } {sc.loop_unroll_factor = 4 : i64, sc.parallel_access}
      %get3A_996 = arith.index_cast %sub3A_968 : i32 to index
      %get3A_997 = arith.constant 48 : index
      %get3A_998 = tpu.vector_load %arg6[%get3A_996, %get3A_997] {strides = array<i32>} : memref<8x64xf32, #tpu.memory_space<vmem>>, vector<16xf32>,
      %add3A_999 = arith.constant 6 : i32
      %add3A_1000 = vector.broadcast %add3A_999 : i32 to vector<16xi32>
      %add3A_1001 = arith.addi %select_n3A_51, %add3A_1000 : vector<16xi32>
      %parallel_loop3A_1002 = arith.constant 0 : i32
      %parallel_loop3A_1003 = arith.constant 128 : i32
      %parallel_loop3A_1004 = arith.constant 1 : i32
      scf.for %parallel_loop3A_1073 = %parallel_loop3A_1002 to %parallel_loop3A_1003 step %parallel_loop3A_1004  : i32 {
        %parallel_loop3A_1074 = arith.index_cast %parallel_loop3A_1073 : i32 to index
        %parallel_loop3A_1075 = arith.constant 48 : index
        %parallel_loop3A_1076 = tpu.vector_load %arg12[%parallel_loop3A_1074, %parallel_loop3A_1075] {strides = array<i32>} : memref<128x64xf32, #tpu.memory_space<vmem>>, vector<16xf32>,
        %parallel_loop3A_1077 = arith.constant 8.000000e+00 : f32
        %parallel_loop3A_1078 = vector.broadcast %parallel_loop3A_1077 : f32 to vector<16xf32>
        %parallel_loop3A_1079 = arith.mulf %parallel_loop3A_1076, %parallel_loop3A_1078 : vector<16xf32>
        %parallel_loop3A_1080 = arith.addf %parallel_loop3A_1079, %get3A_998 : vector<16xf32>
        %parallel_loop3A_1081 = vector.broadcast %parallel_loop3A_1073 : i32 to vector<16xi32>
        tpu.vector_store_idx %arg17[%add3A_1001, %rem3A_54, %parallel_loop3A_1081], %parallel_loop3A_1080 : memref<8x8x133xf32, #tpu.memory_space<vmem>>[vector<16xi32>, vector<16xi32>, vector<16xi32>], vector<16xf32>,
      } {sc.loop_unroll_factor = 4 : i64, sc.parallel_access}
      %add3A_1005 = arith.addi %mul3A_2, %add3A_936 : i32
      %jit3A_1006 = arith.constant 32 : i32
      %div3A_1007 = arith.divsi %add3A_1005, %jit3A_1006 : i32
      %sign3A_1008 = arith.constant 0 : i32
      %sign3A_1009 = arith.cmpi sgt, %add3A_1005, %sign3A_1008 : i32
      %sign3A_1010 = arith.extui %sign3A_1009 : i1 to i32
      %sign3A_1011 = arith.constant 0 : i32
      %sign3A_1012 = arith.cmpi slt, %add3A_1005, %sign3A_1011 : i32
      %sign3A_1013 = arith.extui %sign3A_1012 : i1 to i32
      %sign3A_1014 = arith.subi %sign3A_1010, %sign3A_1013 : i32
      %sign3A_1015 = arith.constant 0 : i32
      %sign3A_1016 = arith.cmpi sgt, %jit3A_1006, %sign3A_1015 : i32
      %sign3A_1017 = arith.extui %sign3A_1016 : i1 to i32
      %sign3A_1018 = arith.constant 0 : i32
      %sign3A_1019 = arith.cmpi slt, %jit3A_1006, %sign3A_1018 : i32
      %sign3A_1020 = arith.extui %sign3A_1019 : i1 to i32
      %sign3A_1021 = arith.subi %sign3A_1017, %sign3A_1020 : i32
      %ne3A_1022 = arith.cmpi ne, %sign3A_1014, %sign3A_1021 : i32
      %rem3A_1023 = arith.remsi %add3A_1005, %jit3A_1006 : i32
      %ne3A_1024 = arith.constant 0 : i32
      %ne3A_1025 = arith.cmpi ne, %rem3A_1023, %ne3A_1024 : i32
      %and3A_1026 = arith.andi %ne3A_1022, %ne3A_1025 : i1
      %sub3A_1027 = arith.constant 1 : i32
      %sub3A_1028 = arith.subi %div3A_1007, %sub3A_1027 : i32
      %select_n3A_1029 = arith.select %and3A_1026, %sub3A_1028, %div3A_1007 : i32
      %jit3A_1030 = arith.constant 32 : i32
      %eq3A_1031 = arith.constant 0 : i32
      %eq3A_1032 = arith.cmpi eq, %jit3A_1030, %eq3A_1031 : i32
      %jit3A_1033 = arith.constant 1 : i32
      %select_n3A_1034 = arith.select %eq3A_1032, %jit3A_1033, %jit3A_1030 : i32
      %rem3A_1035 = arith.remsi %add3A_1005, %select_n3A_1034 : i32
      %ne3A_1036 = arith.constant 0 : i32
      %ne3A_1037 = arith.cmpi ne, %rem3A_1035, %ne3A_1036 : i32
      %lt3A_1038 = arith.constant 0 : i32
      %lt3A_1039 = arith.cmpi slt, %rem3A_1035, %lt3A_1038 : i32
      %lt3A_1040 = arith.constant 0 : i32
      %lt3A_1041 = arith.cmpi slt, %select_n3A_1034, %lt3A_1040 : i32
      %ne3A_1042 = arith.xori %lt3A_1039, %lt3A_1041 : i1
      %and3A_1043 = arith.andi %ne3A_1042, %ne3A_1037 : i1
      %add3A_1044 = arith.addi %rem3A_1035, %select_n3A_1034 : i32
      %select_n3A_1045 = arith.select %and3A_1043, %add3A_1044, %rem3A_1035 : i32
      %dma_start3A_1046 = arith.constant 0 : i32
      %dma_start3A_1047 = arith.constant 0 : i32
      %dma_start3A_1048 = arith.constant 0 : i32
      %dma_start3A_1049 = tpu.memref_slice %arg17[%dma_start3A_1046, %dma_start3A_1047, %dma_start3A_1048] : memref<8x8x133xf32, #tpu.memory_space<vmem>> -> memref<8x8x128xf32, #tpu.memory_space<vmem>>
      %dma_start3A_1050 = arith.constant 0 : i32
      %dma_start3A_1051 = arith.constant 0 : i32
      %dma_start3A_1052 = arith.constant 0 : i32
      %dma_start3A_1053 = tpu.memref_slice %arg5[%select_n3A_1029, %dma_start3A_1050, %select_n3A_1045, %dma_start3A_1051, %dma_start3A_1052] : memref<200x8x32x8x128xf32, #tpu.memory_space<hbm>> -> memref<1x8x1x8x128xf32, #tpu.memory_space<hbm>>
      %dma_start3A_1054 = tpu.memref_squeeze %dma_start3A_1053 : memref<1x8x1x8x128xf32, #tpu.memory_space<hbm>> -> memref<8x8x128xf32, #tpu.memory_space<hbm>>
      %dma_start3A_1055 = arith.constant 0 : i32
      %dma_start3A_1056 = arith.constant 0 : i32
      %dma_start3A_1057 = arith.constant 0 : i32
      %dma_start3A_1058 = tpu.memref_slice %arg5[%select_n3A_1029, %dma_start3A_1055, %select_n3A_1045, %dma_start3A_1056, %dma_start3A_1057] : memref<200x8x32x8x128xf32, #tpu.memory_space<hbm>> -> memref<1x8x1x8x128xf32, #tpu.memory_space<hbm>>
      %dma_start3A_1059 = tpu.memref_squeeze %dma_start3A_1058 : memref<1x8x1x8x128xf32, #tpu.memory_space<hbm>> -> memref<8x8x128xf32, #tpu.memory_space<hbm>>
      %dma_start3A_1060 = arith.constant 0 : i32
      %dma_start3A_1061 = arith.constant 0 : i32
      %dma_start3A_1062 = arith.constant 0 : i32
      %dma_start3A_1063 = tpu.memref_slice %arg17[%dma_start3A_1060, %dma_start3A_1061, %dma_start3A_1062] : memref<8x8x133xf32, #tpu.memory_space<vmem>> -> memref<8x8x128xf32, #tpu.memory_space<vmem>>
      tpu.enqueue_dma source(%dma_start3A_1063 : memref<8x8x128xf32, #tpu.memory_space<vmem>>) target(%dma_start3A_1059 : memref<8x8x128xf32, #tpu.memory_space<hbm>>) target_semaphore(%arg27 : memref<!tpu.dma_semaphore, #tpu.memory_space<semaphore_mem>>)
      %add3A_1064 = arith.constant 5 : i32
      %add3A_1065 = arith.addi %add3A_936, %add3A_1064 : i32
      %sub3A_1066 = arith.constant 1 : i32
      %sub3A_1067 = arith.subi %add3A_1065, %sub3A_1066 : i32
      %lt3A_1068 = arith.constant 200 : i32
      %lt3A_1069 = arith.cmpi slt, %sub3A_1067, %lt3A_1068 : i32
      %convert_element_type3A_1070 = arith.extui %lt3A_1069 : i1 to i32
      %cond3A_1071 = arith.constant 0 : i32
      %cond3A_1072 = arith.cmpi ne, %convert_element_type3A_1070, %cond3A_1071 : i32
      scf.if %cond3A_1072 {
        %ge3A = arith.constant 1 : i32
        %ge3A_1073 = arith.cmpi sge, %add3A_936, %ge3A : i32
        %convert_element_type3A_1074 = arith.extui %ge3A_1073 : i1 to i32
        %cond3A_1075 = arith.constant 0 : i32
        %cond3A_1076 = arith.cmpi ne, %convert_element_type3A_1074, %cond3A_1075 : i32
        scf.if %cond3A_1076 {
          %sub3A_1083 = arith.constant 1 : i32
          %sub3A_1084 = arith.subi %add3A_936, %sub3A_1083 : i32
          %add3A_1085 = arith.addi %mul3A_2, %sub3A_1084 : i32
          %jit3A_1086 = arith.constant 32 : i32
          %div3A_1087 = arith.divsi %add3A_1085, %jit3A_1086 : i32
          %sign3A_1088 = arith.constant 0 : i32
          %sign3A_1089 = arith.cmpi sgt, %add3A_1085, %sign3A_1088 : i32
          %sign3A_1090 = arith.extui %sign3A_1089 : i1 to i32
          %sign3A_1091 = arith.constant 0 : i32
          %sign3A_1092 = arith.cmpi slt, %add3A_1085, %sign3A_1091 : i32
          %sign3A_1093 = arith.extui %sign3A_1092 : i1 to i32
          %sign3A_1094 = arith.subi %sign3A_1090, %sign3A_1093 : i32
          %sign3A_1095 = arith.constant 0 : i32
          %sign3A_1096 = arith.cmpi sgt, %jit3A_1086, %sign3A_1095 : i32
          %sign3A_1097 = arith.extui %sign3A_1096 : i1 to i32
          %sign3A_1098 = arith.constant 0 : i32
          %sign3A_1099 = arith.cmpi slt, %jit3A_1086, %sign3A_1098 : i32
          %sign3A_1100 = arith.extui %sign3A_1099 : i1 to i32
          %sign3A_1101 = arith.subi %sign3A_1097, %sign3A_1100 : i32
          %ne3A_1102 = arith.cmpi ne, %sign3A_1094, %sign3A_1101 : i32
          %rem3A_1103 = arith.remsi %add3A_1085, %jit3A_1086 : i32
          %ne3A_1104 = arith.constant 0 : i32
          %ne3A_1105 = arith.cmpi ne, %rem3A_1103, %ne3A_1104 : i32
          %and3A_1106 = arith.andi %ne3A_1102, %ne3A_1105 : i1
          %sub3A_1107 = arith.constant 1 : i32
          %sub3A_1108 = arith.subi %div3A_1087, %sub3A_1107 : i32
          %select_n3A_1109 = arith.select %and3A_1106, %sub3A_1108, %div3A_1087 : i32
          %jit3A_1110 = arith.constant 32 : i32
          %eq3A_1111 = arith.constant 0 : i32
          %eq3A_1112 = arith.cmpi eq, %jit3A_1110, %eq3A_1111 : i32
          %jit3A_1113 = arith.constant 1 : i32
          %select_n3A_1114 = arith.select %eq3A_1112, %jit3A_1113, %jit3A_1110 : i32
          %rem3A_1115 = arith.remsi %add3A_1085, %select_n3A_1114 : i32
          %ne3A_1116 = arith.constant 0 : i32
          %ne3A_1117 = arith.cmpi ne, %rem3A_1115, %ne3A_1116 : i32
          %lt3A_1118 = arith.constant 0 : i32
          %lt3A_1119 = arith.cmpi slt, %rem3A_1115, %lt3A_1118 : i32
          %lt3A_1120 = arith.constant 0 : i32
          %lt3A_1121 = arith.cmpi slt, %select_n3A_1114, %lt3A_1120 : i32
          %ne3A_1122 = arith.xori %lt3A_1119, %lt3A_1121 : i1
          %and3A_1123 = arith.andi %ne3A_1122, %ne3A_1117 : i1
          %add3A_1124 = arith.addi %rem3A_1115, %select_n3A_1114 : i32
          %select_n3A_1125 = arith.select %and3A_1123, %add3A_1124, %rem3A_1115 : i32
          %dma_wait3A_1126 = arith.constant 0 : i32
          %dma_wait3A_1127 = arith.constant 0 : i32
          %dma_wait3A_1128 = arith.constant 0 : i32
          %dma_wait3A_1129 = tpu.memref_slice %arg16[%dma_wait3A_1126, %dma_wait3A_1127, %dma_wait3A_1128] : memref<8x8x133xf32, #tpu.memory_space<vmem>> -> memref<8x8x128xf32, #tpu.memory_space<vmem>>
          %dma_wait3A_1130 = arith.constant 0 : i32
          %dma_wait3A_1131 = arith.constant 0 : i32
          %dma_wait3A_1132 = arith.constant 0 : i32
          %dma_wait3A_1133 = tpu.memref_slice %arg5[%select_n3A_1109, %dma_wait3A_1130, %select_n3A_1125, %dma_wait3A_1131, %dma_wait3A_1132] : memref<200x8x32x8x128xf32, #tpu.memory_space<hbm>> -> memref<1x8x1x8x128xf32, #tpu.memory_space<hbm>>
          %dma_wait3A_1134 = tpu.memref_squeeze %dma_wait3A_1133 : memref<1x8x1x8x128xf32, #tpu.memory_space<hbm>> -> memref<8x8x128xf32, #tpu.memory_space<hbm>>
          %dma_wait3A_1135 = arith.constant 0 : i32
          %dma_wait3A_1136 = arith.constant 0 : i32
          %dma_wait3A_1137 = arith.constant 0 : i32
          %dma_wait3A_1138 = tpu.memref_slice %arg5[%select_n3A_1109, %dma_wait3A_1135, %select_n3A_1125, %dma_wait3A_1136, %dma_wait3A_1137] : memref<200x8x32x8x128xf32, #tpu.memory_space<hbm>> -> memref<1x8x1x8x128xf32, #tpu.memory_space<hbm>>
          %dma_wait3A_1139 = tpu.memref_squeeze %dma_wait3A_1138 : memref<1x8x1x8x128xf32, #tpu.memory_space<hbm>> -> memref<8x8x128xf32, #tpu.memory_space<hbm>>
          %dma_wait3A_1140 = arith.constant 0 : i32
          %dma_wait3A_1141 = arith.constant 0 : i32
          %dma_wait3A_1142 = arith.constant 0 : i32
          %dma_wait3A_1143 = tpu.memref_slice %arg16[%dma_wait3A_1140, %dma_wait3A_1141, %dma_wait3A_1142] : memref<8x8x133xf32, #tpu.memory_space<vmem>> -> memref<8x8x128xf32, #tpu.memory_space<vmem>>
          tpu.wait_dma2 semaphore(%arg26 : memref<!tpu.dma_semaphore, #tpu.memory_space<semaphore_mem>>) src(%dma_wait3A_1143 : memref<8x8x128xf32, #tpu.memory_space<vmem>>) dst(%dma_wait3A_1139 : memref<8x8x128xf32, #tpu.memory_space<hbm>>)
        } else {
        }
        %mul3A_1077 = arith.constant 128 : i32
        %mul3A_1078 = arith.muli %sub3A_1067, %mul3A_1077 : i32
        %dma_start3A_1079 = tpu.memref_slice %arg7[%mul3A_1078] : memref<25600xi32, #tpu.memory_space<vmem>> -> memref<128xi32, #tpu.memory_space<vmem>>
        %dma_start3A_1080 = arith.constant 0 : i32
        %dma_start3A_1081 = arith.constant 0 : i32
        %dma_start3A_1082 = tpu.memref_slice %arg3[%dma_start3A_1080, %dma_start3A_1081] : memref<100000x64xf32, #tpu.memory_space<hbm>> -> memref<100000x64xf32, #tpu.memory_space<hbm>>
        tpu.enqueue_indirect_dma source(%dma_start3A_1082 : memref<100000x64xf32, #tpu.memory_space<hbm>>) target(%arg11 : memref<128x64xf32, #tpu.memory_space<vmem>>) offsets(%dma_start3A_1079 : memref<128xi32, #tpu.memory_space<vmem>>) semaphore(%arg21 : memref<!tpu.dma_semaphore, #tpu.memory_space<semaphore_mem>>)
      } else {
      }
    }
    %scan3A_78 = arith.constant 40 : i32
    %add3A_79 = arith.constant 195 : i32
    %add3A_80 = arith.addi %mul3A_2, %add3A_79 : i32
    %jit3A_81 = arith.constant 32 : i32
    %div3A_82 = arith.divsi %add3A_80, %jit3A_81 : i32
    %sign3A_83 = arith.constant 0 : i32
    %sign3A_84 = arith.cmpi sgt, %add3A_80, %sign3A_83 : i32
    %sign3A_85 = arith.extui %sign3A_84 : i1 to i32
    %sign3A_86 = arith.constant 0 : i32
    %sign3A_87 = arith.cmpi slt, %add3A_80, %sign3A_86 : i32
    %sign3A_88 = arith.extui %sign3A_87 : i1 to i32
    %sign3A_89 = arith.subi %sign3A_85, %sign3A_88 : i32
    %sign3A_90 = arith.constant 0 : i32
    %sign3A_91 = arith.cmpi sgt, %jit3A_81, %sign3A_90 : i32
    %sign3A_92 = arith.extui %sign3A_91 : i1 to i32
    %sign3A_93 = arith.constant 0 : i32
    %sign3A_94 = arith.cmpi slt, %jit3A_81, %sign3A_93 : i32
    %sign3A_95 = arith.extui %sign3A_94 : i1 to i32
    %sign3A_96 = arith.subi %sign3A_92, %sign3A_95 : i32
    %ne3A_97 = arith.cmpi ne, %sign3A_89, %sign3A_96 : i32
    %rem3A_98 = arith.remsi %add3A_80, %jit3A_81 : i32
    %ne3A_99 = arith.constant 0 : i32
    %ne3A_100 = arith.cmpi ne, %rem3A_98, %ne3A_99 : i32
    %and3A_101 = arith.andi %ne3A_97, %ne3A_100 : i1
    %sub3A_102 = arith.constant 1 : i32
    %sub3A_103 = arith.subi %div3A_82, %sub3A_102 : i32
    %select_n3A_104 = arith.select %and3A_101, %sub3A_103, %div3A_82 : i32
    %jit3A_105 = arith.constant 32 : i32
    %eq3A = arith.constant 0 : i32
    %eq3A_106 = arith.cmpi eq, %jit3A_105, %eq3A : i32
    %jit3A_107 = arith.constant 1 : i32
    %select_n3A_108 = arith.select %eq3A_106, %jit3A_107, %jit3A_105 : i32
    %rem3A_109 = arith.remsi %add3A_80, %select_n3A_108 : i32
    %ne3A_110 = arith.constant 0 : i32
    %ne3A_111 = arith.cmpi ne, %rem3A_109, %ne3A_110 : i32
    %lt3A = arith.constant 0 : i32
    %lt3A_112 = arith.cmpi slt, %rem3A_109, %lt3A : i32
    %lt3A_113 = arith.constant 0 : i32
    %lt3A_114 = arith.cmpi slt, %select_n3A_108, %lt3A_113 : i32
    %ne3A_115 = arith.xori %lt3A_112, %lt3A_114 : i1
    %and3A_116 = arith.andi %ne3A_115, %ne3A_111 : i1
    %add3A_117 = arith.addi %rem3A_109, %select_n3A_108 : i32
    %select_n3A_118 = arith.select %and3A_116, %add3A_117, %rem3A_109 : i32
    %dma_wait3A = arith.constant 0 : i32
    %dma_wait3A_119 = arith.constant 0 : i32
    %dma_wait3A_120 = arith.constant 0 : i32
    %dma_wait3A_121 = tpu.memref_slice %arg13[%dma_wait3A, %dma_wait3A_119, %dma_wait3A_120] : memref<8x8x133xf32, #tpu.memory_space<vmem>> -> memref<8x8x128xf32, #tpu.memory_space<vmem>>
    %dma_wait3A_122 = arith.constant 0 : i32
    %dma_wait3A_123 = arith.constant 0 : i32
    %dma_wait3A_124 = arith.constant 0 : i32
    %dma_wait3A_125 = tpu.memref_slice %arg5[%select_n3A_104, %dma_wait3A_122, %select_n3A_118, %dma_wait3A_123, %dma_wait3A_124] : memref<200x8x32x8x128xf32, #tpu.memory_space<hbm>> -> memref<1x8x1x8x128xf32, #tpu.memory_space<hbm>>
    %dma_wait3A_126 = tpu.memref_squeeze %dma_wait3A_125 : memref<1x8x1x8x128xf32, #tpu.memory_space<hbm>> -> memref<8x8x128xf32, #tpu.memory_space<hbm>>
    %dma_wait3A_127 = arith.constant 0 : i32
    %dma_wait3A_128 = arith.constant 0 : i32
    %dma_wait3A_129 = arith.constant 0 : i32
    %dma_wait3A_130 = tpu.memref_slice %arg5[%select_n3A_104, %dma_wait3A_127, %select_n3A_118, %dma_wait3A_128, %dma_wait3A_129] : memref<200x8x32x8x128xf32, #tpu.memory_space<hbm>> -> memref<1x8x1x8x128xf32, #tpu.memory_space<hbm>>
    %dma_wait3A_131 = tpu.memref_squeeze %dma_wait3A_130 : memref<1x8x1x8x128xf32, #tpu.memory_space<hbm>> -> memref<8x8x128xf32, #tpu.memory_space<hbm>>
    %dma_wait3A_132 = arith.constant 0 : i32
    %dma_wait3A_133 = arith.constant 0 : i32
    %dma_wait3A_134 = arith.constant 0 : i32
    %dma_wait3A_135 = tpu.memref_slice %arg13[%dma_wait3A_132, %dma_wait3A_133, %dma_wait3A_134] : memref<8x8x133xf32, #tpu.memory_space<vmem>> -> memref<8x8x128xf32, #tpu.memory_space<vmem>>
    tpu.wait_dma2 semaphore(%arg23 : memref<!tpu.dma_semaphore, #tpu.memory_space<semaphore_mem>>) src(%dma_wait3A_135 : memref<8x8x128xf32, #tpu.memory_space<vmem>>) dst(%dma_wait3A_131 : memref<8x8x128xf32, #tpu.memory_space<hbm>>)
    %add3A_136 = arith.constant 196 : i32
    %add3A_137 = arith.addi %mul3A_2, %add3A_136 : i32
    %jit3A_138 = arith.constant 32 : i32
    %div3A_139 = arith.divsi %add3A_137, %jit3A_138 : i32
    %sign3A_140 = arith.constant 0 : i32
    %sign3A_141 = arith.cmpi sgt, %add3A_137, %sign3A_140 : i32
    %sign3A_142 = arith.extui %sign3A_141 : i1 to i32
    %sign3A_143 = arith.constant 0 : i32
    %sign3A_144 = arith.cmpi slt, %add3A_137, %sign3A_143 : i32
    %sign3A_145 = arith.extui %sign3A_144 : i1 to i32
    %sign3A_146 = arith.subi %sign3A_142, %sign3A_145 : i32
    %sign3A_147 = arith.constant 0 : i32
    %sign3A_148 = arith.cmpi sgt, %jit3A_138, %sign3A_147 : i32
    %sign3A_149 = arith.extui %sign3A_148 : i1 to i32
    %sign3A_150 = arith.constant 0 : i32
    %sign3A_151 = arith.cmpi slt, %jit3A_138, %sign3A_150 : i32
    %sign3A_152 = arith.extui %sign3A_151 : i1 to i32
    %sign3A_153 = arith.subi %sign3A_149, %sign3A_152 : i32
    %ne3A_154 = arith.cmpi ne, %sign3A_146, %sign3A_153 : i32
    %rem3A_155 = arith.remsi %add3A_137, %jit3A_138 : i32
    %ne3A_156 = arith.constant 0 : i32
    %ne3A_157 = arith.cmpi ne, %rem3A_155, %ne3A_156 : i32
    %and3A_158 = arith.andi %ne3A_154, %ne3A_157 : i1
    %sub3A_159 = arith.constant 1 : i32
    %sub3A_160 = arith.subi %div3A_139, %sub3A_159 : i32
    %select_n3A_161 = arith.select %and3A_158, %sub3A_160, %div3A_139 : i32
    %jit3A_162 = arith.constant 32 : i32
    %eq3A_163 = arith.constant 0 : i32
    %eq3A_164 = arith.cmpi eq, %jit3A_162, %eq3A_163 : i32
    %jit3A_165 = arith.constant 1 : i32
    %select_n3A_166 = arith.select %eq3A_164, %jit3A_165, %jit3A_162 : i32
    %rem3A_167 = arith.remsi %add3A_137, %select_n3A_166 : i32
    %ne3A_168 = arith.constant 0 : i32
    %ne3A_169 = arith.cmpi ne, %rem3A_167, %ne3A_168 : i32
    %lt3A_170 = arith.constant 0 : i32
    %lt3A_171 = arith.cmpi slt, %rem3A_167, %lt3A_170 : i32
    %lt3A_172 = arith.constant 0 : i32
    %lt3A_173 = arith.cmpi slt, %select_n3A_166, %lt3A_172 : i32
    %ne3A_174 = arith.xori %lt3A_171, %lt3A_173 : i1
    %and3A_175 = arith.andi %ne3A_174, %ne3A_169 : i1
    %add3A_176 = arith.addi %rem3A_167, %select_n3A_166 : i32
    %select_n3A_177 = arith.select %and3A_175, %add3A_176, %rem3A_167 : i32
    %dma_wait3A_178 = arith.constant 0 : i32
    %dma_wait3A_179 = arith.constant 0 : i32
    %dma_wait3A_180 = arith.constant 0 : i32
    %dma_wait3A_181 = tpu.memref_slice %arg14[%dma_wait3A_178, %dma_wait3A_179, %dma_wait3A_180] : memref<8x8x133xf32, #tpu.memory_space<vmem>> -> memref<8x8x128xf32, #tpu.memory_space<vmem>>
    %dma_wait3A_182 = arith.constant 0 : i32
    %dma_wait3A_183 = arith.constant 0 : i32
    %dma_wait3A_184 = arith.constant 0 : i32
    %dma_wait3A_185 = tpu.memref_slice %arg5[%select_n3A_161, %dma_wait3A_182, %select_n3A_177, %dma_wait3A_183, %dma_wait3A_184] : memref<200x8x32x8x128xf32, #tpu.memory_space<hbm>> -> memref<1x8x1x8x128xf32, #tpu.memory_space<hbm>>
    %dma_wait3A_186 = tpu.memref_squeeze %dma_wait3A_185 : memref<1x8x1x8x128xf32, #tpu.memory_space<hbm>> -> memref<8x8x128xf32, #tpu.memory_space<hbm>>
    %dma_wait3A_187 = arith.constant 0 : i32
    %dma_wait3A_188 = arith.constant 0 : i32
    %dma_wait3A_189 = arith.constant 0 : i32
    %dma_wait3A_190 = tpu.memref_slice %arg5[%select_n3A_161, %dma_wait3A_187, %select_n3A_177, %dma_wait3A_188, %dma_wait3A_189] : memref<200x8x32x8x128xf32, #tpu.memory_space<hbm>> -> memref<1x8x1x8x128xf32, #tpu.memory_space<hbm>>
    %dma_wait3A_191 = tpu.memref_squeeze %dma_wait3A_190 : memref<1x8x1x8x128xf32, #tpu.memory_space<hbm>> -> memref<8x8x128xf32, #tpu.memory_space<hbm>>
    %dma_wait3A_192 = arith.constant 0 : i32
    %dma_wait3A_193 = arith.constant 0 : i32
    %dma_wait3A_194 = arith.constant 0 : i32
    %dma_wait3A_195 = tpu.memref_slice %arg14[%dma_wait3A_192, %dma_wait3A_193, %dma_wait3A_194] : memref<8x8x133xf32, #tpu.memory_space<vmem>> -> memref<8x8x128xf32, #tpu.memory_space<vmem>>
    tpu.wait_dma2 semaphore(%arg24 : memref<!tpu.dma_semaphore, #tpu.memory_space<semaphore_mem>>) src(%dma_wait3A_195 : memref<8x8x128xf32, #tpu.memory_space<vmem>>) dst(%dma_wait3A_191 : memref<8x8x128xf32, #tpu.memory_space<hbm>>)
    %add3A_196 = arith.constant 197 : i32
    %add3A_197 = arith.addi %mul3A_2, %add3A_196 : i32
    %jit3A_198 = arith.constant 32 : i32
    %div3A_199 = arith.divsi %add3A_197, %jit3A_198 : i32
    %sign3A_200 = arith.constant 0 : i32
    %sign3A_201 = arith.cmpi sgt, %add3A_197, %sign3A_200 : i32
    %sign3A_202 = arith.extui %sign3A_201 : i1 to i32
    %sign3A_203 = arith.constant 0 : i32
    %sign3A_204 = arith.cmpi slt, %add3A_197, %sign3A_203 : i32
    %sign3A_205 = arith.extui %sign3A_204 : i1 to i32
    %sign3A_206 = arith.subi %sign3A_202, %sign3A_205 : i32
    %sign3A_207 = arith.constant 0 : i32
    %sign3A_208 = arith.cmpi sgt, %jit3A_198, %sign3A_207 : i32
    %sign3A_209 = arith.extui %sign3A_208 : i1 to i32
    %sign3A_210 = arith.constant 0 : i32
    %sign3A_211 = arith.cmpi slt, %jit3A_198, %sign3A_210 : i32
    %sign3A_212 = arith.extui %sign3A_211 : i1 to i32
    %sign3A_213 = arith.subi %sign3A_209, %sign3A_212 : i32
    %ne3A_214 = arith.cmpi ne, %sign3A_206, %sign3A_213 : i32
    %rem3A_215 = arith.remsi %add3A_197, %jit3A_198 : i32
    %ne3A_216 = arith.constant 0 : i32
    %ne3A_217 = arith.cmpi ne, %rem3A_215, %ne3A_216 : i32
    %and3A_218 = arith.andi %ne3A_214, %ne3A_217 : i1
    %sub3A_219 = arith.constant 1 : i32
    %sub3A_220 = arith.subi %div3A_199, %sub3A_219 : i32
    %select_n3A_221 = arith.select %and3A_218, %sub3A_220, %div3A_199 : i32
    %jit3A_222 = arith.constant 32 : i32
    %eq3A_223 = arith.constant 0 : i32
    %eq3A_224 = arith.cmpi eq, %jit3A_222, %eq3A_223 : i32
    %jit3A_225 = arith.constant 1 : i32
    %select_n3A_226 = arith.select %eq3A_224, %jit3A_225, %jit3A_222 : i32
    %rem3A_227 = arith.remsi %add3A_197, %select_n3A_226 : i32
    %ne3A_228 = arith.constant 0 : i32
    %ne3A_229 = arith.cmpi ne, %rem3A_227, %ne3A_228 : i32
    %lt3A_230 = arith.constant 0 : i32
    %lt3A_231 = arith.cmpi slt, %rem3A_227, %lt3A_230 : i32
    %lt3A_232 = arith.constant 0 : i32
    %lt3A_233 = arith.cmpi slt, %select_n3A_226, %lt3A_232 : i32
    %ne3A_234 = arith.xori %lt3A_231, %lt3A_233 : i1
    %and3A_235 = arith.andi %ne3A_234, %ne3A_229 : i1
    %add3A_236 = arith.addi %rem3A_227, %select_n3A_226 : i32
    %select_n3A_237 = arith.select %and3A_235, %add3A_236, %rem3A_227 : i32
    %dma_wait3A_238 = arith.constant 0 : i32
    %dma_wait3A_239 = arith.constant 0 : i32
    %dma_wait3A_240 = arith.constant 0 : i32
    %dma_wait3A_241 = tpu.memref_slice %arg15[%dma_wait3A_238, %dma_wait3A_239, %dma_wait3A_240] : memref<8x8x133xf32, #tpu.memory_space<vmem>> -> memref<8x8x128xf32, #tpu.memory_space<vmem>>
    %dma_wait3A_242 = arith.constant 0 : i32
    %dma_wait3A_243 = arith.constant 0 : i32
    %dma_wait3A_244 = arith.constant 0 : i32
    %dma_wait3A_245 = tpu.memref_slice %arg5[%select_n3A_221, %dma_wait3A_242, %select_n3A_237, %dma_wait3A_243, %dma_wait3A_244] : memref<200x8x32x8x128xf32, #tpu.memory_space<hbm>> -> memref<1x8x1x8x128xf32, #tpu.memory_space<hbm>>
    %dma_wait3A_246 = tpu.memref_squeeze %dma_wait3A_245 : memref<1x8x1x8x128xf32, #tpu.memory_space<hbm>> -> memref<8x8x128xf32, #tpu.memory_space<hbm>>
    %dma_wait3A_247 = arith.constant 0 : i32
    %dma_wait3A_248 = arith.constant 0 : i32
    %dma_wait3A_249 = arith.constant 0 : i32
    %dma_wait3A_250 = tpu.memref_slice %arg5[%select_n3A_221, %dma_wait3A_247, %select_n3A_237, %dma_wait3A_248, %dma_wait3A_249] : memref<200x8x32x8x128xf32, #tpu.memory_space<hbm>> -> memref<1x8x1x8x128xf32, #tpu.memory_space<hbm>>
    %dma_wait3A_251 = tpu.memref_squeeze %dma_wait3A_250 : memref<1x8x1x8x128xf32, #tpu.memory_space<hbm>> -> memref<8x8x128xf32, #tpu.memory_space<hbm>>
    %dma_wait3A_252 = arith.constant 0 : i32
    %dma_wait3A_253 = arith.constant 0 : i32
    %dma_wait3A_254 = arith.constant 0 : i32
    %dma_wait3A_255 = tpu.memref_slice %arg15[%dma_wait3A_252, %dma_wait3A_253, %dma_wait3A_254] : memref<8x8x133xf32, #tpu.memory_space<vmem>> -> memref<8x8x128xf32, #tpu.memory_space<vmem>>
    tpu.wait_dma2 semaphore(%arg25 : memref<!tpu.dma_semaphore, #tpu.memory_space<semaphore_mem>>) src(%dma_wait3A_255 : memref<8x8x128xf32, #tpu.memory_space<vmem>>) dst(%dma_wait3A_251 : memref<8x8x128xf32, #tpu.memory_space<hbm>>)
    %add3A_256 = arith.constant 198 : i32
    %add3A_257 = arith.addi %mul3A_2, %add3A_256 : i32
    %jit3A_258 = arith.constant 32 : i32
    %div3A_259 = arith.divsi %add3A_257, %jit3A_258 : i32
    %sign3A_260 = arith.constant 0 : i32
    %sign3A_261 = arith.cmpi sgt, %add3A_257, %sign3A_260 : i32
    %sign3A_262 = arith.extui %sign3A_261 : i1 to i32
    %sign3A_263 = arith.constant 0 : i32
    %sign3A_264 = arith.cmpi slt, %add3A_257, %sign3A_263 : i32
    %sign3A_265 = arith.extui %sign3A_264 : i1 to i32
    %sign3A_266 = arith.subi %sign3A_262, %sign3A_265 : i32
    %sign3A_267 = arith.constant 0 : i32
    %sign3A_268 = arith.cmpi sgt, %jit3A_258, %sign3A_267 : i32
    %sign3A_269 = arith.extui %sign3A_268 : i1 to i32
    %sign3A_270 = arith.constant 0 : i32
    %sign3A_271 = arith.cmpi slt, %jit3A_258, %sign3A_270 : i32
    %sign3A_272 = arith.extui %sign3A_271 : i1 to i32
    %sign3A_273 = arith.subi %sign3A_269, %sign3A_272 : i32
    %ne3A_274 = arith.cmpi ne, %sign3A_266, %sign3A_273 : i32
    %rem3A_275 = arith.remsi %add3A_257, %jit3A_258 : i32
    %ne3A_276 = arith.constant 0 : i32
    %ne3A_277 = arith.cmpi ne, %rem3A_275, %ne3A_276 : i32
    %and3A_278 = arith.andi %ne3A_274, %ne3A_277 : i1
    %sub3A_279 = arith.constant 1 : i32
    %sub3A_280 = arith.subi %div3A_259, %sub3A_279 : i32
    %select_n3A_281 = arith.select %and3A_278, %sub3A_280, %div3A_259 : i32
    %jit3A_282 = arith.constant 32 : i32
    %eq3A_283 = arith.constant 0 : i32
    %eq3A_284 = arith.cmpi eq, %jit3A_282, %eq3A_283 : i32
    %jit3A_285 = arith.constant 1 : i32
    %select_n3A_286 = arith.select %eq3A_284, %jit3A_285, %jit3A_282 : i32
    %rem3A_287 = arith.remsi %add3A_257, %select_n3A_286 : i32
    %ne3A_288 = arith.constant 0 : i32
    %ne3A_289 = arith.cmpi ne, %rem3A_287, %ne3A_288 : i32
    %lt3A_290 = arith.constant 0 : i32
    %lt3A_291 = arith.cmpi slt, %rem3A_287, %lt3A_290 : i32
    %lt3A_292 = arith.constant 0 : i32
    %lt3A_293 = arith.cmpi slt, %select_n3A_286, %lt3A_292 : i32
    %ne3A_294 = arith.xori %lt3A_291, %lt3A_293 : i1
    %and3A_295 = arith.andi %ne3A_294, %ne3A_289 : i1
    %add3A_296 = arith.addi %rem3A_287, %select_n3A_286 : i32
    %select_n3A_297 = arith.select %and3A_295, %add3A_296, %rem3A_287 : i32
    %dma_wait3A_298 = arith.constant 0 : i32
    %dma_wait3A_299 = arith.constant 0 : i32
    %dma_wait3A_300 = arith.constant 0 : i32
    %dma_wait3A_301 = tpu.memref_slice %arg16[%dma_wait3A_298, %dma_wait3A_299, %dma_wait3A_300] : memref<8x8x133xf32, #tpu.memory_space<vmem>> -> memref<8x8x128xf32, #tpu.memory_space<vmem>>
    %dma_wait3A_302 = arith.constant 0 : i32
    %dma_wait3A_303 = arith.constant 0 : i32
    %dma_wait3A_304 = arith.constant 0 : i32
    %dma_wait3A_305 = tpu.memref_slice %arg5[%select_n3A_281, %dma_wait3A_302, %select_n3A_297, %dma_wait3A_303, %dma_wait3A_304] : memref<200x8x32x8x128xf32, #tpu.memory_space<hbm>> -> memref<1x8x1x8x128xf32, #tpu.memory_space<hbm>>
    %dma_wait3A_306 = tpu.memref_squeeze %dma_wait3A_305 : memref<1x8x1x8x128xf32, #tpu.memory_space<hbm>> -> memref<8x8x128xf32, #tpu.memory_space<hbm>>
    %dma_wait3A_307 = arith.constant 0 : i32
    %dma_wait3A_308 = arith.constant 0 : i32
    %dma_wait3A_309 = arith.constant 0 : i32
    %dma_wait3A_310 = tpu.memref_slice %arg5[%select_n3A_281, %dma_wait3A_307, %select_n3A_297, %dma_wait3A_308, %dma_wait3A_309] : memref<200x8x32x8x128xf32, #tpu.memory_space<hbm>> -> memref<1x8x1x8x128xf32, #tpu.memory_space<hbm>>
    %dma_wait3A_311 = tpu.memref_squeeze %dma_wait3A_310 : memref<1x8x1x8x128xf32, #tpu.memory_space<hbm>> -> memref<8x8x128xf32, #tpu.memory_space<hbm>>
    %dma_wait3A_312 = arith.constant 0 : i32
    %dma_wait3A_313 = arith.constant 0 : i32
    %dma_wait3A_314 = arith.constant 0 : i32
    %dma_wait3A_315 = tpu.memref_slice %arg16[%dma_wait3A_312, %dma_wait3A_313, %dma_wait3A_314] : memref<8x8x133xf32, #tpu.memory_space<vmem>> -> memref<8x8x128xf32, #tpu.memory_space<vmem>>
    tpu.wait_dma2 semaphore(%arg26 : memref<!tpu.dma_semaphore, #tpu.memory_space<semaphore_mem>>) src(%dma_wait3A_315 : memref<8x8x128xf32, #tpu.memory_space<vmem>>) dst(%dma_wait3A_311 : memref<8x8x128xf32, #tpu.memory_space<hbm>>)
    %add3A_316 = arith.constant 199 : i32
    %add3A_317 = arith.addi %mul3A_2, %add3A_316 : i32
    %jit3A_318 = arith.constant 32 : i32
    %div3A_319 = arith.divsi %add3A_317, %jit3A_318 : i32
    %sign3A_320 = arith.constant 0 : i32
    %sign3A_321 = arith.cmpi sgt, %add3A_317, %sign3A_320 : i32
    %sign3A_322 = arith.extui %sign3A_321 : i1 to i32
    %sign3A_323 = arith.constant 0 : i32
    %sign3A_324 = arith.cmpi slt, %add3A_317, %sign3A_323 : i32
    %sign3A_325 = arith.extui %sign3A_324 : i1 to i32
    %sign3A_326 = arith.subi %sign3A_322, %sign3A_325 : i32
    %sign3A_327 = arith.constant 0 : i32
    %sign3A_328 = arith.cmpi sgt, %jit3A_318, %sign3A_327 : i32
    %sign3A_329 = arith.extui %sign3A_328 : i1 to i32
    %sign3A_330 = arith.constant 0 : i32
    %sign3A_331 = arith.cmpi slt, %jit3A_318, %sign3A_330 : i32
    %sign3A_332 = arith.extui %sign3A_331 : i1 to i32
    %sign3A_333 = arith.subi %sign3A_329, %sign3A_332 : i32
    %ne3A_334 = arith.cmpi ne, %sign3A_326, %sign3A_333 : i32
    %rem3A_335 = arith.remsi %add3A_317, %jit3A_318 : i32
    %ne3A_336 = arith.constant 0 : i32
    %ne3A_337 = arith.cmpi ne, %rem3A_335, %ne3A_336 : i32
    %and3A_338 = arith.andi %ne3A_334, %ne3A_337 : i1
    %sub3A_339 = arith.constant 1 : i32
    %sub3A_340 = arith.subi %div3A_319, %sub3A_339 : i32
    %select_n3A_341 = arith.select %and3A_338, %sub3A_340, %div3A_319 : i32
    %jit3A_342 = arith.constant 32 : i32
    %eq3A_343 = arith.constant 0 : i32
    %eq3A_344 = arith.cmpi eq, %jit3A_342, %eq3A_343 : i32
    %jit3A_345 = arith.constant 1 : i32
    %select_n3A_346 = arith.select %eq3A_344, %jit3A_345, %jit3A_342 : i32
    %rem3A_347 = arith.remsi %add3A_317, %select_n3A_346 : i32
    %ne3A_348 = arith.constant 0 : i32
    %ne3A_349 = arith.cmpi ne, %rem3A_347, %ne3A_348 : i32
    %lt3A_350 = arith.constant 0 : i32
    %lt3A_351 = arith.cmpi slt, %rem3A_347, %lt3A_350 : i32
    %lt3A_352 = arith.constant 0 : i32
    %lt3A_353 = arith.cmpi slt, %select_n3A_346, %lt3A_352 : i32
    %ne3A_354 = arith.xori %lt3A_351, %lt3A_353 : i1
    %and3A_355 = arith.andi %ne3A_354, %ne3A_349 : i1
    %add3A_356 = arith.addi %rem3A_347, %select_n3A_346 : i32
    %select_n3A_357 = arith.select %and3A_355, %add3A_356, %rem3A_347 : i32
    %dma_wait3A_358 = arith.constant 0 : i32
    %dma_wait3A_359 = arith.constant 0 : i32
    %dma_wait3A_360 = arith.constant 0 : i32
    %dma_wait3A_361 = tpu.memref_slice %arg17[%dma_wait3A_358, %dma_wait3A_359, %dma_wait3A_360] : memref<8x8x133xf32, #tpu.memory_space<vmem>> -> memref<8x8x128xf32, #tpu.memory_space<vmem>>
    %dma_wait3A_362 = arith.constant 0 : i32
    %dma_wait3A_363 = arith.constant 0 : i32
    %dma_wait3A_364 = arith.constant 0 : i32
    %dma_wait3A_365 = tpu.memref_slice %arg5[%select_n3A_341, %dma_wait3A_362, %select_n3A_357, %dma_wait3A_363, %dma_wait3A_364] : memref<200x8x32x8x128xf32, #tpu.memory_space<hbm>> -> memref<1x8x1x8x128xf32, #tpu.memory_space<hbm>>
    %dma_wait3A_366 = tpu.memref_squeeze %dma_wait3A_365 : memref<1x8x1x8x128xf32, #tpu.memory_space<hbm>> -> memref<8x8x128xf32, #tpu.memory_space<hbm>>
    %dma_wait3A_367 = arith.constant 0 : i32
    %dma_wait3A_368 = arith.constant 0 : i32
    %dma_wait3A_369 = arith.constant 0 : i32
    %dma_wait3A_370 = tpu.memref_slice %arg5[%select_n3A_341, %dma_wait3A_367, %select_n3A_357, %dma_wait3A_368, %dma_wait3A_369] : memref<200x8x32x8x128xf32, #tpu.memory_space<hbm>> -> memref<1x8x1x8x128xf32, #tpu.memory_space<hbm>>
    %dma_wait3A_371 = tpu.memref_squeeze %dma_wait3A_370 : memref<1x8x1x8x128xf32, #tpu.memory_space<hbm>> -> memref<8x8x128xf32, #tpu.memory_space<hbm>>
    %dma_wait3A_372 = arith.constant 0 : i32
    %dma_wait3A_373 = arith.constant 0 : i32
    %dma_wait3A_374 = arith.constant 0 : i32
    %dma_wait3A_375 = tpu.memref_slice %arg17[%dma_wait3A_372, %dma_wait3A_373, %dma_wait3A_374] : memref<8x8x133xf32, #tpu.memory_space<vmem>> -> memref<8x8x128xf32, #tpu.memory_space<vmem>>
    tpu.wait_dma2 semaphore(%arg27 : memref<!tpu.dma_semaphore, #tpu.memory_space<semaphore_mem>>) src(%dma_wait3A_375 : memref<8x8x128xf32, #tpu.memory_space<vmem>>) dst(%dma_wait3A_371 : memref<8x8x128xf32, #tpu.memory_space<hbm>>)
    return
  }
}

</mosaic_0001>

<sc_bundles>
// kernel: kernel.3.cloned.1.call-start
scs
__scs_entry_jumppad:
0x0: {  	(pc) =	sbr.rel $0x88, $3  }
0x1: {  	(tag) =	ssettag $0x0;
	lr =	simm.s32 $0x1  }
0x2: {  	[smem:$0x3F9F] =	sst lr;
	_ =	strace $0xD0000000  }
0x3: {  	_ = 	snop  }
0x4: {  	_ = 	snop  }
0x5: {  	_ = 	snop  }
0x6: {  	_ = 	snop  }
0x7: {  	_ = 	snop  }
__scs_overlays_trampoline_lowered:
0x8: {  	[smem:$0x3FAE] =	sst s0  }
0x9: {  	[smem:$0x3FAF] =	sst s1  }
0xa: {  	[smem:$0x3FB0] =	sst s2  }
0xb: {  	[smem:$0x3FB1] =	sst s3  }
0xc: {  	[smem:$0x3FB2] =	sst s4  }
0xd: {  	[smem:$0x3FB3] =	sst s5  }
0xe: {  	[smem:$0x3FB4] =	sst s6  }
0xf: {  	[smem:$0x3FB5] =	sst s7  }
0x10: {  	[smem:$0x3FB6] =	sst s8  }
0x11: {  	[smem:$0x3FB7] =	sst s9;
	s0 =	simm.s32 @!p0 $0x0  }
0x12: {  	s1 =	sld [smem:$0x3F9D];
	s0 =	simm.s32 @p0 $0x1  }
0x13: {  	[smem:$0x3FB8] =	sst s0;
	s0 =	simm.s32 @!p1 $0x0  }
0x14: {  	s2 =	sld [smem:$0x3F9C];
	s0 =	simm.s32 @p1 $0x1  }
0x15: {  	[smem:$0x3FB9] =	sst s0;
	s0 =	simm.s32 @!p2 $0x0  }
0x16: {  	s3 =	sld [smem:$0x3FDB];
	s0 =	simm.s32 @p2 $0x1  }
0x17: {  	s4 =	simm.s32 $0x1BF5;
	[smem:$0x3FBB] =	sst s0  }
0x18: {  	s0 =	sld [smem:$0x3F9E];
	_ =	swait.ge [sflag:s4], $0x0  }
0x19: {  	s7 =	sld [smem:$0x3F9F]  }
0x1a: {  	s8 =	sadd.s32 $0xFFFFE003, lr  }
0x1b: {  	s9 =	sadd.s32 $0xFFFFFEF7, lr;
	s5 =	simm.s32 $0xFFFFFFFF;
	p2 =	slt.u32 s8, $0xFFFFF086  }
0x1c: {  	p1 =	slt.u32 s9, $0xF7A;
	s5 =	simm.s32 @!p2 $0x0  }
0x1d: {  	s5 =	simm.s32 @p1 $0x1;
	p0 =	seq.s32 s7, s2  }
0x1e: {  	s7 =	smul.u32 @!p0 $0xF7A, s2;
	p2 =	seq.s32 @!p0 s5, $0x0  }
0x1f: {  	s9 =	smul.u32 $0xF7A, s1;
	s8 =	simm.s32 @!p0 $0x1BF5;
	p2 =	por !p2, p0  }
0x20: {  	[sflag:s8] =	ssyncset.s32 @!p0 $0xFFFFF086;
	s6 =	sadd.s32 @!p0 s3, s7;
	s7 =	simm.s32 @!p0 $0x108  }
0x21: {  	s3 =	sadd.s32 s3, s9;
	s6 =	sadd.s32 @!p0 $0x88, s6;
	s7 =	simm.s32 @p2 $0x1082  }
0x22: {  	[simem:s7], [sflag:s8] =	dma.local @!p0 [hbm:s6], $0xF7A  }
0x23: {  	s9 =	sor.u32 $0xD0000000, s2;
	s6 =	simm.s32 $0x108;
	_ =	swait.ge @!p0 [sflag:s8], $0x0  }
0x24: {  	s3 =	sadd.s32 $0x88, s3;
	s6 =	simm.s32 @!p1 $0x1082;
	[sflag:s4] =	ssyncset.s32 $0xFFFFF086  }
0x25: {  	[simem:s6], [sflag:s4] =	dma.local [hbm:s3], $0xF7A  }
0x26: {  	[smem:$0x3F9F] =	sst s1;
	(tag) =	ssettag s2;
	_ =	strace s9  }
0x27: {  	s1 =	sld [smem:$0x3FAF]  }
0x28: {  	s2 =	sld [smem:$0x3FB0]  }
0x29: {  	s4 =	sld [smem:$0x3FB2]  }
0x2a: {  	p0 =	seq.s32 s5, $0x0;
	s5 =	sld [smem:$0x3FB3]  }
0x2b: {  	s6 =	sld [smem:$0x3FB4]  }
0x2c: {  	s7 =	sld [smem:$0x3FB5]  }
0x2d: {  	s3 =	simm.s32 $0x108;
	s8 =	sld [smem:$0x3FB6]  }
0x2e: {  	s3 =	simm.s32 @!p0 $0x1082;
	s9 =	sld [smem:$0x3FB7]  }
0x2f: {  	lr =	sadd.s32 s0, s3;
	s0 =	sld [smem:$0x3FAE]  }
0x30: {  	s3 =	sld [smem:$0x3FB1]  }
0x31: {  	[smem:$0x3FBA] =	sst s10  }
0x32: {  	s10 =	sld [smem:$0x3FB8];
	_ =	sdelay $0x3  }
0x33: {  	p0 =	seq.s32 s10, $0x1;
	s10 =	sld [smem:$0x3FBA];
	_ =	sdelay $0x3  }
0x34: {  	[smem:$0x3FBA] =	sst s10  }
0x35: {  	s10 =	sld [smem:$0x3FB9];
	_ =	sdelay $0x3  }
0x36: {  	p1 =	seq.s32 s10, $0x1;
	s10 =	sld [smem:$0x3FBA];
	_ =	sdelay $0x3  }
0x37: {  	[smem:$0x3FBA] =	sst s10  }
0x38: {  	s10 =	sld [smem:$0x3FBB]  }
0x39: {  	_ = 	snop;
	(pc) =	sbr.ind lr, $3  }
0x3a: {  	_ = 	snop  }
0x3b: {  	_ = 	snop  }
0x3c: {  	p2 =	seq.s32 s10, $0x1;
	s10 =	sld [smem:$0x3FBA]  }
0x3d: {  	_ =	shalt  }
0x3e: {  	_ =	shalt  }
0x3f: {  	_ =	shalt  }
0x40: {  	_ =	shalt  }
0x41: {  	_ =	shalt  }
0x42: {  	_ =	shalt  }
0x43: {  	_ =	shalt  }
0x44: {  	_ =	shalt  }
0x45: {  	_ =	shalt  }
0x46: {  	_ =	shalt  }
0x47: {  	_ =	shalt  }
0x48: {  	_ =	shalt  }
0x49: {  	_ =	shalt  }
0x4a: {  	_ =	shalt  }
0x4b: {  	_ =	shalt  }
0x4c: {  	_ =	shalt  }
0x4d: {  	_ =	shalt  }
0x4e: {  	_ =	shalt  }
0x4f: {  	_ =	shalt  }
0x50: {  	_ =	shalt  }
0x51: {  	_ =	shalt  }
0x52: {  	_ =	shalt  }
0x53: {  	_ =	shalt  }
0x54: {  	_ =	shalt  }
0x55: {  	_ =	shalt  }
0x56: {  	_ =	shalt  }
0x57: {  	_ =	shalt  }
0x58: {  	_ =	shalt  }
0x59: {  	_ =	shalt  }
0x5a: {  	_ =	shalt  }
0x5b: {  	_ =	shalt  }
0x5c: {  	_ =	shalt  }
0x5d: {  	_ =	shalt  }
0x5e: {  	_ =	shalt  }
0x5f: {  	_ =	shalt  }
0x60: {  	_ =	shalt  }
0x61: {  	_ =	shalt  }
0x62: {  	_ =	shalt  }
0x63: {  	_ =	shalt  }
0x64: {  	_ =	shalt  }
0x65: {  	_ =	shalt  }
0x66: {  	_ =	shalt  }
0x67: {  	_ =	shalt  }
0x68: {  	_ =	shalt  }
0x69: {  	_ =	shalt  }
0x6a: {  	_ =	shalt  }
0x6b: {  	_ =	shalt  }
0x6c: {  	_ =	shalt  }
0x6d: {  	_ =	shalt  }
0x6e: {  	_ =	shalt  }
0x6f: {  	_ =	shalt  }
0x70: {  	_ =	shalt  }
0x71: {  	_ =	shalt  }
0x72: {  	_ =	shalt  }
0x73: {  	_ =	shalt  }
0x74: {  	_ =	shalt  }
0x75: {  	_ =	shalt  }
0x76: {  	_ =	shalt  }
0x77: {  	_ =	shalt  }
0x78: {  	_ =	shalt  }
0x79: {  	_ =	shalt  }
0x7a: {  	_ =	shalt  }
0x7b: {  	_ =	shalt  }
0x7c: {  	_ =	shalt  }
0x7d: {  	_ =	shalt  }
0x7e: {  	_ =	shalt  }
0x7f: {  	_ =	shalt  }
0x80: {  	_ =	shalt  }
0x81: {  	_ =	shalt  }
0x82: {  	_ =	shalt  }
0x83: {  	_ =	shalt  }
0x84: {  	_ =	shalt  }
0x85: {  	_ =	shalt  }
0x86: {  	_ =	shalt  }
0x87: {  	_ =	shalt  }
.Lfunc_end0:
.L_simem_size_0:
called_computation_lowered:
.L_overlay_start_0:
0x88: {  	s2 =	sld [smem:$0x3FD9]  }
0x89: {  	s3 =	sld [smem:$0x3FFE];
	_ =	sdelay $0x1  }
0x8a: {  	s1 =	srdreg.scid  }
0x8b: {  	s0 =	sand.u32 $0x1, s1  }
0x8c: {  	s17 =	sshll.u32 s0, $0xA;
	s2 =	sadd.s32 s3, s2  }
0x8d: {  	s2 =	sadd.s32 s2, s17  }
0x8e: {  	[smem:$0x3FC6] =	sst s2  }
0x8f: {  	_ = 	snop  }
0x90: {  	s2 =	sld [smem:$0x3FD0];
	(tm) =	ssettm $0x1  }
0x91: {  	s18 =	sld [smem:$0x3FFB];
	_ =	sdelay $0x3  }
0x92: {  	_ =	strace s18  }
0x93: {  	s3 =	sld [smem:$0x3FFC];
	_ =	sdelay $0x3  }
0x94: {  	_ =	strace s3  }
0x95: {  	s3 =	sld [smem:$0x3FFD];
	_ =	sdelay $0x3  }
0x96: {  	_ =	strace s3  }
0x97: {  	_ =	strace $0x8FFFFFFF  }
0x98: {  	s19 =	sld [smem:$0x3FDB];
	_ =	sdelay $0x1  }
0x99: {  	s4 =	simm.s32 $_scs_section_size  }
0x9a: {  	s5 =	simm.s32 $_size__tile_overlayer_lowered;
	s6 =	simm.s32 $_tile_overlayer_lowered  }
0x9b: {  	s22 =	simm.s32 $0x1BFF;
	s21 =	sshll.u32 s6, $0x1;
	s3 =	sadd.s32 s4, s19  }
0x9c: {  	s7 =	simm.s32 $0x0;
	s20 =	sshll.u32 s5, $0x1;
	s5 =	sadd.s32 s21, s3  }
0x9d: {  	[timem:s7], [sflag:s22] =	dma.local [hbm:s5], s20  }
0x9e: {  	_ =	swait.ge [sflag:s22], s20  }
0x9f: {  	s4 =	ssub.s32 $0x0, s20;
	[sflag:s22] =	ssyncset.done $0x0  }
0xa0: {  	[sflag:s22] =	ssyncadd.s32 s4;
	_ =	sdelay $0x1  }
0xa1: {  	s23 =	simm.s32 $0x1B8B  }
0xa2: {  	_ =	swait.ge [sflag:s23], $0x1  }
0xa3: {  	[sflag:s23] =	ssyncset.done $0x0  }
0xa4: {  	s25 =	simm.s32 $0x1B8E;
	s24 =	sld [smem:$0x3FFE];
	[sflag:s23] =	ssyncadd.s32 $0xFFFFFFFF  }
0xa5: {  	s26 =	simm.s32 $execute0_lowered;
	[smem:$0x3FD2] =	sst s25  }
0xa6: {  	s5 =	sshll.u32 s26, $0x1;
	_ =	strace $0x80000046;
	[dreg:$0x1] =	wrdreg $0xFFFFFFFF  }
0xa7: {  	s28 =	simm.s32 $_size_execute0_lowered;
	s3 =	sadd.s32 s3, s5;
	[dreg:$0x0] =	wrdreg $0x0  }
0xa8: {  	s5 =	sshll.u32 s28, $0x1;
	[dreg:$0x2] =	wrdreg s3  }
0xa9: {  	[dreg:$0x3] =	wrdreg s5  }
0xaa: {  	[dreg:$0x4] =	wrdreg $0xC0  }
0xab: {  	_ =	task [dreg:s7], $0x5FFFF  }
0xac: {  	[dreg:$0x1] =	wrdreg $0xFFFFFFFF  }
0xad: {  	[dreg:$0x0] =	wrdreg $0x60  }
0xae: {  	[dreg:$0x2] =	wrdreg s24  }
0xaf: {  	[dreg:$0x3] =	wrdreg s2  }
0xb0: {  	[dreg:$0x4] =	wrdreg $0x9  }
0xb1: {  	_ =	task.clear_ibuf [dreg:s7], $0x5FFFF;
	_ =	strace $0x90000046  }
0xb2: {  	s29 =	simm.s32 $0x9;
	_ =	strace $0x80000048  }
0xb3: {  	_ =	swait.ge [sflag:s29], $0x1  }
0xb4: {  	[sflag:s29] =	ssyncadd.s32 $0xFFFFFFFF  }
0xb5: {  	_ =	strace $0x90000048  }
0xb6: {  	_ =	sfence  }
0xb7: {  	s30 =	sld [smem:$0x0];
	_ =	sdelay $0x2  }
0xb8: {  	s31 =	sshll.u32 s1, $0xD;
	s1 =	sshrl.u32 s1, $0x2  }
0xb9: {  	s3 =	sand.u32 $0x4000, s31;
	s1 =	sadd.s32 s1, s30  }
0xba: {  	s0 =	sor.u32 s3, s0;
	s1 =	sshll.u32 s1, $0x11  }
0xbb: {  	s0 =	sor.u32 s1, s0  }
0xbc: {  	s0 =	sadd.s32 $0x8F2B, s0  }
0xbd: {  	[sflag:s0] =	ssyncadd.remote.s32 $0x1  }
0xbe: {  	_ =	sfence.sel $0xFFFF  }
0xbf: {  	[dreg:$0x0] =	wrdreg $0xFFFFFFFF;
	(pc) =	sbr.abs _section_cstart, $3  }
0xc0: {  	[dreg:$0x1] =	wrdreg $0xFFFFFFFF  }
0xc1: {  	_ =	task.clear_ibuf [dreg:s7], $0x2FFFF;
	_ =	strace $0x9FFFFFFF  }
0xc2: {  	(tm) =	ssettm $0x7FFFFFFF  }
0xc3: {  	_ =	shalt  }
tec
execute0_lowered:
.L_overlay_start_1:
0x0: {  	(tag) =	ssettag $0x1  }
0x1: {  	s0 =	srdreg.scid;
	s2 =	stileid.u32  }
0x2: {  	s1 =	rddreg [dreg:$0x0];
	s15 =	simm.s32 $0x80;
	s23 =	simm.s32 $0x1  }
0x3: {  	s24 =	simm.s32 $0x10600;
	s28 =	simm.s32 $0x12800;
	s29 =	simm.s32 $0x3  }
0x4: {  	s30 =	simm.s32 $0x14A00;
	s31 =	simm.s32 $0x4;
	s16 =	simm.s32 $0x18E00  }
0x5: {  	s20 =	simm.s32 $0x9;
	s0 =	sand.u32 $0x1, s0;
	s3 =	sshll.u32 s2, $0x1  }
0x6: {  	s2 =	rddreg [dreg:$0x1];
	s5 =	sor.u32 s0, s3;
	s3 =	simm.s32 $0x0  }
0x7: {  	s0 =	ssub.s32 $0x2, s0;
	s4 =	smul.u32 $0xC8, s5;
	[smem:$0x7FF] =	sst s3  }
0x8: {  	s6 =	smul.u32 $0xC80, s5;
	s9 =	sshrl.u32 s0, $0x1;
	_ =	strace $0x80000047  }
0x9: {  	s0 =	ssub.s32 s0, s9;
	s9 =	simm.s32 $0x0;
	s5 =	sshrl.u32 s4, $0x5  }
0xa: {  	s7 =	sadd.s32 s6, s1;
	s6 =	sadd.s32 $0x19C00, s1;
	s26 =	sor.u32 $0x1, s4  }
.Ltmp0:
0xb: {  	s10 =	sor.u32 $0x2, s4;
	s11 =	sor.u32 $0x3, s4;
	(pc) =	sbr.rel .LBB2_1-.Ltmp0, $4  }
0xc: {  	v0 =	vlaneseq.u32;
	s0 =	smax.u32 s0, $0x1;
	s8 =	sshll.u32 s5, $0x3;
	[dreg:$0x5] =	wrdreg s26  }
0xd: {  	v0 =	vmul.u32 $0x88, v0;
	s25 =	sadd.s32 $0xC00, s7;
	[dreg:$0x6] =	wrdreg s0;
	s1 =	sadd.s32 s8, s1  }
0xe: {  	s26 =	simm.s32 $0x2;
	[dreg:$0x4] =	wrdreg s25;
	s1 =	sadd.s32 $0x400, s1  }
0xf: {  	v1 =	vadd.s32 $0x880, v0;
	v2 =	vadd.s32 $0x1100, v0;
	v3 =	vadd.s32 $0x1980, v0;
	s0 =	simm.s32 $0x5;
	[dreg:$0x3] =	wrdreg s1;
	s1 =	simm.s32 $0x16C00  }
.LBB2_54:
0x10: {  	s7 =	simm.s32 $0x6  }
0x11: {  	_ =	swait.ge [sflag:s7], $0x2000  }
0x12: {  	[sflag:s7] =	ssyncset.done $0x0  }
0x13: {  	s21 =	simm.s32 $0x7;
	[sflag:s7] =	ssyncadd.s32 $0xFFFFE000  }
0x14: {  	_ =	swait.ge [sflag:s21], $0x2000  }
0x15: {  	[sflag:s21] =	ssyncset.done $0x0  }
0x16: {  	s22 =	simm.s32 $0x8;
	[sflag:s21] =	ssyncadd.s32 $0xFFFFE000  }
0x17: {  	_ =	swait.ge [sflag:s22], $0x2000  }
0x18: {  	[sflag:s22] =	ssyncset.done $0x0  }
0x19: {  	[sflag:s22] =	ssyncadd.s32 $0xFFFFE000  }
0x1a: {  	_ =	swait.ge [sflag:s20], $0x2000  }
0x1b: {  	[sflag:s20] =	ssyncset.done $0x0  }
0x1c: {  	s8 =	simm.s32 $0xA;
	[sflag:s20] =	ssyncadd.s32 $0xFFFFE000  }
0x1d: {  	_ =	swait.ge [sflag:s8], $0x2000  }
0x1e: {  	s9 =	rddreg [dreg:$0x7]  }
0x1f: {  	s25 =	rddreg [dreg:$0x6];
	s9 =	sadd.s32 $0x1, s9  }
0x20: {  	p0 =	sne.s32 s9, s25  }
.Ltmp1:
0x21: {  	_ = 	snop;
	(pc) =	sbr.rel @!p0 .LBB2_55-.Ltmp1, $3  }
0x22: {  	_ =	sdelay $0x1  }
0x23: {  	[sflag:s8] =	ssyncset.done $0x0  }
0x24: {  	[sflag:s8] =	ssyncadd.s32 $0xFFFFE000  }
.LBB2_1:
0x25: {  	[dreg:$0x7] =	wrdreg s9  }
0x26: {  	s7 =	rddreg [dreg:$0x3];
	s8 =	simm.s32 $0xB  }
0x27: {  	[tilespmem:s3], [sflag:$0xB] =	stream.linear.gather [hbm4b:s7+s3], $0x200, $0x38;
	[tilespmem:$0x1B000] =	vst v63  }
0x28: {  	_ =	swait.ge [sflag:s8], $0x200  }
0x29: {  	[sflag:s8] =	ssyncset.done $0x0  }
0x2a: {  	s13 =	simm.s32 $0x200;
	s12 =	rddreg [dreg:$0x4];
	[sflag:s8] =	ssyncadd.s32 $0xFFFFFE00  }
0x2b: {  	[tilespmem:s13], [sflag:$0xB] =	stream.linear.gather [hbm4b:s12+s3], $0x6400, $0x38;
	[tilespmem:$0x1B000] =	vst v63  }
0x2c: {  	_ =	swait.ge [sflag:s8], $0x6400  }
0x2d: {  	[sflag:s8] =	ssyncset.done $0x0  }
0x2e: {  	s14 =	simm.s32 $0x6600;
	[sflag:s8] =	ssyncadd.s32 $0xFFFF9C00  }
0x2f: {  	[tilespmem:s14], [sflag:$0x1] =	stream.indirect.gather [hbm4b:s6+s15], $0x40, s13, s15, $0xb8;
	[tilespmem:$0x1B000] =	vst v63  }
0x30: {  	s17 =	simm.s32 $0x280;
	s18 =	simm.s32 $0x8600  }
0x31: {  	[tilespmem:s18], [sflag:$0x2] =	stream.indirect.gather [hbm4b:s6+s15], $0x40, s17, s15, $0xb8;
	[tilespmem:$0x1B000] =	vst v63  }
0x32: {  	s19 =	simm.s32 $0x300;
	s21 =	simm.s32 $0xA600  }
0x33: {  	[tilespmem:s21], [sflag:$0x3] =	stream.indirect.gather [hbm4b:s6+s15], $0x40, s19, s15, $0xb8;
	[tilespmem:$0x1B000] =	vst v63  }
0x34: {  	s22 =	simm.s32 $0x380;
	s25 =	simm.s32 $0xC600;
	s7 =	simm.s32 $0x0  }
0x35: {  	[tilespmem:s25], [sflag:$0x4] =	stream.indirect.gather [hbm4b:s6+s15], $0x40, s22, s15, $0xb8;
	[tilespmem:$0x1B000] =	vst v63  }
.LBB2_2:
0x36: {  	s12 =	smul.u32 $0x5, s7  }
0x37: {  	_ =	swait.ge [sflag:s23], $0x2000  }
0x38: {  	[sflag:s23] =	ssyncset.done $0x0;
	s17 =	sadd.s32 s4, s12  }
0x39: {  	s22 =	simm.s32 $0x6680;
	[sflag:s23] =	ssyncadd.s32 $0xFFFFE000;
	s8 =	sshrl.u32 s17, $0x5  }
0x3a: {  	v6 =	vld [tilespmem:s22+$0x40];
	s13 =	ssub.s32 s8, s5  }
0x3b: {  	s14 =	simm.s32 $0x3;
	s21 =	simm.s32 $0x1;
	v7 =	vld [tilespmem:s22+$0xFFFFFFC0];
	s13 =	sshll.u32 s13, $0x8  }
0x3c: {  	v5 =	vmov s14;
	v8 =	vmov s21;
	v11 =	vld [tilespmem:s22+$0x0];
	s18 =	sshra.s32 s13, $0x2  }
0x3d: {  	v5 =	vand.u32 $0x7F, v5;
	v10 =	vand.u32 $0x7D, v8;
	v4 =	vld [tilespmem:s18+$0x0]  }
0x3e: {  	s25 =	simm.s32 $0x2;
	v8 =	vadd.s32 v0, v5;
	v5 =	vadd.s32 v0, v10;
	v10 =	vld [tilespmem:s22+$0xFFFFFF80]  }
0x3f: {  	s19 =	simm.s32 $0x0;
	v12 =	vmov s25  }
0x40: {  	v9 =	vmov s19;
	v13 =	vand.u32 $0x7E, v12;
	v14 =	vmul.f32 $8.000000000e+00, v6  }
0x41: {  	s19 =	simm.s32 $0x6780;
	v15 =	vand.u32 $0x7C, v9;
	v12 =	vmul.f32 $8.000000000e+00, v7;
	v6 =	vadd.s32 v0, v13  }
0x42: {  	s14 =	simm.s32 $0x8;
	v9 =	vld [tilespmem:s19+$0x40];
	s13 =	simm.s32 $0x4;
	v7 =	vadd.s32 v0, v15;
	v13 =	vmul.f32 $8.000000000e+00, v11;
	v11 =	vadd.f32 v14, v4  }
.LBB2_3:
0x43: {  	p0 =	slt.u32 s14, $0x7C;
	v14 =	vld [tilespmem:s19+$0xFFFFFFC0];
	s21 =	sadd.s32 $0x3, s13;
	v15 =	vmul.f32 $8.000000000e+00, v10;
	v12 =	vadd.f32 v12, v4  }
0x44: {  	v16 =	vmov s13;
	s22 =	sadd.s32 $0x1, s13;
	v17 =	vld [tilespmem:s19+$0x0];
	v18 =	vmov s21;
	v13 =	vadd.f32 v13, v4;
	[tilespmem:v8+s24+$0x0] =	vst.idx.msk $0xffff, v11  }
.Ltmp2:
0x45: {  	v8 =	vmov s22;
	s21 =	sadd.s32 $0x2, s13;
	s13 =	smov.u32 s14;
	v10 =	vld [tilespmem:s19+$0xFFFFFF80];
	v11 =	vand.u32 $0x7F, v18;
	v15 =	vadd.f32 v15, v4;
	[tilespmem:v5+s24+$0x0] =	vst.idx.msk $0xffff, v12;
	(pc) =	sbr.rel @p0 .LBB2_3-.Ltmp2, $4  }
0x46: {  	v5 =	vand.u32 $0x7D, v8;
	v12 =	vmov s21;
	v8 =	vadd.s32 v0, v11;
	[tilespmem:v6+s24+$0x0] =	vst.idx.msk $0xffff, v13  }
0x47: {  	v5 =	vadd.s32 v0, v5;
	v6 =	vand.u32 $0x7E, v12;
	v11 =	vmul.f32 $8.000000000e+00, v9;
	[tilespmem:v7+s24+$0x0] =	vst.idx.msk $0xffff, v15  }
0x48: {  	s19 =	sadd.s32 $0x100, s19;
	v7 =	vand.u32 $0x7C, v16;
	v6 =	vadd.s32 v0, v6;
	v12 =	vmul.f32 $8.000000000e+00, v14  }
0x49: {  	s14 =	sadd.s32 $0x4, s14;
	v7 =	vadd.s32 v0, v7;
	v9 =	vld [tilespmem:s19+$0x40];
	v13 =	vmul.f32 $8.000000000e+00, v17;
	v11 =	vadd.f32 v11, v4  }
0x4a: {  	v14 =	vld [tilespmem:s19+$0xFFFFFFC0];
	s14 =	sadd.s32 $0x3, s13;
	v10 =	vmul.f32 $8.000000000e+00, v10;
	v12 =	vadd.f32 v12, v4  }
0x4b: {  	v15 =	vmov s13;
	s21 =	sadd.s32 $0x1, s13;
	v16 =	vld [tilespmem:s19+$0x0];
	s25 =	sadd.s32 $0x2, s13;
	v17 =	vmov s14;
	v13 =	vadd.f32 v13, v4  }
0x4c: {  	v18 =	vld [tilespmem:s19+$0xFFFFFF80];
	v19 =	vmov s21;
	v20 =	vmov s25;
	v17 =	vand.u32 $0x7F, v17  }
0x4d: {  	v10 =	vadd.f32 v10, v4;
	v19 =	vand.u32 $0x7D, v19;
	v17 =	vadd.s32 v0, v17  }
0x4e: {  	[tilespmem:v8+s24+$0x0] =	vst.idx.msk $0xffff, v11;
	v11 =	vand.u32 $0x7E, v20;
	v8 =	vadd.s32 v0, v19;
	v9 =	vmul.f32 $8.000000000e+00, v9  }
0x4f: {  	[tilespmem:v5+s24+$0x0] =	vst.idx.msk $0xffff, v12;
	v5 =	vand.u32 $0x7C, v15;
	v11 =	vadd.s32 v0, v11;
	v12 =	vmul.f32 $8.000000000e+00, v14  }
0x50: {  	[tilespmem:v6+s24+$0x0] =	vst.idx.msk $0xffff, v13;
	v5 =	vadd.s32 v0, v5;
	v6 =	vmul.f32 $8.000000000e+00, v16;
	v9 =	vadd.f32 v9, v4  }
0x51: {  	[tilespmem:v7+s24+$0x0] =	vst.idx.msk $0xffff, v10;
	v7 =	vmul.f32 $8.000000000e+00, v18;
	v10 =	vadd.f32 v12, v4  }
0x52: {  	v6 =	vadd.f32 v6, v4;
	[tilespmem:v17+s24+$0x0] =	vst.idx.msk $0xffff, v9  }
0x53: {  	v4 =	vadd.f32 v7, v4;
	[tilespmem:v8+s24+$0x0] =	vst.idx.msk $0xffff, v10  }
0x54: {  	[tilespmem:v11+s24+$0x0] =	vst.idx.msk $0xffff, v6  }
0x55: {  	[tilespmem:v5+s24+$0x0] =	vst.idx.msk $0xffff, v4  }
0x56: {  	s9 =	simm.s32 $0x6690;
	v4 =	vld [tilespmem:s18+$0x10]  }
0x57: {  	s19 =	simm.s32 $0x3;
	s22 =	simm.s32 $0x1;
	v6 =	vld [tilespmem:s9+$0x40]  }
0x58: {  	v5 =	vmov s19;
	v8 =	vmov s22;
	v7 =	vld [tilespmem:s9+$0xFFFFFFC0]  }
0x59: {  	v11 =	vld [tilespmem:s9+$0x0];
	v5 =	vand.u32 $0x7F, v5;
	v10 =	vand.u32 $0x7D, v8  }
0x5a: {  	s25 =	simm.s32 $0x2;
	v8 =	vadd.s32 v1, v5;
	v5 =	vadd.s32 v1, v10;
	v10 =	vld [tilespmem:s9+$0xFFFFFF80]  }
0x5b: {  	s21 =	simm.s32 $0x0;
	v12 =	vmov s25  }
0x5c: {  	v9 =	vmov s21;
	v13 =	vand.u32 $0x7E, v12;
	v14 =	vmul.f32 $8.000000000e+00, v6  }
0x5d: {  	v15 =	vand.u32 $0x7C, v9;
	s19 =	simm.s32 $0x6790;
	v12 =	vmul.f32 $8.000000000e+00, v7;
	v6 =	vadd.s32 v1, v13  }
0x5e: {  	s13 =	simm.s32 $0x4;
	s14 =	simm.s32 $0x8;
	v9 =	vld [tilespmem:s19+$0x40];
	v7 =	vadd.s32 v1, v15;
	v13 =	vmul.f32 $8.000000000e+00, v11;
	v11 =	vadd.f32 v14, v4  }
.LBB2_5:
0x5f: {  	p0 =	slt.u32 s14, $0x7C;
	v14 =	vld [tilespmem:s19+$0xFFFFFFC0];
	s21 =	sadd.s32 $0x3, s13;
	v15 =	vmul.f32 $8.000000000e+00, v10;
	v12 =	vadd.f32 v12, v4  }
0x60: {  	v16 =	vmov s13;
	s22 =	sadd.s32 $0x1, s13;
	v17 =	vld [tilespmem:s19+$0x0];
	v18 =	vmov s21;
	v13 =	vadd.f32 v13, v4;
	[tilespmem:v8+s24+$0x0] =	vst.idx.msk $0xffff, v11  }
.Ltmp3:
0x61: {  	v8 =	vmov s22;
	s21 =	sadd.s32 $0x2, s13;
	s13 =	smov.u32 s14;
	v10 =	vld [tilespmem:s19+$0xFFFFFF80];
	v11 =	vand.u32 $0x7F, v18;
	v15 =	vadd.f32 v15, v4;
	[tilespmem:v5+s24+$0x0] =	vst.idx.msk $0xffff, v12;
	(pc) =	sbr.rel @p0 .LBB2_5-.Ltmp3, $4  }
0x62: {  	v5 =	vand.u32 $0x7D, v8;
	v12 =	vmov s21;
	v8 =	vadd.s32 v1, v11;
	[tilespmem:v6+s24+$0x0] =	vst.idx.msk $0xffff, v13  }
0x63: {  	v5 =	vadd.s32 v1, v5;
	v6 =	vand.u32 $0x7E, v12;
	v11 =	vmul.f32 $8.000000000e+00, v9;
	[tilespmem:v7+s24+$0x0] =	vst.idx.msk $0xffff, v15  }
0x64: {  	s19 =	sadd.s32 $0x100, s19;
	v7 =	vand.u32 $0x7C, v16;
	v6 =	vadd.s32 v1, v6;
	v12 =	vmul.f32 $8.000000000e+00, v14  }
0x65: {  	s14 =	sadd.s32 $0x4, s14;
	v7 =	vadd.s32 v1, v7;
	v9 =	vld [tilespmem:s19+$0x40];
	v13 =	vmul.f32 $8.000000000e+00, v17;
	v11 =	vadd.f32 v11, v4  }
0x66: {  	v14 =	vld [tilespmem:s19+$0xFFFFFFC0];
	s14 =	sadd.s32 $0x3, s13;
	v10 =	vmul.f32 $8.000000000e+00, v10;
	v12 =	vadd.f32 v12, v4  }
0x67: {  	v15 =	vmov s13;
	s21 =	sadd.s32 $0x1, s13;
	v16 =	vld [tilespmem:s19+$0x0];
	s25 =	sadd.s32 $0x2, s13;
	v17 =	vmov s14;
	v13 =	vadd.f32 v13, v4  }
0x68: {  	v18 =	vld [tilespmem:s19+$0xFFFFFF80];
	v19 =	vmov s21;
	v20 =	vmov s25;
	v17 =	vand.u32 $0x7F, v17  }
0x69: {  	v10 =	vadd.f32 v10, v4;
	v19 =	vand.u32 $0x7D, v19;
	v17 =	vadd.s32 v1, v17  }
0x6a: {  	[tilespmem:v8+s24+$0x0] =	vst.idx.msk $0xffff, v11;
	v11 =	vand.u32 $0x7E, v20;
	v8 =	vadd.s32 v1, v19;
	v9 =	vmul.f32 $8.000000000e+00, v9  }
0x6b: {  	[tilespmem:v5+s24+$0x0] =	vst.idx.msk $0xffff, v12;
	v5 =	vand.u32 $0x7C, v15;
	v11 =	vadd.s32 v1, v11;
	v12 =	vmul.f32 $8.000000000e+00, v14  }
0x6c: {  	[tilespmem:v6+s24+$0x0] =	vst.idx.msk $0xffff, v13;
	v5 =	vadd.s32 v1, v5;
	v6 =	vmul.f32 $8.000000000e+00, v16;
	v9 =	vadd.f32 v9, v4  }
0x6d: {  	[tilespmem:v7+s24+$0x0] =	vst.idx.msk $0xffff, v10;
	v7 =	vmul.f32 $8.000000000e+00, v18;
	v10 =	vadd.f32 v12, v4  }
0x6e: {  	v6 =	vadd.f32 v6, v4;
	[tilespmem:v17+s24+$0x0] =	vst.idx.msk $0xffff, v9  }
0x6f: {  	v4 =	vadd.f32 v7, v4;
	[tilespmem:v8+s24+$0x0] =	vst.idx.msk $0xffff, v10  }
0x70: {  	[tilespmem:v11+s24+$0x0] =	vst.idx.msk $0xffff, v6  }
0x71: {  	[tilespmem:v5+s24+$0x0] =	vst.idx.msk $0xffff, v4  }
0x72: {  	s9 =	simm.s32 $0x66A0;
	v4 =	vld [tilespmem:s18+$0x20]  }
0x73: {  	s19 =	simm.s32 $0x3;
	s22 =	simm.s32 $0x1;
	v6 =	vld [tilespmem:s9+$0x40]  }
0x74: {  	v5 =	vmov s19;
	v8 =	vmov s22;
	v7 =	vld [tilespmem:s9+$0xFFFFFFC0]  }
0x75: {  	v11 =	vld [tilespmem:s9+$0x0];
	v5 =	vand.u32 $0x7F, v5;
	v10 =	vand.u32 $0x7D, v8  }
0x76: {  	s25 =	simm.s32 $0x2;
	v8 =	vadd.s32 v2, v5;
	v5 =	vadd.s32 v2, v10;
	v10 =	vld [tilespmem:s9+$0xFFFFFF80]  }
0x77: {  	s21 =	simm.s32 $0x0;
	v12 =	vmov s25  }
0x78: {  	v9 =	vmov s21;
	v13 =	vand.u32 $0x7E, v12;
	v14 =	vmul.f32 $8.000000000e+00, v6  }
0x79: {  	v15 =	vand.u32 $0x7C, v9;
	s19 =	simm.s32 $0x67A0;
	v12 =	vmul.f32 $8.000000000e+00, v7;
	v6 =	vadd.s32 v2, v13  }
0x7a: {  	s13 =	simm.s32 $0x4;
	s14 =	simm.s32 $0x8;
	v9 =	vld [tilespmem:s19+$0x40];
	v7 =	vadd.s32 v2, v15;
	v13 =	vmul.f32 $8.000000000e+00, v11;
	v11 =	vadd.f32 v14, v4  }
.LBB2_7:
0x7b: {  	p0 =	slt.u32 s14, $0x7C;
	v14 =	vld [tilespmem:s19+$0xFFFFFFC0];
	s21 =	sadd.s32 $0x3, s13;
	v15 =	vmul.f32 $8.000000000e+00, v10;
	v12 =	vadd.f32 v12, v4  }
0x7c: {  	v16 =	vmov s13;
	s22 =	sadd.s32 $0x1, s13;
	v17 =	vld [tilespmem:s19+$0x0];
	v18 =	vmov s21;
	v13 =	vadd.f32 v13, v4;
	[tilespmem:v8+s24+$0x0] =	vst.idx.msk $0xffff, v11  }
.Ltmp4:
0x7d: {  	v8 =	vmov s22;
	s21 =	sadd.s32 $0x2, s13;
	s13 =	smov.u32 s14;
	v10 =	vld [tilespmem:s19+$0xFFFFFF80];
	v11 =	vand.u32 $0x7F, v18;
	v15 =	vadd.f32 v15, v4;
	[tilespmem:v5+s24+$0x0] =	vst.idx.msk $0xffff, v12;
	(pc) =	sbr.rel @p0 .LBB2_7-.Ltmp4, $4  }
0x7e: {  	v5 =	vand.u32 $0x7D, v8;
	v12 =	vmov s21;
	v8 =	vadd.s32 v2, v11;
	[tilespmem:v6+s24+$0x0] =	vst.idx.msk $0xffff, v13  }
0x7f: {  	v5 =	vadd.s32 v2, v5;
	v6 =	vand.u32 $0x7E, v12;
	v11 =	vmul.f32 $8.000000000e+00, v9;
	[tilespmem:v7+s24+$0x0] =	vst.idx.msk $0xffff, v15  }
0x80: {  	s19 =	sadd.s32 $0x100, s19;
	v7 =	vand.u32 $0x7C, v16;
	v6 =	vadd.s32 v2, v6;
	v12 =	vmul.f32 $8.000000000e+00, v14  }
0x81: {  	s14 =	sadd.s32 $0x4, s14;
	v7 =	vadd.s32 v2, v7;
	v9 =	vld [tilespmem:s19+$0x40];
	v13 =	vmul.f32 $8.000000000e+00, v17;
	v11 =	vadd.f32 v11, v4  }
0x82: {  	v14 =	vld [tilespmem:s19+$0xFFFFFFC0];
	s14 =	sadd.s32 $0x3, s13;
	v10 =	vmul.f32 $8.000000000e+00, v10;
	v12 =	vadd.f32 v12, v4  }
0x83: {  	v15 =	vmov s13;
	s21 =	sadd.s32 $0x1, s13;
	v16 =	vld [tilespmem:s19+$0x0];
	s25 =	sadd.s32 $0x2, s13;
	v17 =	vmov s14;
	v13 =	vadd.f32 v13, v4  }
0x84: {  	v18 =	vld [tilespmem:s19+$0xFFFFFF80];
	v19 =	vmov s21;
	v20 =	vmov s25;
	v17 =	vand.u32 $0x7F, v17  }
0x85: {  	v10 =	vadd.f32 v10, v4;
	v19 =	vand.u32 $0x7D, v19;
	v17 =	vadd.s32 v2, v17  }
0x86: {  	[tilespmem:v8+s24+$0x0] =	vst.idx.msk $0xffff, v11;
	v11 =	vand.u32 $0x7E, v20;
	v8 =	vadd.s32 v2, v19;
	v9 =	vmul.f32 $8.000000000e+00, v9  }
0x87: {  	[tilespmem:v5+s24+$0x0] =	vst.idx.msk $0xffff, v12;
	v5 =	vand.u32 $0x7C, v15;
	v11 =	vadd.s32 v2, v11;
	v12 =	vmul.f32 $8.000000000e+00, v14  }
0x88: {  	[tilespmem:v6+s24+$0x0] =	vst.idx.msk $0xffff, v13;
	v5 =	vadd.s32 v2, v5;
	v6 =	vmul.f32 $8.000000000e+00, v16;
	v9 =	vadd.f32 v9, v4  }
0x89: {  	[tilespmem:v7+s24+$0x0] =	vst.idx.msk $0xffff, v10;
	v7 =	vmul.f32 $8.000000000e+00, v18;
	v10 =	vadd.f32 v12, v4  }
0x8a: {  	v6 =	vadd.f32 v6, v4;
	[tilespmem:v17+s24+$0x0] =	vst.idx.msk $0xffff, v9  }
0x8b: {  	v4 =	vadd.f32 v7, v4;
	[tilespmem:v8+s24+$0x0] =	vst.idx.msk $0xffff, v10  }
0x8c: {  	[tilespmem:v11+s24+$0x0] =	vst.idx.msk $0xffff, v6  }
0x8d: {  	[tilespmem:v5+s24+$0x0] =	vst.idx.msk $0xffff, v4  }
0x8e: {  	s9 =	simm.s32 $0x66B0;
	v4 =	vld [tilespmem:s18+$0x30]  }
0x8f: {  	s19 =	simm.s32 $0x3;
	s22 =	simm.s32 $0x1;
	v6 =	vld [tilespmem:s9+$0x40]  }
0x90: {  	v5 =	vmov s19;
	v8 =	vmov s22;
	v7 =	vld [tilespmem:s9+$0xFFFFFFC0]  }
0x91: {  	v11 =	vld [tilespmem:s9+$0x0];
	v5 =	vand.u32 $0x7F, v5;
	v10 =	vand.u32 $0x7D, v8  }
0x92: {  	s25 =	simm.s32 $0x2;
	v8 =	vadd.s32 v3, v5;
	v5 =	vadd.s32 v3, v10;
	v10 =	vld [tilespmem:s9+$0xFFFFFF80]  }
0x93: {  	s21 =	simm.s32 $0x0;
	v12 =	vmov s25  }
0x94: {  	v9 =	vmov s21;
	v13 =	vand.u32 $0x7E, v12;
	v14 =	vmul.f32 $8.000000000e+00, v6  }
0x95: {  	v15 =	vand.u32 $0x7C, v9;
	s18 =	simm.s32 $0x67B0;
	v12 =	vmul.f32 $8.000000000e+00, v7;
	v6 =	vadd.s32 v3, v13  }
0x96: {  	s13 =	simm.s32 $0x4;
	s14 =	simm.s32 $0x8;
	v9 =	vld [tilespmem:s18+$0x40];
	v7 =	vadd.s32 v3, v15;
	v13 =	vmul.f32 $8.000000000e+00, v11;
	v11 =	vadd.f32 v14, v4  }
.LBB2_9:
0x97: {  	p0 =	slt.u32 s14, $0x7C;
	v14 =	vld [tilespmem:s18+$0xFFFFFFC0];
	s19 =	sadd.s32 $0x3, s13;
	v15 =	vmul.f32 $8.000000000e+00, v10;
	v12 =	vadd.f32 v12, v4  }
0x98: {  	v16 =	vmov s13;
	s21 =	sadd.s32 $0x1, s13;
	v17 =	vld [tilespmem:s18+$0x0];
	v18 =	vmov s19;
	v13 =	vadd.f32 v13, v4;
	[tilespmem:v8+s24+$0x0] =	vst.idx.msk $0xffff, v11  }
.Ltmp5:
0x99: {  	v8 =	vmov s21;
	s19 =	sadd.s32 $0x2, s13;
	s13 =	smov.u32 s14;
	v10 =	vld [tilespmem:s18+$0xFFFFFF80];
	v11 =	vand.u32 $0x7F, v18;
	v15 =	vadd.f32 v15, v4;
	[tilespmem:v5+s24+$0x0] =	vst.idx.msk $0xffff, v12;
	(pc) =	sbr.rel @p0 .LBB2_9-.Ltmp5, $4  }
0x9a: {  	v5 =	vand.u32 $0x7D, v8;
	v12 =	vmov s19;
	v8 =	vadd.s32 v3, v11;
	[tilespmem:v6+s24+$0x0] =	vst.idx.msk $0xffff, v13  }
0x9b: {  	v5 =	vadd.s32 v3, v5;
	v6 =	vand.u32 $0x7E, v12;
	v11 =	vmul.f32 $8.000000000e+00, v9;
	[tilespmem:v7+s24+$0x0] =	vst.idx.msk $0xffff, v15  }
0x9c: {  	s18 =	sadd.s32 $0x100, s18;
	v7 =	vand.u32 $0x7C, v16;
	v6 =	vadd.s32 v3, v6;
	v12 =	vmul.f32 $8.000000000e+00, v14  }
0x9d: {  	s14 =	sadd.s32 $0x4, s14;
	v7 =	vadd.s32 v3, v7;
	v9 =	vld [tilespmem:s18+$0x40];
	v13 =	vmul.f32 $8.000000000e+00, v17;
	v11 =	vadd.f32 v11, v4  }
0x9e: {  	v14 =	vld [tilespmem:s18+$0xFFFFFFC0];
	s14 =	sadd.s32 $0x3, s13;
	v10 =	vmul.f32 $8.000000000e+00, v10;
	v12 =	vadd.f32 v12, v4  }
0x9f: {  	v15 =	vmov s13;
	s19 =	sadd.s32 $0x1, s13;
	v16 =	vld [tilespmem:s18+$0x0];
	v17 =	vmov s14;
	v13 =	vadd.f32 v13, v4  }
0xa0: {  	v18 =	vld [tilespmem:s18+$0xFFFFFF80];
	v19 =	vmov s19;
	s14 =	sadd.s32 $0x2, s13;
	v17 =	vand.u32 $0x7F, v17;
	v10 =	vadd.f32 v10, v4  }
0xa1: {  	v19 =	vand.u32 $0x7D, v19;
	v20 =	vmov s14;
	v17 =	vadd.s32 v3, v17  }
0xa2: {  	[tilespmem:v8+s24+$0x0] =	vst.idx.msk $0xffff, v11;
	v58 =	vadd.s32 v3, v19;
	v59 =	vand.u32 $0x7E, v20;
	v9 =	vmul.f32 $8.000000000e+00, v9  }
0xa3: {  	[tilespmem:v5+s24+$0x0] =	vst.idx.msk $0xffff, v12;
	v5 =	vand.u32 $0x7C, v15;
	v11 =	vadd.s32 v3, v59;
	v60 =	vmul.f32 $8.000000000e+00, v14  }
0xa4: {  	[tilespmem:v6+s24+$0x0] =	vst.idx.msk $0xffff, v13;
	v5 =	vadd.s32 v3, v5;
	v61 =	vmul.f32 $8.000000000e+00, v16;
	v9 =	vadd.f32 v9, v4  }
0xa5: {  	[tilespmem:v7+s24+$0x0] =	vst.idx.msk $0xffff, v10;
	v62 =	vmul.f32 $8.000000000e+00, v18;
	v63 =	vadd.f32 v60, v4  }
0xa6: {  	s17 =	sshll.u32 s17, $0x7;
	v6 =	vadd.f32 v61, v4;
	[tilespmem:v17+s24+$0x0] =	vst.idx.msk $0xffff, v9  }
0xa7: {  	s13 =	sand.u32 $0xF80, s17;
	v4 =	vadd.f32 v62, v4;
	[tilespmem:v58+s24+$0x0] =	vst.idx.msk $0xffff, v63  }
0xa8: {  	s8 =	sshll.u32 s8, $0xF;
	s13 =	sadd.s32 s2, s13;
	[tilespmem:v11+s24+$0x0] =	vst.idx.msk $0xffff, v6  }
0xa9: {  	s18 =	simm.s32 $0x10600;
	s17 =	sadd.s32 s8, s13;
	[tilespmem:v5+s24+$0x0] =	vst.idx.msk $0xffff, v4  }
0xaa: {  	[hbm4b:s17+s3] =	stream.linear.scatter [tilespmem:s18], [sflag:$0x6], $0x80, $0x38;
	[tilespmem:$0x1B000] =	vst v63  }
0xab: {  	s19 =	simm.s32 $0x10688;
	s13 =	sadd.s32 $0x10, s17  }
0xac: {  	[hbm4b:s13+s3] =	stream.linear.scatter [tilespmem:s19], [sflag:$0x6], $0x80, $0x38;
	[tilespmem:$0x1B000] =	vst v63  }
0xad: {  	s21 =	simm.s32 $0x10710;
	s25 =	simm.s32 $0x10798;
	s22 =	sadd.s32 $0x20, s17  }
0xae: {  	[hbm4b:s22+s3] =	stream.linear.scatter [tilespmem:s21], [sflag:$0x6], $0x80, $0x38;
	[tilespmem:$0x1B000] =	vst v63  }
0xaf: {  	s14 =	simm.s32 $0x10820;
	s8 =	simm.s32 $0x440;
	s9 =	sadd.s32 $0x30, s17  }
0xb0: {  	[hbm4b:s9+s3] =	stream.linear.scatter [tilespmem:s25], [sflag:$0x6], $0x80, $0x38;
	[tilespmem:$0x1B000] =	vst v63  }
0xb1: {  	s18 =	sadd.s32 $0x40, s17;
	s19 =	simm.s32 $0x108A8;
	s13 =	simm.s32 $0x2200  }
0xb2: {  	[hbm4b:s18+s3] =	stream.linear.scatter [tilespmem:s14], [sflag:$0x6], $0x80, $0x38;
	[tilespmem:$0x1B000] =	vst v63  }
0xb3: {  	s21 =	sadd.s32 $0x50, s17;
	s22 =	simm.s32 $0x10930;
	s25 =	sadd.s32 $0x60, s17  }
0xb4: {  	[hbm4b:s21+s3] =	stream.linear.scatter [tilespmem:s19], [sflag:$0x6], $0x80, $0x38;
	[tilespmem:$0x1B000] =	vst v63  }
0xb5: {  	s14 =	simm.s32 $0x109B8;
	s18 =	sadd.s32 $0x70, s17;
	s17 =	sadd.s32 $0x1000, s17  }
0xb6: {  	[hbm4b:s25+s3] =	stream.linear.scatter [tilespmem:s22], [sflag:$0x6], $0x80, $0x38;
	[tilespmem:$0x1B000] =	vst v63  }
.LBB2_11:
0xb7: {  	[hbm4b:s18+s3] =	stream.linear.scatter [tilespmem:s14], [sflag:$0x6], $0x80, $0x38;
	[tilespmem:$0x1B000] =	vst v63  }
0xb8: {  	s14 =	smov.u32 s8;
	s8 =	smov.u32 s13  }
0xb9: {  	s19 =	sadd.s32 $0x1100, s13;
	s8 =	sshra.s32 s8, $0x2;
	s18 =	sadd.s32 $0x10600, s14  }
0xba: {  	[hbm4b:s17+s3] =	stream.linear.scatter [tilespmem:s18], [sflag:$0x6], $0x80, $0x38;
	[tilespmem:$0x1B000] =	vst v63  }
0xbb: {  	p0 =	sne.s32 s13, $0x7700;
	s13 =	sadd.s32 $0x10688, s14;
	s18 =	sadd.s32 $0x10, s17  }
0xbc: {  	[hbm4b:s18+s3] =	stream.linear.scatter [tilespmem:s13], [sflag:$0x6], $0x80, $0x38;
	[tilespmem:$0x1B000] =	vst v63  }
0xbd: {  	s13 =	sadd.s32 $0x10710, s14;
	s18 =	sadd.s32 $0x20, s17  }
0xbe: {  	[hbm4b:s18+s3] =	stream.linear.scatter [tilespmem:s13], [sflag:$0x6], $0x80, $0x38;
	[tilespmem:$0x1B000] =	vst v63  }
0xbf: {  	s13 =	sadd.s32 $0x10798, s14;
	s18 =	sadd.s32 $0x30, s17  }
0xc0: {  	[hbm4b:s18+s3] =	stream.linear.scatter [tilespmem:s13], [sflag:$0x6], $0x80, $0x38;
	[tilespmem:$0x1B000] =	vst v63  }
0xc1: {  	s13 =	sadd.s32 $0x10820, s14;
	s18 =	sadd.s32 $0x40, s17  }
0xc2: {  	[hbm4b:s18+s3] =	stream.linear.scatter [tilespmem:s13], [sflag:$0x6], $0x80, $0x38;
	[tilespmem:$0x1B000] =	vst v63  }
.Ltmp6:
0xc3: {  	s13 =	sadd.s32 $0x108A8, s14;
	s18 =	sadd.s32 $0x50, s17;
	(pc) =	sbr.rel @p0 .LBB2_11-.Ltmp6, $4  }
0xc4: {  	[hbm4b:s18+s3] =	stream.linear.scatter [tilespmem:s13], [sflag:$0x6], $0x80, $0x38;
	[tilespmem:$0x1B000] =	vst v63  }
0xc5: {  	s13 =	sadd.s32 $0x10930, s14;
	s18 =	sadd.s32 $0x60, s17;
	s14 =	sadd.s32 $0x109B8, s14  }
0xc6: {  	[hbm4b:s18+s3] =	stream.linear.scatter [tilespmem:s13], [sflag:$0x6], $0x80, $0x38;
	[tilespmem:$0x1B000] =	vst v63  }
0xc7: {  	s18 =	sadd.s32 $0x70, s17;
	s17 =	sadd.s32 $0x1000, s17;
	s13 =	smov.u32 s19  }
0xc8: {  	[hbm4b:s18+s3] =	stream.linear.scatter [tilespmem:s14], [sflag:$0x6], $0x80, $0x38;
	[tilespmem:$0x1B000] =	vst v63  }
0xc9: {  	s13 =	sadd.s32 $0x10600, s8  }
0xca: {  	[hbm4b:s17+s3] =	stream.linear.scatter [tilespmem:s13], [sflag:$0x6], $0x80, $0x38;
	[tilespmem:$0x1B000] =	vst v63  }
0xcb: {  	s18 =	sadd.s32 $0x10688, s8;
	s19 =	sadd.s32 $0x10, s17  }
0xcc: {  	[hbm4b:s19+s3] =	stream.linear.scatter [tilespmem:s18], [sflag:$0x6], $0x80, $0x38;
	[tilespmem:$0x1B000] =	vst v63  }
0xcd: {  	s21 =	sadd.s32 $0x10710, s8;
	s22 =	sadd.s32 $0x20, s17  }
0xce: {  	[hbm4b:s22+s3] =	stream.linear.scatter [tilespmem:s21], [sflag:$0x6], $0x80, $0x38;
	[tilespmem:$0x1B000] =	vst v63  }
0xcf: {  	s25 =	sadd.s32 $0x10798, s8;
	s9 =	sadd.s32 $0x30, s17  }
0xd0: {  	[hbm4b:s9+s3] =	stream.linear.scatter [tilespmem:s25], [sflag:$0x6], $0x80, $0x38;
	[tilespmem:$0x1B000] =	vst v63  }
0xd1: {  	s18 =	sadd.s32 $0x10820, s8;
	s19 =	sadd.s32 $0x40, s17  }
0xd2: {  	[hbm4b:s19+s3] =	stream.linear.scatter [tilespmem:s18], [sflag:$0x6], $0x80, $0x38;
	[tilespmem:$0x1B000] =	vst v63  }
0xd3: {  	s14 =	sadd.s32 $0x109B8, s8;
	s21 =	sadd.s32 $0x108A8, s8;
	s22 =	sadd.s32 $0x50, s17  }
0xd4: {  	[hbm4b:s22+s3] =	stream.linear.scatter [tilespmem:s21], [sflag:$0x6], $0x80, $0x38;
	[tilespmem:$0x1B000] =	vst v63  }
0xd5: {  	p0 =	seq.s32 s7, $0x0;
	s25 =	sadd.s32 $0x10930, s8;
	s9 =	sadd.s32 $0x60, s17  }
0xd6: {  	[hbm4b:s9+s3] =	stream.linear.scatter [tilespmem:s25], [sflag:$0x6], $0x80, $0x38;
	[tilespmem:$0x1B000] =	vst v63  }
0xd7: {  	s13 =	simm.s32 @!p0 $0xA;
	s8 =	sadd.s32 $0x4, s12;
	s18 =	sadd.s32 $0x70, s17  }
0xd8: {  	[hbm4b:s18+s3] =	stream.linear.scatter [tilespmem:s14], [sflag:$0x6], $0x80, $0x38;
	[tilespmem:$0x1B000] =	vst v63  }
0xd9: {  	s19 =	sshll.u32 s8, $0x7;
	s9 =	simm.s32 $0xE600;
	_ =	swait.ge @!p0 [sflag:s13], $0x2000  }
0xda: {  	s14 =	sand.u32 $0x3FFFFF80, s19;
	[sflag:s13] =	ssyncset.done @!p0 $0x0;
	s22 =	rddreg [dreg:$0x5]  }
0xdb: {  	s21 =	sadd.s32 $0x200, s14;
	[sflag:s13] =	ssyncadd.s32 @!p0 $0xFFFFE000;
	s18 =	sadd.s32 s12, s22  }
0xdc: {  	[tilespmem:s9], [sflag:$0x5] =	stream.indirect.gather [hbm4b:s6+s15], $0x40, s21, s15, $0xb8;
	[tilespmem:$0x1B000] =	vst v63  }
0xdd: {  	s17 =	sshrl.u32 s18, $0x5  }
0xde: {  	_ =	swait.ge [sflag:s26], $0x2000;
	s25 =	ssub.s32 s17, s5  }
0xdf: {  	[sflag:s26] =	ssyncset.done $0x0;
	s13 =	sshll.u32 s25, $0x8  }
0xe0: {  	[sflag:s26] =	ssyncadd.s32 $0xFFFFE000;
	s19 =	sshra.s32 s13, $0x2  }
0xe1: {  	s13 =	simm.s32 $0x8680;
	v4 =	vld [tilespmem:s19+$0x0]  }
0xe2: {  	s22 =	simm.s32 $0x1;
	s9 =	simm.s32 $0x3;
	v6 =	vld [tilespmem:s13+$0x40]  }
0xe3: {  	v8 =	vmov s22;
	v5 =	vmov s9;
	v7 =	vld [tilespmem:s13+$0xFFFFFFC0]  }
0xe4: {  	v10 =	vand.u32 $0x7D, v8;
	v5 =	vand.u32 $0x7F, v5;
	v11 =	vld [tilespmem:s13+$0x0]  }
0xe5: {  	s25 =	simm.s32 $0x2;
	v8 =	vadd.s32 v0, v5;
	v5 =	vadd.s32 v0, v10;
	v10 =	vld [tilespmem:s13+$0xFFFFFF80]  }
0xe6: {  	s21 =	simm.s32 $0x0;
	v12 =	vmov s25  }
0xe7: {  	v9 =	vmov s21;
	v13 =	vand.u32 $0x7E, v12;
	v14 =	vmul.f32 $8.000000000e+00, v6  }
0xe8: {  	s21 =	simm.s32 $0x8780;
	v15 =	vand.u32 $0x7C, v9;
	v12 =	vmul.f32 $8.000000000e+00, v7;
	v6 =	vadd.s32 v0, v13  }
0xe9: {  	s14 =	simm.s32 $0x8;
	s13 =	simm.s32 $0x4;
	v9 =	vld [tilespmem:s21+$0x40];
	v7 =	vadd.s32 v0, v15;
	v13 =	vmul.f32 $8.000000000e+00, v11;
	v11 =	vadd.f32 v14, v4  }
.LBB2_13:
0xea: {  	p0 =	slt.u32 s14, $0x7C;
	v14 =	vld [tilespmem:s21+$0xFFFFFFC0];
	s22 =	sadd.s32 $0x3, s13;
	v15 =	vmul.f32 $8.000000000e+00, v10;
	v12 =	vadd.f32 v12, v4  }
0xeb: {  	v16 =	vmov s13;
	s25 =	sadd.s32 $0x1, s13;
	v17 =	vld [tilespmem:s21+$0x0];
	v18 =	vmov s22;
	v13 =	vadd.f32 v13, v4;
	[tilespmem:v8+s28+$0x0] =	vst.idx.msk $0xffff, v11  }
.Ltmp7:
0xec: {  	v8 =	vmov s25;
	s22 =	sadd.s32 $0x2, s13;
	s13 =	smov.u32 s14;
	v10 =	vld [tilespmem:s21+$0xFFFFFF80];
	v11 =	vand.u32 $0x7F, v18;
	v15 =	vadd.f32 v15, v4;
	[tilespmem:v5+s28+$0x0] =	vst.idx.msk $0xffff, v12;
	(pc) =	sbr.rel @p0 .LBB2_13-.Ltmp7, $4  }
0xed: {  	v5 =	vand.u32 $0x7D, v8;
	v12 =	vmov s22;
	v8 =	vadd.s32 v0, v11;
	[tilespmem:v6+s28+$0x0] =	vst.idx.msk $0xffff, v13  }
0xee: {  	v5 =	vadd.s32 v0, v5;
	v6 =	vand.u32 $0x7E, v12;
	v11 =	vmul.f32 $8.000000000e+00, v9;
	[tilespmem:v7+s28+$0x0] =	vst.idx.msk $0xffff, v15  }
0xef: {  	s21 =	sadd.s32 $0x100, s21;
	v7 =	vand.u32 $0x7C, v16;
	v6 =	vadd.s32 v0, v6;
	v12 =	vmul.f32 $8.000000000e+00, v14  }
0xf0: {  	s14 =	sadd.s32 $0x4, s14;
	v7 =	vadd.s32 v0, v7;
	v9 =	vld [tilespmem:s21+$0x40];
	v13 =	vmul.f32 $8.000000000e+00, v17;
	v11 =	vadd.f32 v11, v4  }
0xf1: {  	v14 =	vld [tilespmem:s21+$0xFFFFFFC0]  }
0xf2: {  	s14 =	sadd.s32 $0x3, s13;
	v10 =	vmul.f32 $8.000000000e+00, v10;
	v12 =	vadd.f32 v12, v4;
	v16 =	vld [tilespmem:s21+$0x0]  }
0xf3: {  	v15 =	vmov s13;
	s22 =	sadd.s32 $0x1, s13;
	v18 =	vld [tilespmem:s21+$0xFFFFFF80];
	s21 =	sadd.s32 $0x2, s13;
	v17 =	vmov s14;
	v13 =	vadd.f32 v13, v4  }
0xf4: {  	v19 =	vmov s22;
	v20 =	vmov s21;
	v17 =	vand.u32 $0x7F, v17  }
0xf5: {  	v10 =	vadd.f32 v10, v4;
	v19 =	vand.u32 $0x7D, v19;
	v17 =	vadd.s32 v0, v17  }
0xf6: {  	[tilespmem:v8+s28+$0x0] =	vst.idx.msk $0xffff, v11;
	v11 =	vand.u32 $0x7E, v20;
	v8 =	vadd.s32 v0, v19;
	v9 =	vmul.f32 $8.000000000e+00, v9  }
0xf7: {  	[tilespmem:v5+s28+$0x0] =	vst.idx.msk $0xffff, v12;
	v5 =	vand.u32 $0x7C, v15;
	v11 =	vadd.s32 v0, v11;
	v12 =	vmul.f32 $8.000000000e+00, v14  }
0xf8: {  	[tilespmem:v6+s28+$0x0] =	vst.idx.msk $0xffff, v13;
	v5 =	vadd.s32 v0, v5;
	v6 =	vmul.f32 $8.000000000e+00, v16;
	v9 =	vadd.f32 v9, v4  }
0xf9: {  	[tilespmem:v7+s28+$0x0] =	vst.idx.msk $0xffff, v10;
	v7 =	vmul.f32 $8.000000000e+00, v18;
	v10 =	vadd.f32 v12, v4  }
0xfa: {  	v6 =	vadd.f32 v6, v4;
	[tilespmem:v17+s28+$0x0] =	vst.idx.msk $0xffff, v9  }
0xfb: {  	v4 =	vadd.f32 v7, v4;
	[tilespmem:v8+s28+$0x0] =	vst.idx.msk $0xffff, v10  }
0xfc: {  	[tilespmem:v11+s28+$0x0] =	vst.idx.msk $0xffff, v6  }
0xfd: {  	[tilespmem:v5+s28+$0x0] =	vst.idx.msk $0xffff, v4  }
0xfe: {  	s13 =	simm.s32 $0x8690;
	v4 =	vld [tilespmem:s19+$0x10]  }
0xff: {  	s9 =	simm.s32 $0x1;
	s22 =	simm.s32 $0x3;
	v6 =	vld [tilespmem:s13+$0x40]  }
0x100: {  	v5 =	vmov s22;
	v8 =	vmov s9;
	v7 =	vld [tilespmem:s13+$0xFFFFFFC0]  }
0x101: {  	s25 =	simm.s32 $0x0;
	v11 =	vld [tilespmem:s13+$0x0];
	v5 =	vand.u32 $0x7F, v5;
	v10 =	vand.u32 $0x7D, v8  }
0x102: {  	v9 =	vmov s25;
	s25 =	simm.s32 $0x2;
	v8 =	vadd.s32 v1, v5;
	v5 =	vadd.s32 v1, v10;
	v10 =	vld [tilespmem:s13+$0xFFFFFF80]  }
0x103: {  	v12 =	vmov s25  }
0x104: {  	v13 =	vand.u32 $0x7E, v12;
	v14 =	vmul.f32 $8.000000000e+00, v6  }
0x105: {  	s21 =	simm.s32 $0x8790;
	v15 =	vand.u32 $0x7C, v9;
	v12 =	vmul.f32 $8.000000000e+00, v7;
	v6 =	vadd.s32 v1, v13  }
0x106: {  	s14 =	simm.s32 $0x8;
	v9 =	vld [tilespmem:s21+$0x40];
	s13 =	simm.s32 $0x4;
	v7 =	vadd.s32 v1, v15;
	v13 =	vmul.f32 $8.000000000e+00, v11;
	v11 =	vadd.f32 v14, v4  }
.LBB2_15:
0x107: {  	p0 =	slt.u32 s14, $0x7C;
	v14 =	vld [tilespmem:s21+$0xFFFFFFC0];
	s22 =	sadd.s32 $0x3, s13;
	v15 =	vmul.f32 $8.000000000e+00, v10;
	v12 =	vadd.f32 v12, v4  }
0x108: {  	v16 =	vmov s13;
	s25 =	sadd.s32 $0x1, s13;
	v17 =	vld [tilespmem:s21+$0x0];
	v18 =	vmov s22;
	v13 =	vadd.f32 v13, v4;
	[tilespmem:v8+s28+$0x0] =	vst.idx.msk $0xffff, v11  }
.Ltmp8:
0x109: {  	v8 =	vmov s25;
	s22 =	sadd.s32 $0x2, s13;
	s13 =	smov.u32 s14;
	v10 =	vld [tilespmem:s21+$0xFFFFFF80];
	v11 =	vand.u32 $0x7F, v18;
	v15 =	vadd.f32 v15, v4;
	[tilespmem:v5+s28+$0x0] =	vst.idx.msk $0xffff, v12;
	(pc) =	sbr.rel @p0 .LBB2_15-.Ltmp8, $4  }
0x10a: {  	v5 =	vand.u32 $0x7D, v8;
	v12 =	vmov s22;
	v8 =	vadd.s32 v1, v11;
	[tilespmem:v6+s28+$0x0] =	vst.idx.msk $0xffff, v13  }
0x10b: {  	v5 =	vadd.s32 v1, v5;
	v6 =	vand.u32 $0x7E, v12;
	v11 =	vmul.f32 $8.000000000e+00, v9;
	[tilespmem:v7+s28+$0x0] =	vst.idx.msk $0xffff, v15  }
0x10c: {  	s21 =	sadd.s32 $0x100, s21;
	v7 =	vand.u32 $0x7C, v16;
	v6 =	vadd.s32 v1, v6;
	v12 =	vmul.f32 $8.000000000e+00, v14  }
0x10d: {  	s14 =	sadd.s32 $0x4, s14;
	v7 =	vadd.s32 v1, v7;
	v9 =	vld [tilespmem:s21+$0x40];
	v13 =	vmul.f32 $8.000000000e+00, v17;
	v11 =	vadd.f32 v11, v4  }
0x10e: {  	v14 =	vld [tilespmem:s21+$0xFFFFFFC0]  }
0x10f: {  	s14 =	sadd.s32 $0x3, s13;
	v10 =	vmul.f32 $8.000000000e+00, v10;
	v12 =	vadd.f32 v12, v4;
	v16 =	vld [tilespmem:s21+$0x0]  }
0x110: {  	v15 =	vmov s13;
	s22 =	sadd.s32 $0x1, s13;
	v18 =	vld [tilespmem:s21+$0xFFFFFF80];
	s21 =	sadd.s32 $0x2, s13;
	v17 =	vmov s14;
	v13 =	vadd.f32 v13, v4  }
0x111: {  	v19 =	vmov s22;
	v20 =	vmov s21;
	v17 =	vand.u32 $0x7F, v17  }
0x112: {  	v10 =	vadd.f32 v10, v4;
	v19 =	vand.u32 $0x7D, v19;
	v17 =	vadd.s32 v1, v17  }
0x113: {  	[tilespmem:v8+s28+$0x0] =	vst.idx.msk $0xffff, v11;
	v11 =	vand.u32 $0x7E, v20;
	v8 =	vadd.s32 v1, v19;
	v9 =	vmul.f32 $8.000000000e+00, v9  }
0x114: {  	[tilespmem:v5+s28+$0x0] =	vst.idx.msk $0xffff, v12;
	v5 =	vand.u32 $0x7C, v15;
	v11 =	vadd.s32 v1, v11;
	v12 =	vmul.f32 $8.000000000e+00, v14  }
0x115: {  	[tilespmem:v6+s28+$0x0] =	vst.idx.msk $0xffff, v13;
	v5 =	vadd.s32 v1, v5;
	v6 =	vmul.f32 $8.000000000e+00, v16;
	v9 =	vadd.f32 v9, v4  }
0x116: {  	[tilespmem:v7+s28+$0x0] =	vst.idx.msk $0xffff, v10;
	v7 =	vmul.f32 $8.000000000e+00, v18;
	v10 =	vadd.f32 v12, v4  }
0x117: {  	v6 =	vadd.f32 v6, v4;
	[tilespmem:v17+s28+$0x0] =	vst.idx.msk $0xffff, v9  }
0x118: {  	v4 =	vadd.f32 v7, v4;
	[tilespmem:v8+s28+$0x0] =	vst.idx.msk $0xffff, v10  }
0x119: {  	[tilespmem:v11+s28+$0x0] =	vst.idx.msk $0xffff, v6  }
0x11a: {  	[tilespmem:v5+s28+$0x0] =	vst.idx.msk $0xffff, v4  }
0x11b: {  	s13 =	simm.s32 $0x86A0;
	v4 =	vld [tilespmem:s19+$0x20]  }
0x11c: {  	s9 =	simm.s32 $0x1;
	s22 =	simm.s32 $0x3;
	v6 =	vld [tilespmem:s13+$0x40]  }
0x11d: {  	v5 =	vmov s22;
	v8 =	vmov s9;
	v7 =	vld [tilespmem:s13+$0xFFFFFFC0]  }
0x11e: {  	s25 =	simm.s32 $0x0;
	v11 =	vld [tilespmem:s13+$0x0];
	v5 =	vand.u32 $0x7F, v5;
	v10 =	vand.u32 $0x7D, v8  }
0x11f: {  	v9 =	vmov s25;
	s25 =	simm.s32 $0x2;
	v8 =	vadd.s32 v2, v5;
	v5 =	vadd.s32 v2, v10;
	v10 =	vld [tilespmem:s13+$0xFFFFFF80]  }
0x120: {  	v12 =	vmov s25  }
0x121: {  	v13 =	vand.u32 $0x7E, v12;
	v14 =	vmul.f32 $8.000000000e+00, v6  }
0x122: {  	s21 =	simm.s32 $0x87A0;
	v15 =	vand.u32 $0x7C, v9;
	v12 =	vmul.f32 $8.000000000e+00, v7;
	v6 =	vadd.s32 v2, v13  }
0x123: {  	s14 =	simm.s32 $0x8;
	v9 =	vld [tilespmem:s21+$0x40];
	s13 =	simm.s32 $0x4;
	v7 =	vadd.s32 v2, v15;
	v13 =	vmul.f32 $8.000000000e+00, v11;
	v11 =	vadd.f32 v14, v4  }
.LBB2_17:
0x124: {  	p0 =	slt.u32 s14, $0x7C;
	v14 =	vld [tilespmem:s21+$0xFFFFFFC0];
	s22 =	sadd.s32 $0x3, s13;
	v15 =	vmul.f32 $8.000000000e+00, v10;
	v12 =	vadd.f32 v12, v4  }
0x125: {  	v16 =	vmov s13;
	s25 =	sadd.s32 $0x1, s13;
	v17 =	vld [tilespmem:s21+$0x0];
	v18 =	vmov s22;
	v13 =	vadd.f32 v13, v4;
	[tilespmem:v8+s28+$0x0] =	vst.idx.msk $0xffff, v11  }
.Ltmp9:
0x126: {  	v8 =	vmov s25;
	s22 =	sadd.s32 $0x2, s13;
	s13 =	smov.u32 s14;
	v10 =	vld [tilespmem:s21+$0xFFFFFF80];
	v11 =	vand.u32 $0x7F, v18;
	v15 =	vadd.f32 v15, v4;
	[tilespmem:v5+s28+$0x0] =	vst.idx.msk $0xffff, v12;
	(pc) =	sbr.rel @p0 .LBB2_17-.Ltmp9, $4  }
0x127: {  	v5 =	vand.u32 $0x7D, v8;
	v12 =	vmov s22;
	v8 =	vadd.s32 v2, v11;
	[tilespmem:v6+s28+$0x0] =	vst.idx.msk $0xffff, v13  }
0x128: {  	v5 =	vadd.s32 v2, v5;
	v6 =	vand.u32 $0x7E, v12;
	v11 =	vmul.f32 $8.000000000e+00, v9;
	[tilespmem:v7+s28+$0x0] =	vst.idx.msk $0xffff, v15  }
0x129: {  	s21 =	sadd.s32 $0x100, s21;
	v7 =	vand.u32 $0x7C, v16;
	v6 =	vadd.s32 v2, v6;
	v12 =	vmul.f32 $8.000000000e+00, v14  }
0x12a: {  	s14 =	sadd.s32 $0x4, s14;
	v7 =	vadd.s32 v2, v7;
	v9 =	vld [tilespmem:s21+$0x40];
	v13 =	vmul.f32 $8.000000000e+00, v17;
	v11 =	vadd.f32 v11, v4  }
0x12b: {  	v14 =	vld [tilespmem:s21+$0xFFFFFFC0];
	s14 =	sadd.s32 $0x3, s13;
	v10 =	vmul.f32 $8.000000000e+00, v10;
	v12 =	vadd.f32 v12, v4  }
0x12c: {  	v15 =	vmov s13;
	s22 =	sadd.s32 $0x1, s13;
	v16 =	vld [tilespmem:s21+$0x0];
	s25 =	sadd.s32 $0x2, s13;
	v17 =	vmov s14;
	v13 =	vadd.f32 v13, v4  }
0x12d: {  	v18 =	vld [tilespmem:s21+$0xFFFFFF80];
	v19 =	vmov s22;
	v20 =	vmov s25;
	v17 =	vand.u32 $0x7F, v17  }
0x12e: {  	v10 =	vadd.f32 v10, v4;
	v19 =	vand.u32 $0x7D, v19;
	v17 =	vadd.s32 v2, v17  }
0x12f: {  	[tilespmem:v8+s28+$0x0] =	vst.idx.msk $0xffff, v11;
	v11 =	vand.u32 $0x7E, v20;
	v8 =	vadd.s32 v2, v19;
	v9 =	vmul.f32 $8.000000000e+00, v9  }
0x130: {  	[tilespmem:v5+s28+$0x0] =	vst.idx.msk $0xffff, v12;
	v5 =	vand.u32 $0x7C, v15;
	v11 =	vadd.s32 v2, v11;
	v12 =	vmul.f32 $8.000000000e+00, v14  }
0x131: {  	[tilespmem:v6+s28+$0x0] =	vst.idx.msk $0xffff, v13;
	v5 =	vadd.s32 v2, v5;
	v6 =	vmul.f32 $8.000000000e+00, v16;
	v9 =	vadd.f32 v9, v4  }
0x132: {  	[tilespmem:v7+s28+$0x0] =	vst.idx.msk $0xffff, v10;
	v7 =	vmul.f32 $8.000000000e+00, v18;
	v10 =	vadd.f32 v12, v4  }
0x133: {  	v6 =	vadd.f32 v6, v4;
	[tilespmem:v17+s28+$0x0] =	vst.idx.msk $0xffff, v9  }
0x134: {  	v4 =	vadd.f32 v7, v4;
	[tilespmem:v8+s28+$0x0] =	vst.idx.msk $0xffff, v10  }
0x135: {  	[tilespmem:v11+s28+$0x0] =	vst.idx.msk $0xffff, v6  }
0x136: {  	[tilespmem:v5+s28+$0x0] =	vst.idx.msk $0xffff, v4  }
0x137: {  	s9 =	simm.s32 $0x86B0;
	v4 =	vld [tilespmem:s19+$0x30]  }
0x138: {  	s22 =	simm.s32 $0x1;
	v6 =	vld [tilespmem:s9+$0x40];
	s19 =	simm.s32 $0x3  }
0x139: {  	v8 =	vmov s22;
	v7 =	vld [tilespmem:s9+$0xFFFFFFC0];
	v5 =	vmov s19  }
0x13a: {  	v11 =	vld [tilespmem:s9+$0x0];
	v10 =	vand.u32 $0x7D, v8;
	v5 =	vand.u32 $0x7F, v5  }
0x13b: {  	s25 =	simm.s32 $0x2;
	v8 =	vadd.s32 v3, v5;
	v5 =	vadd.s32 v3, v10;
	v10 =	vld [tilespmem:s9+$0xFFFFFF80]  }
0x13c: {  	s21 =	simm.s32 $0x0;
	v12 =	vmov s25  }
0x13d: {  	v9 =	vmov s21;
	v13 =	vand.u32 $0x7E, v12;
	v14 =	vmul.f32 $8.000000000e+00, v6  }
0x13e: {  	v15 =	vand.u32 $0x7C, v9;
	s19 =	simm.s32 $0x87B0;
	v12 =	vmul.f32 $8.000000000e+00, v7;
	v6 =	vadd.s32 v3, v13  }
0x13f: {  	s13 =	simm.s32 $0x4;
	s14 =	simm.s32 $0x8;
	v9 =	vld [tilespmem:s19+$0x40];
	v7 =	vadd.s32 v3, v15;
	v13 =	vmul.f32 $8.000000000e+00, v11;
	v11 =	vadd.f32 v14, v4  }
.LBB2_19:
0x140: {  	p0 =	slt.u32 s14, $0x7C;
	v14 =	vld [tilespmem:s19+$0xFFFFFFC0];
	s21 =	sadd.s32 $0x3, s13;
	v15 =	vmul.f32 $8.000000000e+00, v10;
	v12 =	vadd.f32 v12, v4  }
0x141: {  	v16 =	vmov s13;
	s22 =	sadd.s32 $0x1, s13;
	v17 =	vld [tilespmem:s19+$0x0];
	v18 =	vmov s21;
	v13 =	vadd.f32 v13, v4;
	[tilespmem:v8+s28+$0x0] =	vst.idx.msk $0xffff, v11  }
.Ltmp10:
0x142: {  	v8 =	vmov s22;
	s21 =	sadd.s32 $0x2, s13;
	s13 =	smov.u32 s14;
	v10 =	vld [tilespmem:s19+$0xFFFFFF80];
	v11 =	vand.u32 $0x7F, v18;
	v15 =	vadd.f32 v15, v4;
	[tilespmem:v5+s28+$0x0] =	vst.idx.msk $0xffff, v12;
	(pc) =	sbr.rel @p0 .LBB2_19-.Ltmp10, $4  }
0x143: {  	v5 =	vand.u32 $0x7D, v8;
	v12 =	vmov s21;
	v8 =	vadd.s32 v3, v11;
	[tilespmem:v6+s28+$0x0] =	vst.idx.msk $0xffff, v13  }
0x144: {  	v5 =	vadd.s32 v3, v5;
	v6 =	vand.u32 $0x7E, v12;
	v11 =	vmul.f32 $8.000000000e+00, v9;
	[tilespmem:v7+s28+$0x0] =	vst.idx.msk $0xffff, v15  }
0x145: {  	s19 =	sadd.s32 $0x100, s19;
	v7 =	vand.u32 $0x7C, v16;
	v6 =	vadd.s32 v3, v6;
	v12 =	vmul.f32 $8.000000000e+00, v14  }
0x146: {  	s14 =	sadd.s32 $0x4, s14;
	v7 =	vadd.s32 v3, v7;
	v9 =	vld [tilespmem:s19+$0x40];
	v13 =	vmul.f32 $8.000000000e+00, v17;
	v11 =	vadd.f32 v11, v4  }
0x147: {  	v14 =	vld [tilespmem:s19+$0xFFFFFFC0];
	s14 =	sadd.s32 $0x3, s13;
	v10 =	vmul.f32 $8.000000000e+00, v10;
	v12 =	vadd.f32 v12, v4  }
0x148: {  	v15 =	vmov s13;
	s21 =	sadd.s32 $0x1, s13;
	v16 =	vld [tilespmem:s19+$0x0];
	s22 =	sadd.s32 $0x2, s13;
	v17 =	vmov s14;
	v13 =	vadd.f32 v13, v4  }
0x149: {  	v18 =	vld [tilespmem:s19+$0xFFFFFF80];
	v19 =	vmov s21;
	v20 =	vmov s22;
	v17 =	vand.u32 $0x7F, v17  }
0x14a: {  	v10 =	vadd.f32 v10, v4;
	v19 =	vand.u32 $0x7D, v19;
	v17 =	vadd.s32 v3, v17  }
0x14b: {  	[tilespmem:v8+s28+$0x0] =	vst.idx.msk $0xffff, v11;
	v59 =	vand.u32 $0x7E, v20;
	v58 =	vadd.s32 v3, v19;
	v9 =	vmul.f32 $8.000000000e+00, v9  }
0x14c: {  	[tilespmem:v5+s28+$0x0] =	vst.idx.msk $0xffff, v12;
	v5 =	vand.u32 $0x7C, v15;
	v11 =	vadd.s32 v3, v59;
	v60 =	vmul.f32 $8.000000000e+00, v14  }
0x14d: {  	[tilespmem:v6+s28+$0x0] =	vst.idx.msk $0xffff, v13;
	v5 =	vadd.s32 v3, v5;
	v61 =	vmul.f32 $8.000000000e+00, v16;
	v9 =	vadd.f32 v9, v4  }
0x14e: {  	[tilespmem:v7+s28+$0x0] =	vst.idx.msk $0xffff, v10;
	v62 =	vmul.f32 $8.000000000e+00, v18;
	v63 =	vadd.f32 v60, v4  }
0x14f: {  	s25 =	sshll.u32 s18, $0x7;
	v6 =	vadd.f32 v61, v4;
	[tilespmem:v17+s28+$0x0] =	vst.idx.msk $0xffff, v9  }
0x150: {  	s13 =	sand.u32 $0xF80, s25;
	v4 =	vadd.f32 v62, v4;
	[tilespmem:v58+s28+$0x0] =	vst.idx.msk $0xffff, v63  }
0x151: {  	s9 =	sshll.u32 s17, $0xF;
	s13 =	sadd.s32 s2, s13;
	[tilespmem:v11+s28+$0x0] =	vst.idx.msk $0xffff, v6  }
0x152: {  	s17 =	simm.s32 $0x12800;
	s18 =	sadd.s32 s9, s13;
	[tilespmem:v5+s28+$0x0] =	vst.idx.msk $0xffff, v4  }
0x153: {  	[hbm4b:s18+s3] =	stream.linear.scatter [tilespmem:s17], [sflag:$0x7], $0x80, $0x38;
	[tilespmem:$0x1B000] =	vst v63  }
0x154: {  	s19 =	simm.s32 $0x12888;
	s14 =	sadd.s32 $0x10, s18  }
0x155: {  	[hbm4b:s14+s3] =	stream.linear.scatter [tilespmem:s19], [sflag:$0x7], $0x80, $0x38;
	[tilespmem:$0x1B000] =	vst v63  }
0x156: {  	s21 =	simm.s32 $0x12910;
	s25 =	simm.s32 $0x12998;
	s22 =	sadd.s32 $0x20, s18  }
0x157: {  	[hbm4b:s22+s3] =	stream.linear.scatter [tilespmem:s21], [sflag:$0x7], $0x80, $0x38;
	[tilespmem:$0x1B000] =	vst v63  }
0x158: {  	s13 =	simm.s32 $0x2200;
	s9 =	sadd.s32 $0x30, s18;
	s17 =	sadd.s32 $0x40, s18  }
0x159: {  	[hbm4b:s9+s3] =	stream.linear.scatter [tilespmem:s25], [sflag:$0x7], $0x80, $0x38;
	[tilespmem:$0x1B000] =	vst v63  }
0x15a: {  	s14 =	simm.s32 $0x12A20;
	s19 =	simm.s32 $0x12AA8;
	s21 =	sadd.s32 $0x50, s18  }
0x15b: {  	[hbm4b:s17+s3] =	stream.linear.scatter [tilespmem:s14], [sflag:$0x7], $0x80, $0x38;
	[tilespmem:$0x1B000] =	vst v63  }
0x15c: {  	s22 =	simm.s32 $0x12B30;
	s25 =	sadd.s32 $0x60, s18;
	s17 =	simm.s32 $0x440  }
0x15d: {  	[hbm4b:s21+s3] =	stream.linear.scatter [tilespmem:s19], [sflag:$0x7], $0x80, $0x38;
	[tilespmem:$0x1B000] =	vst v63  }
0x15e: {  	s14 =	simm.s32 $0x12BB8;
	s19 =	sadd.s32 $0x70, s18;
	s18 =	sadd.s32 $0x1000, s18  }
0x15f: {  	[hbm4b:s25+s3] =	stream.linear.scatter [tilespmem:s22], [sflag:$0x7], $0x80, $0x38;
	[tilespmem:$0x1B000] =	vst v63  }
.LBB2_21:
0x160: {  	[hbm4b:s19+s3] =	stream.linear.scatter [tilespmem:s14], [sflag:$0x7], $0x80, $0x38;
	[tilespmem:$0x1B000] =	vst v63  }
0x161: {  	s14 =	smov.u32 s17;
	s17 =	smov.u32 s13  }
0x162: {  	s21 =	sadd.s32 $0x1100, s13;
	s17 =	sshra.s32 s17, $0x2;
	s19 =	sadd.s32 $0x12800, s14  }
0x163: {  	[hbm4b:s18+s3] =	stream.linear.scatter [tilespmem:s19], [sflag:$0x7], $0x80, $0x38;
	[tilespmem:$0x1B000] =	vst v63  }
0x164: {  	p0 =	sne.s32 s13, $0x7700;
	s13 =	sadd.s32 $0x12888, s14;
	s19 =	sadd.s32 $0x10, s18  }
0x165: {  	[hbm4b:s19+s3] =	stream.linear.scatter [tilespmem:s13], [sflag:$0x7], $0x80, $0x38;
	[tilespmem:$0x1B000] =	vst v63  }
0x166: {  	s13 =	sadd.s32 $0x12910, s14;
	s19 =	sadd.s32 $0x20, s18  }
0x167: {  	[hbm4b:s19+s3] =	stream.linear.scatter [tilespmem:s13], [sflag:$0x7], $0x80, $0x38;
	[tilespmem:$0x1B000] =	vst v63  }
0x168: {  	s13 =	sadd.s32 $0x12998, s14;
	s19 =	sadd.s32 $0x30, s18  }
0x169: {  	[hbm4b:s19+s3] =	stream.linear.scatter [tilespmem:s13], [sflag:$0x7], $0x80, $0x38;
	[tilespmem:$0x1B000] =	vst v63  }
0x16a: {  	s13 =	sadd.s32 $0x12A20, s14;
	s19 =	sadd.s32 $0x40, s18  }
0x16b: {  	[hbm4b:s19+s3] =	stream.linear.scatter [tilespmem:s13], [sflag:$0x7], $0x80, $0x38;
	[tilespmem:$0x1B000] =	vst v63  }
.Ltmp11:
0x16c: {  	s13 =	sadd.s32 $0x12AA8, s14;
	s19 =	sadd.s32 $0x50, s18;
	(pc) =	sbr.rel @p0 .LBB2_21-.Ltmp11, $4  }
0x16d: {  	[hbm4b:s19+s3] =	stream.linear.scatter [tilespmem:s13], [sflag:$0x7], $0x80, $0x38;
	[tilespmem:$0x1B000] =	vst v63  }
0x16e: {  	s13 =	sadd.s32 $0x12B30, s14;
	s19 =	sadd.s32 $0x60, s18;
	s14 =	sadd.s32 $0x12BB8, s14  }
0x16f: {  	[hbm4b:s19+s3] =	stream.linear.scatter [tilespmem:s13], [sflag:$0x7], $0x80, $0x38;
	[tilespmem:$0x1B000] =	vst v63  }
0x170: {  	s19 =	sadd.s32 $0x70, s18;
	s18 =	sadd.s32 $0x1000, s18;
	s13 =	smov.u32 s21  }
0x171: {  	[hbm4b:s19+s3] =	stream.linear.scatter [tilespmem:s14], [sflag:$0x7], $0x80, $0x38;
	[tilespmem:$0x1B000] =	vst v63  }
0x172: {  	s13 =	sadd.s32 $0x12800, s17  }
0x173: {  	[hbm4b:s18+s3] =	stream.linear.scatter [tilespmem:s13], [sflag:$0x7], $0x80, $0x38;
	[tilespmem:$0x1B000] =	vst v63  }
0x174: {  	s21 =	sadd.s32 $0x12888, s17;
	s22 =	sadd.s32 $0x10, s18  }
0x175: {  	[hbm4b:s22+s3] =	stream.linear.scatter [tilespmem:s21], [sflag:$0x7], $0x80, $0x38;
	[tilespmem:$0x1B000] =	vst v63  }
0x176: {  	s25 =	sadd.s32 $0x12910, s17;
	s9 =	sadd.s32 $0x20, s18  }
0x177: {  	[hbm4b:s9+s3] =	stream.linear.scatter [tilespmem:s25], [sflag:$0x7], $0x80, $0x38;
	[tilespmem:$0x1B000] =	vst v63  }
0x178: {  	s14 =	sadd.s32 $0x12998, s17;
	s19 =	sadd.s32 $0x30, s18  }
0x179: {  	[hbm4b:s19+s3] =	stream.linear.scatter [tilespmem:s14], [sflag:$0x7], $0x80, $0x38;
	[tilespmem:$0x1B000] =	vst v63  }
0x17a: {  	s21 =	sadd.s32 $0x12A20, s17;
	s22 =	sadd.s32 $0x40, s18  }
0x17b: {  	[hbm4b:s22+s3] =	stream.linear.scatter [tilespmem:s21], [sflag:$0x7], $0x80, $0x38;
	[tilespmem:$0x1B000] =	vst v63  }
0x17c: {  	p0 =	seq.s32 s7, $0x27;
	s25 =	sadd.s32 $0x12AA8, s17;
	s9 =	sadd.s32 $0x50, s18  }
0x17d: {  	[hbm4b:s9+s3] =	stream.linear.scatter [tilespmem:s25], [sflag:$0x7], $0x80, $0x38;
	[tilespmem:$0x1B000] =	vst v63  }
0x17e: {  	s13 =	simm.s32 @!p0 $0x6;
	s14 =	sadd.s32 $0x12B30, s17;
	s19 =	sadd.s32 $0x60, s18  }
0x17f: {  	[hbm4b:s19+s3] =	stream.linear.scatter [tilespmem:s14], [sflag:$0x7], $0x80, $0x38;
	[tilespmem:$0x1B000] =	vst v63  }
0x180: {  	s21 =	sadd.s32 $0x12BB8, s17;
	s22 =	sadd.s32 $0x70, s18;
	s14 =	smul.u32 @!p0 $0xA00, s7  }
0x181: {  	[hbm4b:s22+s3] =	stream.linear.scatter [tilespmem:s21], [sflag:$0x7], $0x80, $0x38;
	[tilespmem:$0x1B000] =	vst v63  }
0x182: {  	s18 =	simm.s32 @!p0 $0x6600;
	_ =	swait.ge @!p0 [sflag:s13], $0x2000  }
0x183: {  	s19 =	sadd.s32 s12, s10;
	s17 =	sshra.s32 @!p0 s14, $0x2;
	[sflag:s13] =	ssyncset.done @!p0 $0x0  }
0x184: {  	s14 =	simm.s32 @!p0 $0x80;
	[sflag:s13] =	ssyncadd.s32 @!p0 $0xFFFFE000;
	s13 =	sadd.s32 @!p0 $0x480, s17  }
0x185: {  	[tilespmem:s18], [sflag:$0x1] =	stream.indirect.gather @!p0 [hbm4b:s6+s14], $0x40, s13, s14, $0xb8;
	[tilespmem:$0x1B000] =	vst v63  }
0x186: {  	s18 =	sshrl.u32 s19, $0x5  }
0x187: {  	_ =	swait.ge [sflag:s29], $0x2000;
	s25 =	ssub.s32 s18, s5  }
0x188: {  	[sflag:s29] =	ssyncset.done $0x0;
	s13 =	sshll.u32 s25, $0x8  }
0x189: {  	[sflag:s29] =	ssyncadd.s32 $0xFFFFE000;
	s21 =	sshra.s32 s13, $0x2  }
0x18a: {  	s13 =	simm.s32 $0xA680;
	v4 =	vld [tilespmem:s21+$0x0]  }
0x18b: {  	s9 =	simm.s32 $0x3;
	s25 =	simm.s32 $0x1;
	v6 =	vld [tilespmem:s13+$0x40]  }
0x18c: {  	v5 =	vmov s9;
	v8 =	vmov s25;
	v7 =	vld [tilespmem:s13+$0xFFFFFFC0]  }
0x18d: {  	v5 =	vand.u32 $0x7F, v5;
	v11 =	vld [tilespmem:s13+$0x0];
	v10 =	vand.u32 $0x7D, v8  }
0x18e: {  	s25 =	simm.s32 $0x2;
	v8 =	vadd.s32 v0, v5;
	v5 =	vadd.s32 v0, v10;
	v10 =	vld [tilespmem:s13+$0xFFFFFF80]  }
0x18f: {  	s22 =	simm.s32 $0x0;
	v12 =	vmov s25  }
0x190: {  	v9 =	vmov s22;
	v13 =	vand.u32 $0x7E, v12;
	v14 =	vmul.f32 $8.000000000e+00, v6  }
0x191: {  	v15 =	vand.u32 $0x7C, v9;
	s13 =	simm.s32 $0xA780;
	v12 =	vmul.f32 $8.000000000e+00, v7;
	v6 =	vadd.s32 v0, v13  }
0x192: {  	s22 =	simm.s32 $0x8;
	s14 =	simm.s32 $0x4;
	v9 =	vld [tilespmem:s13+$0x40];
	v7 =	vadd.s32 v0, v15;
	v13 =	vmul.f32 $8.000000000e+00, v11;
	v11 =	vadd.f32 v14, v4  }
.LBB2_23:
0x193: {  	p1 =	slt.u32 s22, $0x7C;
	v14 =	vld [tilespmem:s13+$0xFFFFFFC0];
	s25 =	sadd.s32 $0x3, s14;
	v15 =	vmul.f32 $8.000000000e+00, v10;
	v12 =	vadd.f32 v12, v4  }
0x194: {  	v16 =	vmov s14;
	s9 =	sadd.s32 $0x1, s14;
	v17 =	vld [tilespmem:s13+$0x0];
	v18 =	vmov s25;
	v13 =	vadd.f32 v13, v4;
	[tilespmem:v8+s30+$0x0] =	vst.idx.msk $0xffff, v11  }
.Ltmp12:
0x195: {  	v8 =	vmov s9;
	s9 =	sadd.s32 $0x2, s14;
	s14 =	smov.u32 s22;
	v10 =	vld [tilespmem:s13+$0xFFFFFF80];
	v11 =	vand.u32 $0x7F, v18;
	v15 =	vadd.f32 v15, v4;
	[tilespmem:v5+s30+$0x0] =	vst.idx.msk $0xffff, v12;
	(pc) =	sbr.rel @p1 .LBB2_23-.Ltmp12, $4  }
0x196: {  	v5 =	vand.u32 $0x7D, v8;
	v12 =	vmov s9;
	v8 =	vadd.s32 v0, v11;
	[tilespmem:v6+s30+$0x0] =	vst.idx.msk $0xffff, v13  }
0x197: {  	v5 =	vadd.s32 v0, v5;
	v6 =	vand.u32 $0x7E, v12;
	v11 =	vmul.f32 $8.000000000e+00, v9;
	[tilespmem:v7+s30+$0x0] =	vst.idx.msk $0xffff, v15  }
0x198: {  	s13 =	sadd.s32 $0x100, s13;
	v7 =	vand.u32 $0x7C, v16;
	v6 =	vadd.s32 v0, v6;
	v12 =	vmul.f32 $8.000000000e+00, v14  }
0x199: {  	s22 =	sadd.s32 $0x4, s22;
	v7 =	vadd.s32 v0, v7;
	v9 =	vld [tilespmem:s13+$0x40];
	v13 =	vmul.f32 $8.000000000e+00, v17;
	v11 =	vadd.f32 v11, v4  }
0x19a: {  	v14 =	vld [tilespmem:s13+$0xFFFFFFC0]  }
0x19b: {  	s9 =	sadd.s32 $0x3, s14;
	v10 =	vmul.f32 $8.000000000e+00, v10;
	v12 =	vadd.f32 v12, v4;
	v16 =	vld [tilespmem:s13+$0x0]  }
0x19c: {  	v15 =	vmov s14;
	s22 =	sadd.s32 $0x1, s14;
	v18 =	vld [tilespmem:s13+$0xFFFFFF80];
	s13 =	sadd.s32 $0x2, s14;
	v17 =	vmov s9;
	v13 =	vadd.f32 v13, v4  }
0x19d: {  	v19 =	vmov s22;
	v20 =	vmov s13;
	v17 =	vand.u32 $0x7F, v17  }
0x19e: {  	v10 =	vadd.f32 v10, v4;
	v19 =	vand.u32 $0x7D, v19;
	v17 =	vadd.s32 v0, v17  }
0x19f: {  	[tilespmem:v8+s30+$0x0] =	vst.idx.msk $0xffff, v11;
	v11 =	vand.u32 $0x7E, v20;
	v8 =	vadd.s32 v0, v19;
	v9 =	vmul.f32 $8.000000000e+00, v9  }
0x1a0: {  	[tilespmem:v5+s30+$0x0] =	vst.idx.msk $0xffff, v12;
	v5 =	vand.u32 $0x7C, v15;
	v11 =	vadd.s32 v0, v11;
	v12 =	vmul.f32 $8.000000000e+00, v14  }
0x1a1: {  	[tilespmem:v6+s30+$0x0] =	vst.idx.msk $0xffff, v13;
	v5 =	vadd.s32 v0, v5;
	v6 =	vmul.f32 $8.000000000e+00, v16;
	v9 =	vadd.f32 v9, v4  }
0x1a2: {  	[tilespmem:v7+s30+$0x0] =	vst.idx.msk $0xffff, v10;
	v7 =	vmul.f32 $8.000000000e+00, v18;
	v10 =	vadd.f32 v12, v4  }
0x1a3: {  	v6 =	vadd.f32 v6, v4;
	[tilespmem:v17+s30+$0x0] =	vst.idx.msk $0xffff, v9  }
0x1a4: {  	v4 =	vadd.f32 v7, v4;
	[tilespmem:v8+s30+$0x0] =	vst.idx.msk $0xffff, v10  }
0x1a5: {  	[tilespmem:v11+s30+$0x0] =	vst.idx.msk $0xffff, v6  }
0x1a6: {  	[tilespmem:v5+s30+$0x0] =	vst.idx.msk $0xffff, v4  }
0x1a7: {  	s9 =	simm.s32 $0xA690;
	v4 =	vld [tilespmem:s21+$0x10]  }
0x1a8: {  	s14 =	simm.s32 $0x3;
	s25 =	simm.s32 $0x1;
	v6 =	vld [tilespmem:s9+$0x40]  }
0x1a9: {  	v5 =	vmov s14;
	v8 =	vmov s25;
	v7 =	vld [tilespmem:s9+$0xFFFFFFC0]  }
0x1aa: {  	v11 =	vld [tilespmem:s9+$0x0];
	v5 =	vand.u32 $0x7F, v5;
	v10 =	vand.u32 $0x7D, v8  }
0x1ab: {  	s25 =	simm.s32 $0x2;
	v8 =	vadd.s32 v1, v5;
	v5 =	vadd.s32 v1, v10;
	v10 =	vld [tilespmem:s9+$0xFFFFFF80]  }
0x1ac: {  	s22 =	simm.s32 $0x0;
	v12 =	vmov s25  }
0x1ad: {  	v9 =	vmov s22;
	v13 =	vand.u32 $0x7E, v12;
	v14 =	vmul.f32 $8.000000000e+00, v6  }
0x1ae: {  	s13 =	simm.s32 $0xA790;
	v15 =	vand.u32 $0x7C, v9;
	v12 =	vmul.f32 $8.000000000e+00, v7;
	v6 =	vadd.s32 v1, v13  }
0x1af: {  	s22 =	simm.s32 $0x8;
	s14 =	simm.s32 $0x4;
	v9 =	vld [tilespmem:s13+$0x40];
	v7 =	vadd.s32 v1, v15;
	v13 =	vmul.f32 $8.000000000e+00, v11;
	v11 =	vadd.f32 v14, v4  }
.LBB2_25:
0x1b0: {  	p1 =	slt.u32 s22, $0x7C;
	v14 =	vld [tilespmem:s13+$0xFFFFFFC0];
	s9 =	sadd.s32 $0x3, s14;
	v15 =	vmul.f32 $8.000000000e+00, v10;
	v12 =	vadd.f32 v12, v4  }
0x1b1: {  	v16 =	vmov s14;
	s25 =	sadd.s32 $0x1, s14;
	v17 =	vld [tilespmem:s13+$0x0];
	v18 =	vmov s9;
	v13 =	vadd.f32 v13, v4;
	[tilespmem:v8+s30+$0x0] =	vst.idx.msk $0xffff, v11  }
.Ltmp13:
0x1b2: {  	v8 =	vmov s25;
	s9 =	sadd.s32 $0x2, s14;
	s14 =	smov.u32 s22;
	v10 =	vld [tilespmem:s13+$0xFFFFFF80];
	v11 =	vand.u32 $0x7F, v18;
	v15 =	vadd.f32 v15, v4;
	[tilespmem:v5+s30+$0x0] =	vst.idx.msk $0xffff, v12;
	(pc) =	sbr.rel @p1 .LBB2_25-.Ltmp13, $4  }
0x1b3: {  	v5 =	vand.u32 $0x7D, v8;
	v12 =	vmov s9;
	v8 =	vadd.s32 v1, v11;
	[tilespmem:v6+s30+$0x0] =	vst.idx.msk $0xffff, v13  }
0x1b4: {  	v5 =	vadd.s32 v1, v5;
	v6 =	vand.u32 $0x7E, v12;
	v11 =	vmul.f32 $8.000000000e+00, v9;
	[tilespmem:v7+s30+$0x0] =	vst.idx.msk $0xffff, v15  }
0x1b5: {  	s13 =	sadd.s32 $0x100, s13;
	v7 =	vand.u32 $0x7C, v16;
	v6 =	vadd.s32 v1, v6;
	v12 =	vmul.f32 $8.000000000e+00, v14  }
0x1b6: {  	s22 =	sadd.s32 $0x4, s22;
	v7 =	vadd.s32 v1, v7;
	v9 =	vld [tilespmem:s13+$0x40];
	v13 =	vmul.f32 $8.000000000e+00, v17;
	v11 =	vadd.f32 v11, v4  }
0x1b7: {  	v14 =	vld [tilespmem:s13+$0xFFFFFFC0]  }
0x1b8: {  	s9 =	sadd.s32 $0x3, s14;
	v10 =	vmul.f32 $8.000000000e+00, v10;
	v12 =	vadd.f32 v12, v4;
	v16 =	vld [tilespmem:s13+$0x0]  }
0x1b9: {  	v15 =	vmov s14;
	s22 =	sadd.s32 $0x1, s14;
	v18 =	vld [tilespmem:s13+$0xFFFFFF80];
	s13 =	sadd.s32 $0x2, s14;
	v17 =	vmov s9;
	v13 =	vadd.f32 v13, v4  }
0x1ba: {  	v19 =	vmov s22;
	v20 =	vmov s13;
	v17 =	vand.u32 $0x7F, v17  }
0x1bb: {  	v10 =	vadd.f32 v10, v4;
	v19 =	vand.u32 $0x7D, v19;
	v17 =	vadd.s32 v1, v17  }
0x1bc: {  	[tilespmem:v8+s30+$0x0] =	vst.idx.msk $0xffff, v11;
	v11 =	vand.u32 $0x7E, v20;
	v8 =	vadd.s32 v1, v19;
	v9 =	vmul.f32 $8.000000000e+00, v9  }
0x1bd: {  	[tilespmem:v5+s30+$0x0] =	vst.idx.msk $0xffff, v12;
	v5 =	vand.u32 $0x7C, v15;
	v11 =	vadd.s32 v1, v11;
	v12 =	vmul.f32 $8.000000000e+00, v14  }
0x1be: {  	[tilespmem:v6+s30+$0x0] =	vst.idx.msk $0xffff, v13;
	v5 =	vadd.s32 v1, v5;
	v6 =	vmul.f32 $8.000000000e+00, v16;
	v9 =	vadd.f32 v9, v4  }
0x1bf: {  	[tilespmem:v7+s30+$0x0] =	vst.idx.msk $0xffff, v10;
	v7 =	vmul.f32 $8.000000000e+00, v18;
	v10 =	vadd.f32 v12, v4  }
0x1c0: {  	v6 =	vadd.f32 v6, v4;
	[tilespmem:v17+s30+$0x0] =	vst.idx.msk $0xffff, v9  }
0x1c1: {  	v4 =	vadd.f32 v7, v4;
	[tilespmem:v8+s30+$0x0] =	vst.idx.msk $0xffff, v10  }
0x1c2: {  	[tilespmem:v11+s30+$0x0] =	vst.idx.msk $0xffff, v6  }
0x1c3: {  	[tilespmem:v5+s30+$0x0] =	vst.idx.msk $0xffff, v4  }
0x1c4: {  	s9 =	simm.s32 $0xA6A0;
	v4 =	vld [tilespmem:s21+$0x20]  }
0x1c5: {  	s14 =	simm.s32 $0x3;
	s25 =	simm.s32 $0x1;
	v6 =	vld [tilespmem:s9+$0x40]  }
0x1c6: {  	v5 =	vmov s14;
	v8 =	vmov s25;
	v7 =	vld [tilespmem:s9+$0xFFFFFFC0]  }
0x1c7: {  	v11 =	vld [tilespmem:s9+$0x0];
	v5 =	vand.u32 $0x7F, v5;
	v10 =	vand.u32 $0x7D, v8  }
0x1c8: {  	s25 =	simm.s32 $0x2;
	v8 =	vadd.s32 v2, v5;
	v5 =	vadd.s32 v2, v10;
	v10 =	vld [tilespmem:s9+$0xFFFFFF80]  }
0x1c9: {  	s22 =	simm.s32 $0x0;
	v12 =	vmov s25  }
0x1ca: {  	v9 =	vmov s22;
	v13 =	vand.u32 $0x7E, v12;
	v14 =	vmul.f32 $8.000000000e+00, v6  }
0x1cb: {  	s13 =	simm.s32 $0xA7A0;
	v15 =	vand.u32 $0x7C, v9;
	v12 =	vmul.f32 $8.000000000e+00, v7;
	v6 =	vadd.s32 v2, v13  }
0x1cc: {  	s22 =	simm.s32 $0x8;
	s14 =	simm.s32 $0x4;
	v9 =	vld [tilespmem:s13+$0x40];
	v7 =	vadd.s32 v2, v15;
	v13 =	vmul.f32 $8.000000000e+00, v11;
	v11 =	vadd.f32 v14, v4  }
.LBB2_27:
0x1cd: {  	p1 =	slt.u32 s22, $0x7C;
	v14 =	vld [tilespmem:s13+$0xFFFFFFC0];
	s9 =	sadd.s32 $0x3, s14;
	v15 =	vmul.f32 $8.000000000e+00, v10;
	v12 =	vadd.f32 v12, v4  }
0x1ce: {  	v16 =	vmov s14;
	s25 =	sadd.s32 $0x1, s14;
	v17 =	vld [tilespmem:s13+$0x0];
	v18 =	vmov s9;
	v13 =	vadd.f32 v13, v4;
	[tilespmem:v8+s30+$0x0] =	vst.idx.msk $0xffff, v11  }
.Ltmp14:
0x1cf: {  	v8 =	vmov s25;
	s9 =	sadd.s32 $0x2, s14;
	s14 =	smov.u32 s22;
	v10 =	vld [tilespmem:s13+$0xFFFFFF80];
	v11 =	vand.u32 $0x7F, v18;
	v15 =	vadd.f32 v15, v4;
	[tilespmem:v5+s30+$0x0] =	vst.idx.msk $0xffff, v12;
	(pc) =	sbr.rel @p1 .LBB2_27-.Ltmp14, $4  }
0x1d0: {  	v5 =	vand.u32 $0x7D, v8;
	v12 =	vmov s9;
	v8 =	vadd.s32 v2, v11;
	[tilespmem:v6+s30+$0x0] =	vst.idx.msk $0xffff, v13  }
0x1d1: {  	v5 =	vadd.s32 v2, v5;
	v6 =	vand.u32 $0x7E, v12;
	v11 =	vmul.f32 $8.000000000e+00, v9;
	[tilespmem:v7+s30+$0x0] =	vst.idx.msk $0xffff, v15  }
0x1d2: {  	s13 =	sadd.s32 $0x100, s13;
	v7 =	vand.u32 $0x7C, v16;
	v6 =	vadd.s32 v2, v6;
	v12 =	vmul.f32 $8.000000000e+00, v14  }
0x1d3: {  	s22 =	sadd.s32 $0x4, s22;
	v7 =	vadd.s32 v2, v7;
	v9 =	vld [tilespmem:s13+$0x40];
	v13 =	vmul.f32 $8.000000000e+00, v17;
	v11 =	vadd.f32 v11, v4  }
0x1d4: {  	v14 =	vld [tilespmem:s13+$0xFFFFFFC0]  }
0x1d5: {  	s9 =	sadd.s32 $0x3, s14;
	v10 =	vmul.f32 $8.000000000e+00, v10;
	v12 =	vadd.f32 v12, v4;
	v16 =	vld [tilespmem:s13+$0x0]  }
0x1d6: {  	v15 =	vmov s14;
	s22 =	sadd.s32 $0x1, s14;
	v18 =	vld [tilespmem:s13+$0xFFFFFF80];
	s13 =	sadd.s32 $0x2, s14;
	v17 =	vmov s9;
	v13 =	vadd.f32 v13, v4  }
0x1d7: {  	v19 =	vmov s22;
	v20 =	vmov s13;
	v17 =	vand.u32 $0x7F, v17  }
0x1d8: {  	v10 =	vadd.f32 v10, v4;
	v19 =	vand.u32 $0x7D, v19;
	v17 =	vadd.s32 v2, v17  }
0x1d9: {  	[tilespmem:v8+s30+$0x0] =	vst.idx.msk $0xffff, v11;
	v11 =	vand.u32 $0x7E, v20;
	v8 =	vadd.s32 v2, v19;
	v9 =	vmul.f32 $8.000000000e+00, v9  }
0x1da: {  	[tilespmem:v5+s30+$0x0] =	vst.idx.msk $0xffff, v12;
	v5 =	vand.u32 $0x7C, v15;
	v11 =	vadd.s32 v2, v11;
	v12 =	vmul.f32 $8.000000000e+00, v14  }
0x1db: {  	[tilespmem:v6+s30+$0x0] =	vst.idx.msk $0xffff, v13;
	v5 =	vadd.s32 v2, v5;
	v6 =	vmul.f32 $8.000000000e+00, v16;
	v9 =	vadd.f32 v9, v4  }
0x1dc: {  	[tilespmem:v7+s30+$0x0] =	vst.idx.msk $0xffff, v10;
	v7 =	vmul.f32 $8.000000000e+00, v18;
	v10 =	vadd.f32 v12, v4  }
0x1dd: {  	v6 =	vadd.f32 v6, v4;
	[tilespmem:v17+s30+$0x0] =	vst.idx.msk $0xffff, v9  }
0x1de: {  	v4 =	vadd.f32 v7, v4;
	[tilespmem:v8+s30+$0x0] =	vst.idx.msk $0xffff, v10  }
0x1df: {  	[tilespmem:v11+s30+$0x0] =	vst.idx.msk $0xffff, v6  }
0x1e0: {  	[tilespmem:v5+s30+$0x0] =	vst.idx.msk $0xffff, v4  }
0x1e1: {  	s9 =	simm.s32 $0xA6B0;
	v4 =	vld [tilespmem:s21+$0x30]  }
0x1e2: {  	s14 =	simm.s32 $0x3;
	s22 =	simm.s32 $0x1;
	v6 =	vld [tilespmem:s9+$0x40]  }
0x1e3: {  	v5 =	vmov s14;
	v8 =	vmov s22;
	v7 =	vld [tilespmem:s9+$0xFFFFFFC0]  }
0x1e4: {  	v11 =	vld [tilespmem:s9+$0x0];
	v5 =	vand.u32 $0x7F, v5;
	v10 =	vand.u32 $0x7D, v8  }
0x1e5: {  	s25 =	simm.s32 $0x2;
	v8 =	vadd.s32 v3, v5;
	v5 =	vadd.s32 v3, v10;
	v10 =	vld [tilespmem:s9+$0xFFFFFF80]  }
0x1e6: {  	v12 =	vmov s25;
	s21 =	simm.s32 $0x0  }
0x1e7: {  	v13 =	vand.u32 $0x7E, v12;
	v9 =	vmov s21;
	v14 =	vmul.f32 $8.000000000e+00, v6  }
0x1e8: {  	s13 =	simm.s32 $0xA7B0;
	v15 =	vand.u32 $0x7C, v9;
	v12 =	vmul.f32 $8.000000000e+00, v7;
	v6 =	vadd.s32 v3, v13  }
0x1e9: {  	s14 =	simm.s32 $0x4;
	s21 =	simm.s32 $0x8;
	v9 =	vld [tilespmem:s13+$0x40];
	v7 =	vadd.s32 v3, v15;
	v13 =	vmul.f32 $8.000000000e+00, v11;
	v11 =	vadd.f32 v14, v4  }
.LBB2_29:
0x1ea: {  	p1 =	slt.u32 s21, $0x7C;
	v14 =	vld [tilespmem:s13+$0xFFFFFFC0];
	s9 =	sadd.s32 $0x3, s14;
	v15 =	vmul.f32 $8.000000000e+00, v10;
	v12 =	vadd.f32 v12, v4  }
0x1eb: {  	v16 =	vmov s14;
	s22 =	sadd.s32 $0x1, s14;
	v17 =	vld [tilespmem:s13+$0x0];
	v18 =	vmov s9;
	v13 =	vadd.f32 v13, v4;
	[tilespmem:v8+s30+$0x0] =	vst.idx.msk $0xffff, v11  }
.Ltmp15:
0x1ec: {  	v8 =	vmov s22;
	s9 =	sadd.s32 $0x2, s14;
	s14 =	smov.u32 s21;
	v10 =	vld [tilespmem:s13+$0xFFFFFF80];
	v11 =	vand.u32 $0x7F, v18;
	v15 =	vadd.f32 v15, v4;
	[tilespmem:v5+s30+$0x0] =	vst.idx.msk $0xffff, v12;
	(pc) =	sbr.rel @p1 .LBB2_29-.Ltmp15, $4  }
0x1ed: {  	v5 =	vand.u32 $0x7D, v8;
	v12 =	vmov s9;
	v8 =	vadd.s32 v3, v11;
	[tilespmem:v6+s30+$0x0] =	vst.idx.msk $0xffff, v13  }
0x1ee: {  	v5 =	vadd.s32 v3, v5;
	v6 =	vand.u32 $0x7E, v12;
	v11 =	vmul.f32 $8.000000000e+00, v9;
	[tilespmem:v7+s30+$0x0] =	vst.idx.msk $0xffff, v15  }
0x1ef: {  	s13 =	sadd.s32 $0x100, s13;
	v7 =	vand.u32 $0x7C, v16;
	v6 =	vadd.s32 v3, v6;
	v12 =	vmul.f32 $8.000000000e+00, v14  }
0x1f0: {  	s21 =	sadd.s32 $0x4, s21;
	v7 =	vadd.s32 v3, v7;
	v9 =	vld [tilespmem:s13+$0x40];
	v13 =	vmul.f32 $8.000000000e+00, v17;
	v11 =	vadd.f32 v11, v4  }
0x1f1: {  	v14 =	vld [tilespmem:s13+$0xFFFFFFC0];
	s9 =	sadd.s32 $0x3, s14;
	v10 =	vmul.f32 $8.000000000e+00, v10;
	v12 =	vadd.f32 v12, v4  }
0x1f2: {  	v15 =	vmov s14;
	s21 =	sadd.s32 $0x1, s14;
	v16 =	vld [tilespmem:s13+$0x0];
	s14 =	sadd.s32 $0x2, s14;
	v17 =	vmov s9;
	v13 =	vadd.f32 v13, v4  }
0x1f3: {  	v18 =	vld [tilespmem:s13+$0xFFFFFF80];
	v19 =	vmov s21;
	v20 =	vmov s14;
	v17 =	vand.u32 $0x7F, v17  }
0x1f4: {  	v10 =	vadd.f32 v10, v4;
	v19 =	vand.u32 $0x7D, v19;
	v17 =	vadd.s32 v3, v17  }
0x1f5: {  	[tilespmem:v8+s30+$0x0] =	vst.idx.msk $0xffff, v11;
	v59 =	vand.u32 $0x7E, v20;
	v58 =	vadd.s32 v3, v19;
	v9 =	vmul.f32 $8.000000000e+00, v9  }
0x1f6: {  	[tilespmem:v5+s30+$0x0] =	vst.idx.msk $0xffff, v12;
	v5 =	vand.u32 $0x7C, v15;
	v11 =	vadd.s32 v3, v59;
	v60 =	vmul.f32 $8.000000000e+00, v14  }
0x1f7: {  	[tilespmem:v6+s30+$0x0] =	vst.idx.msk $0xffff, v13;
	v5 =	vadd.s32 v3, v5;
	v61 =	vmul.f32 $8.000000000e+00, v16;
	v9 =	vadd.f32 v9, v4  }
0x1f8: {  	[tilespmem:v7+s30+$0x0] =	vst.idx.msk $0xffff, v10;
	v62 =	vmul.f32 $8.000000000e+00, v18;
	v63 =	vadd.f32 v60, v4  }
0x1f9: {  	s21 =	sshll.u32 s19, $0x7;
	v6 =	vadd.f32 v61, v4;
	[tilespmem:v17+s30+$0x0] =	vst.idx.msk $0xffff, v9  }
0x1fa: {  	s9 =	sand.u32 $0xF80, s21;
	v4 =	vadd.f32 v62, v4;
	[tilespmem:v58+s30+$0x0] =	vst.idx.msk $0xffff, v63  }
0x1fb: {  	s22 =	sshll.u32 s18, $0xF;
	s9 =	sadd.s32 s2, s9;
	[tilespmem:v11+s30+$0x0] =	vst.idx.msk $0xffff, v6  }
0x1fc: {  	s25 =	simm.s32 $0x14A00;
	s9 =	sadd.s32 s22, s9;
	[tilespmem:v5+s30+$0x0] =	vst.idx.msk $0xffff, v4  }
0x1fd: {  	[hbm4b:s9+s3] =	stream.linear.scatter [tilespmem:s25], [sflag:$0x8], $0x80, $0x38;
	[tilespmem:$0x1B000] =	vst v63  }
0x1fe: {  	s14 =	simm.s32 $0x14A88;
	s18 =	sadd.s32 $0x10, s9  }
0x1ff: {  	[hbm4b:s18+s3] =	stream.linear.scatter [tilespmem:s14], [sflag:$0x8], $0x80, $0x38;
	[tilespmem:$0x1B000] =	vst v63  }
0x200: {  	s13 =	simm.s32 $0x2200;
	s19 =	simm.s32 $0x14B10;
	s21 =	sadd.s32 $0x20, s9  }
0x201: {  	[hbm4b:s21+s3] =	stream.linear.scatter [tilespmem:s19], [sflag:$0x8], $0x80, $0x38;
	[tilespmem:$0x1B000] =	vst v63  }
0x202: {  	s22 =	simm.s32 $0x14B98;
	s25 =	sadd.s32 $0x30, s9;
	s14 =	simm.s32 $0x14C20  }
0x203: {  	[hbm4b:s25+s3] =	stream.linear.scatter [tilespmem:s22], [sflag:$0x8], $0x80, $0x38;
	[tilespmem:$0x1B000] =	vst v63  }
0x204: {  	s18 =	sadd.s32 $0x40, s9;
	s19 =	simm.s32 $0x14CA8;
	s21 =	sadd.s32 $0x50, s9  }
0x205: {  	[hbm4b:s18+s3] =	stream.linear.scatter [tilespmem:s14], [sflag:$0x8], $0x80, $0x38;
	[tilespmem:$0x1B000] =	vst v63  }
0x206: {  	s22 =	simm.s32 $0x14D30;
	s25 =	sadd.s32 $0x60, s9;
	s18 =	simm.s32 $0x440  }
0x207: {  	[hbm4b:s21+s3] =	stream.linear.scatter [tilespmem:s19], [sflag:$0x8], $0x80, $0x38;
	[tilespmem:$0x1B000] =	vst v63  }
0x208: {  	s14 =	simm.s32 $0x14DB8;
	s21 =	sadd.s32 $0x70, s9;
	s19 =	sadd.s32 $0x1000, s9  }
0x209: {  	[hbm4b:s25+s3] =	stream.linear.scatter [tilespmem:s22], [sflag:$0x8], $0x80, $0x38;
	[tilespmem:$0x1B000] =	vst v63  }
.LBB2_31:
0x20a: {  	[hbm4b:s21+s3] =	stream.linear.scatter [tilespmem:s14], [sflag:$0x8], $0x80, $0x38;
	[tilespmem:$0x1B000] =	vst v63  }
0x20b: {  	s9 =	smov.u32 s18;
	s14 =	smov.u32 s13  }
0x20c: {  	s22 =	sadd.s32 $0x1100, s13;
	s18 =	sshra.s32 s14, $0x2;
	s14 =	sadd.s32 $0x14A00, s9  }
0x20d: {  	[hbm4b:s19+s3] =	stream.linear.scatter [tilespmem:s14], [sflag:$0x8], $0x80, $0x38;
	[tilespmem:$0x1B000] =	vst v63  }
0x20e: {  	p1 =	sne.s32 s13, $0x7700;
	s13 =	sadd.s32 $0x14A88, s9;
	s14 =	sadd.s32 $0x10, s19  }
0x20f: {  	[hbm4b:s14+s3] =	stream.linear.scatter [tilespmem:s13], [sflag:$0x8], $0x80, $0x38;
	[tilespmem:$0x1B000] =	vst v63  }
0x210: {  	s13 =	sadd.s32 $0x14B10, s9;
	s14 =	sadd.s32 $0x20, s19  }
0x211: {  	[hbm4b:s14+s3] =	stream.linear.scatter [tilespmem:s13], [sflag:$0x8], $0x80, $0x38;
	[tilespmem:$0x1B000] =	vst v63  }
0x212: {  	s13 =	sadd.s32 $0x14B98, s9;
	s14 =	sadd.s32 $0x30, s19  }
0x213: {  	[hbm4b:s14+s3] =	stream.linear.scatter [tilespmem:s13], [sflag:$0x8], $0x80, $0x38;
	[tilespmem:$0x1B000] =	vst v63  }
0x214: {  	s13 =	sadd.s32 $0x14C20, s9;
	s14 =	sadd.s32 $0x40, s19  }
0x215: {  	[hbm4b:s14+s3] =	stream.linear.scatter [tilespmem:s13], [sflag:$0x8], $0x80, $0x38;
	[tilespmem:$0x1B000] =	vst v63  }
.Ltmp16:
0x216: {  	s13 =	sadd.s32 $0x14CA8, s9;
	s14 =	sadd.s32 $0x50, s19;
	(pc) =	sbr.rel @p1 .LBB2_31-.Ltmp16, $4  }
0x217: {  	[hbm4b:s14+s3] =	stream.linear.scatter [tilespmem:s13], [sflag:$0x8], $0x80, $0x38;
	[tilespmem:$0x1B000] =	vst v63  }
0x218: {  	s21 =	sadd.s32 $0x70, s19;
	s13 =	sadd.s32 $0x14D30, s9;
	s14 =	sadd.s32 $0x60, s19  }
0x219: {  	[hbm4b:s14+s3] =	stream.linear.scatter [tilespmem:s13], [sflag:$0x8], $0x80, $0x38;
	[tilespmem:$0x1B000] =	vst v63  }
0x21a: {  	s19 =	sadd.s32 $0x1000, s19;
	s14 =	sadd.s32 $0x14DB8, s9;
	s13 =	smov.u32 s22  }
0x21b: {  	[hbm4b:s21+s3] =	stream.linear.scatter [tilespmem:s14], [sflag:$0x8], $0x80, $0x38;
	[tilespmem:$0x1B000] =	vst v63  }
0x21c: {  	s9 =	sadd.s32 $0x14A00, s18  }
0x21d: {  	[hbm4b:s19+s3] =	stream.linear.scatter [tilespmem:s9], [sflag:$0x8], $0x80, $0x38;
	[tilespmem:$0x1B000] =	vst v63  }
0x21e: {  	s25 =	sadd.s32 $0x14A88, s18;
	s13 =	sadd.s32 $0x10, s19  }
0x21f: {  	[hbm4b:s13+s3] =	stream.linear.scatter [tilespmem:s25], [sflag:$0x8], $0x80, $0x38;
	[tilespmem:$0x1B000] =	vst v63  }
0x220: {  	s14 =	sadd.s32 $0x14B10, s18;
	s21 =	sadd.s32 $0x20, s19  }
0x221: {  	[hbm4b:s21+s3] =	stream.linear.scatter [tilespmem:s14], [sflag:$0x8], $0x80, $0x38;
	[tilespmem:$0x1B000] =	vst v63  }
0x222: {  	s22 =	sadd.s32 $0x14B98, s18;
	s25 =	sadd.s32 $0x30, s19  }
0x223: {  	[hbm4b:s25+s3] =	stream.linear.scatter [tilespmem:s22], [sflag:$0x8], $0x80, $0x38;
	[tilespmem:$0x1B000] =	vst v63  }
0x224: {  	s14 =	sadd.s32 $0x14C20, s18;
	s21 =	sadd.s32 $0x40, s19  }
0x225: {  	[hbm4b:s21+s3] =	stream.linear.scatter [tilespmem:s14], [sflag:$0x8], $0x80, $0x38;
	[tilespmem:$0x1B000] =	vst v63  }
0x226: {  	s22 =	sadd.s32 $0x14CA8, s18;
	s25 =	sadd.s32 $0x50, s19  }
0x227: {  	[hbm4b:s25+s3] =	stream.linear.scatter [tilespmem:s22], [sflag:$0x8], $0x80, $0x38;
	[tilespmem:$0x1B000] =	vst v63  }
0x228: {  	s14 =	sadd.s32 $0x14D30, s18;
	s21 =	sadd.s32 $0x60, s19  }
0x229: {  	[hbm4b:s21+s3] =	stream.linear.scatter [tilespmem:s14], [sflag:$0x8], $0x80, $0x38;
	[tilespmem:$0x1B000] =	vst v63  }
0x22a: {  	s9 =	simm.s32 @!p0 $0x7;
	s22 =	sadd.s32 $0x14DB8, s18;
	s25 =	sadd.s32 $0x70, s19  }
0x22b: {  	[hbm4b:s25+s3] =	stream.linear.scatter [tilespmem:s22], [sflag:$0x8], $0x80, $0x38;
	[tilespmem:$0x1B000] =	vst v63  }
0x22c: {  	s18 =	sadd.s32 s12, s11;
	_ =	swait.ge @!p0 [sflag:s9], $0x2000  }
0x22d: {  	s13 =	simm.s32 @!p0 $0x80;
	s12 =	sshrl.u32 s18, $0x5;
	[sflag:s9] =	ssyncset.done @!p0 $0x0  }
0x22e: {  	s14 =	simm.s32 @!p0 $0x8600;
	[sflag:s9] =	ssyncadd.s32 @!p0 $0xFFFFE000;
	s9 =	sadd.s32 @!p0 $0x500, s17  }
0x22f: {  	[tilespmem:s14], [sflag:$0x2] =	stream.indirect.gather @!p0 [hbm4b:s6+s13], $0x40, s9, s13, $0xb8;
	[tilespmem:$0x1B000] =	vst v63  }
0x230: {  	s13 =	ssub.s32 s12, s5;
	_ =	swait.ge [sflag:s31], $0x2000  }
0x231: {  	s9 =	sshll.u32 s13, $0x8;
	[sflag:s31] =	ssyncset.done $0x0  }
0x232: {  	s19 =	sshra.s32 s9, $0x2;
	[sflag:s31] =	ssyncadd.s32 $0xFFFFE000  }
0x233: {  	s9 =	simm.s32 $0xC680;
	v4 =	vld [tilespmem:s19+$0x0]  }
0x234: {  	s22 =	simm.s32 $0x1;
	s14 =	simm.s32 $0x3;
	v6 =	vld [tilespmem:s9+$0x40]  }
0x235: {  	v8 =	vmov s22;
	v5 =	vmov s14;
	v7 =	vld [tilespmem:s9+$0xFFFFFFC0]  }
0x236: {  	v10 =	vand.u32 $0x7D, v8;
	v5 =	vand.u32 $0x7F, v5;
	v11 =	vld [tilespmem:s9+$0x0]  }
0x237: {  	s25 =	simm.s32 $0x2;
	v8 =	vadd.s32 v0, v5;
	v5 =	vadd.s32 v0, v10;
	v10 =	vld [tilespmem:s9+$0xFFFFFF80]  }
0x238: {  	s21 =	simm.s32 $0x0;
	v12 =	vmov s25  }
0x239: {  	v9 =	vmov s21;
	v13 =	vand.u32 $0x7E, v12;
	v14 =	vmul.f32 $8.000000000e+00, v6  }
0x23a: {  	v15 =	vand.u32 $0x7C, v9;
	s13 =	simm.s32 $0xC780;
	v12 =	vmul.f32 $8.000000000e+00, v7;
	v6 =	vadd.s32 v0, v13  }
0x23b: {  	s21 =	simm.s32 $0x8;
	s14 =	simm.s32 $0x4;
	v9 =	vld [tilespmem:s13+$0x40];
	v7 =	vadd.s32 v0, v15;
	v13 =	vmul.f32 $8.000000000e+00, v11;
	v11 =	vadd.f32 v14, v4  }
.LBB2_33:
0x23c: {  	p1 =	slt.u32 s21, $0x7C;
	v14 =	vld [tilespmem:s13+$0xFFFFFFC0];
	s9 =	sadd.s32 $0x3, s14;
	v15 =	vmul.f32 $8.000000000e+00, v10;
	v12 =	vadd.f32 v12, v4  }
0x23d: {  	v16 =	vmov s14;
	s22 =	sadd.s32 $0x1, s14;
	v17 =	vld [tilespmem:s13+$0x0];
	v18 =	vmov s9;
	v13 =	vadd.f32 v13, v4;
	[tilespmem:v8+s1+$0x0] =	vst.idx.msk $0xffff, v11  }
.Ltmp17:
0x23e: {  	v8 =	vmov s22;
	s9 =	sadd.s32 $0x2, s14;
	s14 =	smov.u32 s21;
	v10 =	vld [tilespmem:s13+$0xFFFFFF80];
	v11 =	vand.u32 $0x7F, v18;
	v15 =	vadd.f32 v15, v4;
	[tilespmem:v5+s1+$0x0] =	vst.idx.msk $0xffff, v12;
	(pc) =	sbr.rel @p1 .LBB2_33-.Ltmp17, $4  }
0x23f: {  	v5 =	vand.u32 $0x7D, v8;
	v12 =	vmov s9;
	v8 =	vadd.s32 v0, v11;
	[tilespmem:v6+s1+$0x0] =	vst.idx.msk $0xffff, v13  }
0x240: {  	v5 =	vadd.s32 v0, v5;
	v6 =	vand.u32 $0x7E, v12;
	v11 =	vmul.f32 $8.000000000e+00, v9;
	[tilespmem:v7+s1+$0x0] =	vst.idx.msk $0xffff, v15  }
0x241: {  	s13 =	sadd.s32 $0x100, s13;
	v7 =	vand.u32 $0x7C, v16;
	v6 =	vadd.s32 v0, v6;
	v12 =	vmul.f32 $8.000000000e+00, v14  }
0x242: {  	s21 =	sadd.s32 $0x4, s21;
	v7 =	vadd.s32 v0, v7;
	v9 =	vld [tilespmem:s13+$0x40];
	v13 =	vmul.f32 $8.000000000e+00, v17;
	v11 =	vadd.f32 v11, v4  }
0x243: {  	v14 =	vld [tilespmem:s13+$0xFFFFFFC0]  }
0x244: {  	s9 =	sadd.s32 $0x3, s14;
	v10 =	vmul.f32 $8.000000000e+00, v10;
	v12 =	vadd.f32 v12, v4;
	v16 =	vld [tilespmem:s13+$0x0]  }
0x245: {  	v15 =	vmov s14;
	s21 =	sadd.s32 $0x1, s14;
	v18 =	vld [tilespmem:s13+$0xFFFFFF80];
	s13 =	sadd.s32 $0x2, s14;
	v17 =	vmov s9;
	v13 =	vadd.f32 v13, v4  }
0x246: {  	v19 =	vmov s21;
	v20 =	vmov s13;
	v17 =	vand.u32 $0x7F, v17  }
0x247: {  	v10 =	vadd.f32 v10, v4;
	v19 =	vand.u32 $0x7D, v19;
	v17 =	vadd.s32 v0, v17  }
0x248: {  	[tilespmem:v8+s1+$0x0] =	vst.idx.msk $0xffff, v11;
	v11 =	vand.u32 $0x7E, v20;
	v8 =	vadd.s32 v0, v19;
	v9 =	vmul.f32 $8.000000000e+00, v9  }
0x249: {  	[tilespmem:v5+s1+$0x0] =	vst.idx.msk $0xffff, v12;
	v5 =	vand.u32 $0x7C, v15;
	v11 =	vadd.s32 v0, v11;
	v12 =	vmul.f32 $8.000000000e+00, v14  }
0x24a: {  	[tilespmem:v6+s1+$0x0] =	vst.idx.msk $0xffff, v13;
	v5 =	vadd.s32 v0, v5;
	v6 =	vmul.f32 $8.000000000e+00, v16;
	v9 =	vadd.f32 v9, v4  }
0x24b: {  	[tilespmem:v7+s1+$0x0] =	vst.idx.msk $0xffff, v10;
	v7 =	vmul.f32 $8.000000000e+00, v18;
	v10 =	vadd.f32 v12, v4  }
0x24c: {  	v6 =	vadd.f32 v6, v4;
	[tilespmem:v17+s1+$0x0] =	vst.idx.msk $0xffff, v9  }
0x24d: {  	v4 =	vadd.f32 v7, v4;
	[tilespmem:v8+s1+$0x0] =	vst.idx.msk $0xffff, v10  }
0x24e: {  	[tilespmem:v11+s1+$0x0] =	vst.idx.msk $0xffff, v6  }
0x24f: {  	[tilespmem:v5+s1+$0x0] =	vst.idx.msk $0xffff, v4  }
0x250: {  	s9 =	simm.s32 $0xC690;
	v4 =	vld [tilespmem:s19+$0x10]  }
0x251: {  	s14 =	simm.s32 $0x3;
	s22 =	simm.s32 $0x1;
	v6 =	vld [tilespmem:s9+$0x40]  }
0x252: {  	v5 =	vmov s14;
	v8 =	vmov s22;
	v7 =	vld [tilespmem:s9+$0xFFFFFFC0]  }
0x253: {  	v11 =	vld [tilespmem:s9+$0x0];
	v5 =	vand.u32 $0x7F, v5;
	v10 =	vand.u32 $0x7D, v8  }
0x254: {  	s25 =	simm.s32 $0x2;
	v8 =	vadd.s32 v1, v5;
	v5 =	vadd.s32 v1, v10;
	v10 =	vld [tilespmem:s9+$0xFFFFFF80]  }
0x255: {  	s21 =	simm.s32 $0x0;
	v12 =	vmov s25  }
0x256: {  	v9 =	vmov s21;
	v13 =	vand.u32 $0x7E, v12;
	v14 =	vmul.f32 $8.000000000e+00, v6  }
0x257: {  	s13 =	simm.s32 $0xC790;
	v15 =	vand.u32 $0x7C, v9;
	v12 =	vmul.f32 $8.000000000e+00, v7;
	v6 =	vadd.s32 v1, v13  }
0x258: {  	s21 =	simm.s32 $0x8;
	s14 =	simm.s32 $0x4;
	v9 =	vld [tilespmem:s13+$0x40];
	v7 =	vadd.s32 v1, v15;
	v13 =	vmul.f32 $8.000000000e+00, v11;
	v11 =	vadd.f32 v14, v4  }
.LBB2_35:
0x259: {  	p1 =	slt.u32 s21, $0x7C;
	v14 =	vld [tilespmem:s13+$0xFFFFFFC0];
	s9 =	sadd.s32 $0x3, s14;
	v15 =	vmul.f32 $8.000000000e+00, v10;
	v12 =	vadd.f32 v12, v4  }
0x25a: {  	v16 =	vmov s14;
	s22 =	sadd.s32 $0x1, s14;
	v17 =	vld [tilespmem:s13+$0x0];
	v18 =	vmov s9;
	v13 =	vadd.f32 v13, v4;
	[tilespmem:v8+s1+$0x0] =	vst.idx.msk $0xffff, v11  }
.Ltmp18:
0x25b: {  	v8 =	vmov s22;
	s9 =	sadd.s32 $0x2, s14;
	s14 =	smov.u32 s21;
	v10 =	vld [tilespmem:s13+$0xFFFFFF80];
	v11 =	vand.u32 $0x7F, v18;
	v15 =	vadd.f32 v15, v4;
	[tilespmem:v5+s1+$0x0] =	vst.idx.msk $0xffff, v12;
	(pc) =	sbr.rel @p1 .LBB2_35-.Ltmp18, $4  }
0x25c: {  	v5 =	vand.u32 $0x7D, v8;
	v12 =	vmov s9;
	v8 =	vadd.s32 v1, v11;
	[tilespmem:v6+s1+$0x0] =	vst.idx.msk $0xffff, v13  }
0x25d: {  	v5 =	vadd.s32 v1, v5;
	v6 =	vand.u32 $0x7E, v12;
	v11 =	vmul.f32 $8.000000000e+00, v9;
	[tilespmem:v7+s1+$0x0] =	vst.idx.msk $0xffff, v15  }
0x25e: {  	s13 =	sadd.s32 $0x100, s13;
	v7 =	vand.u32 $0x7C, v16;
	v6 =	vadd.s32 v1, v6;
	v12 =	vmul.f32 $8.000000000e+00, v14  }
0x25f: {  	s21 =	sadd.s32 $0x4, s21;
	v7 =	vadd.s32 v1, v7;
	v9 =	vld [tilespmem:s13+$0x40];
	v13 =	vmul.f32 $8.000000000e+00, v17;
	v11 =	vadd.f32 v11, v4  }
0x260: {  	v14 =	vld [tilespmem:s13+$0xFFFFFFC0]  }
0x261: {  	s9 =	sadd.s32 $0x3, s14;
	v10 =	vmul.f32 $8.000000000e+00, v10;
	v12 =	vadd.f32 v12, v4;
	v16 =	vld [tilespmem:s13+$0x0]  }
0x262: {  	v15 =	vmov s14;
	s21 =	sadd.s32 $0x1, s14;
	v18 =	vld [tilespmem:s13+$0xFFFFFF80];
	s13 =	sadd.s32 $0x2, s14;
	v17 =	vmov s9;
	v13 =	vadd.f32 v13, v4  }
0x263: {  	v19 =	vmov s21;
	v20 =	vmov s13;
	v17 =	vand.u32 $0x7F, v17  }
0x264: {  	v10 =	vadd.f32 v10, v4;
	v19 =	vand.u32 $0x7D, v19;
	v17 =	vadd.s32 v1, v17  }
0x265: {  	[tilespmem:v8+s1+$0x0] =	vst.idx.msk $0xffff, v11;
	v11 =	vand.u32 $0x7E, v20;
	v8 =	vadd.s32 v1, v19;
	v9 =	vmul.f32 $8.000000000e+00, v9  }
0x266: {  	[tilespmem:v5+s1+$0x0] =	vst.idx.msk $0xffff, v12;
	v5 =	vand.u32 $0x7C, v15;
	v11 =	vadd.s32 v1, v11;
	v12 =	vmul.f32 $8.000000000e+00, v14  }
0x267: {  	[tilespmem:v6+s1+$0x0] =	vst.idx.msk $0xffff, v13;
	v5 =	vadd.s32 v1, v5;
	v6 =	vmul.f32 $8.000000000e+00, v16;
	v9 =	vadd.f32 v9, v4  }
0x268: {  	[tilespmem:v7+s1+$0x0] =	vst.idx.msk $0xffff, v10;
	v7 =	vmul.f32 $8.000000000e+00, v18;
	v10 =	vadd.f32 v12, v4  }
0x269: {  	v6 =	vadd.f32 v6, v4;
	[tilespmem:v17+s1+$0x0] =	vst.idx.msk $0xffff, v9  }
0x26a: {  	v4 =	vadd.f32 v7, v4;
	[tilespmem:v8+s1+$0x0] =	vst.idx.msk $0xffff, v10  }
0x26b: {  	[tilespmem:v11+s1+$0x0] =	vst.idx.msk $0xffff, v6  }
0x26c: {  	[tilespmem:v5+s1+$0x0] =	vst.idx.msk $0xffff, v4  }
0x26d: {  	s9 =	simm.s32 $0xC6A0;
	v4 =	vld [tilespmem:s19+$0x20]  }
0x26e: {  	s14 =	simm.s32 $0x3;
	s22 =	simm.s32 $0x1;
	v6 =	vld [tilespmem:s9+$0x40]  }
0x26f: {  	v5 =	vmov s14;
	v8 =	vmov s22;
	v7 =	vld [tilespmem:s9+$0xFFFFFFC0]  }
0x270: {  	v11 =	vld [tilespmem:s9+$0x0];
	v5 =	vand.u32 $0x7F, v5;
	v10 =	vand.u32 $0x7D, v8  }
0x271: {  	s25 =	simm.s32 $0x2;
	v8 =	vadd.s32 v2, v5;
	v5 =	vadd.s32 v2, v10;
	v10 =	vld [tilespmem:s9+$0xFFFFFF80]  }
0x272: {  	s21 =	simm.s32 $0x0;
	v12 =	vmov s25  }
0x273: {  	v9 =	vmov s21;
	v13 =	vand.u32 $0x7E, v12;
	v14 =	vmul.f32 $8.000000000e+00, v6  }
0x274: {  	s13 =	simm.s32 $0xC7A0;
	v15 =	vand.u32 $0x7C, v9;
	v12 =	vmul.f32 $8.000000000e+00, v7;
	v6 =	vadd.s32 v2, v13  }
0x275: {  	s21 =	simm.s32 $0x8;
	s14 =	simm.s32 $0x4;
	v9 =	vld [tilespmem:s13+$0x40];
	v7 =	vadd.s32 v2, v15;
	v13 =	vmul.f32 $8.000000000e+00, v11;
	v11 =	vadd.f32 v14, v4  }
.LBB2_37:
0x276: {  	p1 =	slt.u32 s21, $0x7C;
	v14 =	vld [tilespmem:s13+$0xFFFFFFC0];
	s9 =	sadd.s32 $0x3, s14;
	v15 =	vmul.f32 $8.000000000e+00, v10;
	v12 =	vadd.f32 v12, v4  }
0x277: {  	v16 =	vmov s14;
	s22 =	sadd.s32 $0x1, s14;
	v17 =	vld [tilespmem:s13+$0x0];
	v18 =	vmov s9;
	v13 =	vadd.f32 v13, v4;
	[tilespmem:v8+s1+$0x0] =	vst.idx.msk $0xffff, v11  }
.Ltmp19:
0x278: {  	v8 =	vmov s22;
	s9 =	sadd.s32 $0x2, s14;
	s14 =	smov.u32 s21;
	v10 =	vld [tilespmem:s13+$0xFFFFFF80];
	v11 =	vand.u32 $0x7F, v18;
	v15 =	vadd.f32 v15, v4;
	[tilespmem:v5+s1+$0x0] =	vst.idx.msk $0xffff, v12;
	(pc) =	sbr.rel @p1 .LBB2_37-.Ltmp19, $4  }
0x279: {  	v5 =	vand.u32 $0x7D, v8;
	v12 =	vmov s9;
	v8 =	vadd.s32 v2, v11;
	[tilespmem:v6+s1+$0x0] =	vst.idx.msk $0xffff, v13  }
0x27a: {  	v5 =	vadd.s32 v2, v5;
	v6 =	vand.u32 $0x7E, v12;
	v11 =	vmul.f32 $8.000000000e+00, v9;
	[tilespmem:v7+s1+$0x0] =	vst.idx.msk $0xffff, v15  }
0x27b: {  	s13 =	sadd.s32 $0x100, s13;
	v7 =	vand.u32 $0x7C, v16;
	v6 =	vadd.s32 v2, v6;
	v12 =	vmul.f32 $8.000000000e+00, v14  }
0x27c: {  	s21 =	sadd.s32 $0x4, s21;
	v7 =	vadd.s32 v2, v7;
	v9 =	vld [tilespmem:s13+$0x40];
	v13 =	vmul.f32 $8.000000000e+00, v17;
	v11 =	vadd.f32 v11, v4  }
0x27d: {  	v14 =	vld [tilespmem:s13+$0xFFFFFFC0];
	s9 =	sadd.s32 $0x3, s14;
	v10 =	vmul.f32 $8.000000000e+00, v10;
	v12 =	vadd.f32 v12, v4  }
0x27e: {  	v15 =	vmov s14;
	s21 =	sadd.s32 $0x1, s14;
	v16 =	vld [tilespmem:s13+$0x0];
	s14 =	sadd.s32 $0x2, s14;
	v17 =	vmov s9;
	v13 =	vadd.f32 v13, v4  }
0x27f: {  	v18 =	vld [tilespmem:s13+$0xFFFFFF80];
	v19 =	vmov s21;
	v20 =	vmov s14;
	v17 =	vand.u32 $0x7F, v17  }
0x280: {  	v10 =	vadd.f32 v10, v4;
	v19 =	vand.u32 $0x7D, v19;
	v17 =	vadd.s32 v2, v17  }
0x281: {  	[tilespmem:v8+s1+$0x0] =	vst.idx.msk $0xffff, v11;
	v11 =	vand.u32 $0x7E, v20;
	v8 =	vadd.s32 v2, v19;
	v9 =	vmul.f32 $8.000000000e+00, v9  }
0x282: {  	[tilespmem:v5+s1+$0x0] =	vst.idx.msk $0xffff, v12;
	v5 =	vand.u32 $0x7C, v15;
	v11 =	vadd.s32 v2, v11;
	v12 =	vmul.f32 $8.000000000e+00, v14  }
0x283: {  	[tilespmem:v6+s1+$0x0] =	vst.idx.msk $0xffff, v13;
	v5 =	vadd.s32 v2, v5;
	v6 =	vmul.f32 $8.000000000e+00, v16;
	v9 =	vadd.f32 v9, v4  }
0x284: {  	[tilespmem:v7+s1+$0x0] =	vst.idx.msk $0xffff, v10;
	v7 =	vmul.f32 $8.000000000e+00, v18;
	v10 =	vadd.f32 v12, v4  }
0x285: {  	v6 =	vadd.f32 v6, v4;
	[tilespmem:v17+s1+$0x0] =	vst.idx.msk $0xffff, v9  }
0x286: {  	v4 =	vadd.f32 v7, v4;
	[tilespmem:v8+s1+$0x0] =	vst.idx.msk $0xffff, v10  }
0x287: {  	[tilespmem:v11+s1+$0x0] =	vst.idx.msk $0xffff, v6  }
0x288: {  	[tilespmem:v5+s1+$0x0] =	vst.idx.msk $0xffff, v4  }
0x289: {  	s9 =	simm.s32 $0xC6B0;
	v4 =	vld [tilespmem:s19+$0x30]  }
0x28a: {  	s22 =	simm.s32 $0x1;
	v6 =	vld [tilespmem:s9+$0x40];
	s19 =	simm.s32 $0x3  }
0x28b: {  	v8 =	vmov s22;
	v7 =	vld [tilespmem:s9+$0xFFFFFFC0];
	v5 =	vmov s19  }
0x28c: {  	v11 =	vld [tilespmem:s9+$0x0];
	v10 =	vand.u32 $0x7D, v8;
	v5 =	vand.u32 $0x7F, v5  }
0x28d: {  	s25 =	simm.s32 $0x2;
	v8 =	vadd.s32 v3, v5;
	v5 =	vadd.s32 v3, v10;
	v10 =	vld [tilespmem:s9+$0xFFFFFF80]  }
0x28e: {  	s21 =	simm.s32 $0x0;
	v12 =	vmov s25  }
0x28f: {  	v9 =	vmov s21;
	v13 =	vand.u32 $0x7E, v12;
	v14 =	vmul.f32 $8.000000000e+00, v6  }
0x290: {  	s13 =	simm.s32 $0xC7B0;
	v15 =	vand.u32 $0x7C, v9;
	v12 =	vmul.f32 $8.000000000e+00, v7;
	v6 =	vadd.s32 v3, v13  }
0x291: {  	s14 =	simm.s32 $0x4;
	v9 =	vld [tilespmem:s13+$0x40];
	s19 =	simm.s32 $0x8;
	v7 =	vadd.s32 v3, v15;
	v13 =	vmul.f32 $8.000000000e+00, v11;
	v11 =	vadd.f32 v14, v4  }
.LBB2_39:
0x292: {  	p1 =	slt.u32 s19, $0x7C;
	v14 =	vld [tilespmem:s13+$0xFFFFFFC0];
	s9 =	sadd.s32 $0x3, s14;
	v15 =	vmul.f32 $8.000000000e+00, v10;
	v12 =	vadd.f32 v12, v4  }
0x293: {  	v16 =	vmov s14;
	s21 =	sadd.s32 $0x1, s14;
	v17 =	vld [tilespmem:s13+$0x0];
	v18 =	vmov s9;
	v13 =	vadd.f32 v13, v4;
	[tilespmem:v8+s1+$0x0] =	vst.idx.msk $0xffff, v11  }
.Ltmp20:
0x294: {  	v8 =	vmov s21;
	s9 =	sadd.s32 $0x2, s14;
	s14 =	smov.u32 s19;
	v10 =	vld [tilespmem:s13+$0xFFFFFF80];
	v11 =	vand.u32 $0x7F, v18;
	v15 =	vadd.f32 v15, v4;
	[tilespmem:v5+s1+$0x0] =	vst.idx.msk $0xffff, v12;
	(pc) =	sbr.rel @p1 .LBB2_39-.Ltmp20, $4  }
0x295: {  	v5 =	vand.u32 $0x7D, v8;
	v12 =	vmov s9;
	v8 =	vadd.s32 v3, v11;
	[tilespmem:v6+s1+$0x0] =	vst.idx.msk $0xffff, v13  }
0x296: {  	v5 =	vadd.s32 v3, v5;
	v6 =	vand.u32 $0x7E, v12;
	v11 =	vmul.f32 $8.000000000e+00, v9;
	[tilespmem:v7+s1+$0x0] =	vst.idx.msk $0xffff, v15  }
0x297: {  	s13 =	sadd.s32 $0x100, s13;
	v7 =	vand.u32 $0x7C, v16;
	v6 =	vadd.s32 v3, v6;
	v12 =	vmul.f32 $8.000000000e+00, v14  }
0x298: {  	s19 =	sadd.s32 $0x4, s19;
	v7 =	vadd.s32 v3, v7;
	v9 =	vld [tilespmem:s13+$0x40];
	v13 =	vmul.f32 $8.000000000e+00, v17;
	v11 =	vadd.f32 v11, v4  }
0x299: {  	v14 =	vld [tilespmem:s13+$0xFFFFFFC0];
	s9 =	sadd.s32 $0x3, s14;
	v10 =	vmul.f32 $8.000000000e+00, v10;
	v12 =	vadd.f32 v12, v4  }
0x29a: {  	v15 =	vmov s14;
	s19 =	sadd.s32 $0x1, s14;
	v16 =	vld [tilespmem:s13+$0x0];
	s22 =	sadd.s32 $0x2, s14;
	v17 =	vmov s9;
	v13 =	vadd.f32 v13, v4  }
0x29b: {  	v18 =	vld [tilespmem:s13+$0xFFFFFF80];
	v19 =	vmov s19;
	v20 =	vmov s22;
	v17 =	vand.u32 $0x7F, v17  }
0x29c: {  	v10 =	vadd.f32 v10, v4;
	v19 =	vand.u32 $0x7D, v19;
	v17 =	vadd.s32 v3, v17  }
0x29d: {  	[tilespmem:v8+s1+$0x0] =	vst.idx.msk $0xffff, v11;
	v59 =	vand.u32 $0x7E, v20;
	v58 =	vadd.s32 v3, v19;
	v9 =	vmul.f32 $8.000000000e+00, v9  }
0x29e: {  	[tilespmem:v5+s1+$0x0] =	vst.idx.msk $0xffff, v12;
	v5 =	vand.u32 $0x7C, v15;
	v11 =	vadd.s32 v3, v59;
	v60 =	vmul.f32 $8.000000000e+00, v14  }
0x29f: {  	[tilespmem:v6+s1+$0x0] =	vst.idx.msk $0xffff, v13;
	v5 =	vadd.s32 v3, v5;
	v61 =	vmul.f32 $8.000000000e+00, v16;
	v9 =	vadd.f32 v9, v4  }
0x2a0: {  	[tilespmem:v7+s1+$0x0] =	vst.idx.msk $0xffff, v10;
	v62 =	vmul.f32 $8.000000000e+00, v18;
	v63 =	vadd.f32 v60, v4  }
0x2a1: {  	s25 =	sshll.u32 s18, $0x7;
	v6 =	vadd.f32 v61, v4;
	[tilespmem:v17+s1+$0x0] =	vst.idx.msk $0xffff, v9  }
0x2a2: {  	s9 =	sand.u32 $0xF80, s25;
	v4 =	vadd.f32 v62, v4;
	[tilespmem:v58+s1+$0x0] =	vst.idx.msk $0xffff, v63  }
0x2a3: {  	s12 =	sshll.u32 s12, $0xF;
	s9 =	sadd.s32 s2, s9;
	[tilespmem:v11+s1+$0x0] =	vst.idx.msk $0xffff, v6  }
0x2a4: {  	s13 =	simm.s32 $0x16C00;
	s9 =	sadd.s32 s12, s9;
	[tilespmem:v5+s1+$0x0] =	vst.idx.msk $0xffff, v4  }
0x2a5: {  	[hbm4b:s9+s3] =	stream.linear.scatter [tilespmem:s13], [sflag:$0x9], $0x80, $0x38;
	[tilespmem:$0x1B000] =	vst v63  }
0x2a6: {  	s14 =	simm.s32 $0x16C88;
	s18 =	sadd.s32 $0x10, s9  }
0x2a7: {  	[hbm4b:s18+s3] =	stream.linear.scatter [tilespmem:s14], [sflag:$0x9], $0x80, $0x38;
	[tilespmem:$0x1B000] =	vst v63  }
0x2a8: {  	s19 =	simm.s32 $0x16D10;
	s22 =	simm.s32 $0x16D98;
	s21 =	sadd.s32 $0x20, s9  }
0x2a9: {  	[hbm4b:s21+s3] =	stream.linear.scatter [tilespmem:s19], [sflag:$0x9], $0x80, $0x38;
	[tilespmem:$0x1B000] =	vst v63  }
0x2aa: {  	s12 =	simm.s32 $0x440;
	s25 =	sadd.s32 $0x30, s9;
	s13 =	simm.s32 $0x2200  }
0x2ab: {  	[hbm4b:s25+s3] =	stream.linear.scatter [tilespmem:s22], [sflag:$0x9], $0x80, $0x38;
	[tilespmem:$0x1B000] =	vst v63  }
0x2ac: {  	s14 =	simm.s32 $0x16E20;
	s18 =	sadd.s32 $0x40, s9;
	s19 =	simm.s32 $0x16EA8  }
0x2ad: {  	[hbm4b:s18+s3] =	stream.linear.scatter [tilespmem:s14], [sflag:$0x9], $0x80, $0x38;
	[tilespmem:$0x1B000] =	vst v63  }
0x2ae: {  	s21 =	sadd.s32 $0x50, s9;
	s22 =	simm.s32 $0x16F30;
	s25 =	sadd.s32 $0x60, s9  }
0x2af: {  	[hbm4b:s21+s3] =	stream.linear.scatter [tilespmem:s19], [sflag:$0x9], $0x80, $0x38;
	[tilespmem:$0x1B000] =	vst v63  }
0x2b0: {  	s14 =	simm.s32 $0x16FB8;
	s18 =	sadd.s32 $0x1000, s9;
	s19 =	sadd.s32 $0x70, s9  }
0x2b1: {  	[hbm4b:s25+s3] =	stream.linear.scatter [tilespmem:s22], [sflag:$0x9], $0x80, $0x38;
	[tilespmem:$0x1B000] =	vst v63  }
.LBB2_41:
0x2b2: {  	[hbm4b:s19+s3] =	stream.linear.scatter [tilespmem:s14], [sflag:$0x9], $0x80, $0x38;
	[tilespmem:$0x1B000] =	vst v63  }
0x2b3: {  	s9 =	smov.u32 s12;
	s12 =	smov.u32 s13  }
0x2b4: {  	s21 =	sadd.s32 $0x1100, s13;
	s12 =	sshra.s32 s12, $0x2;
	s14 =	sadd.s32 $0x16C00, s9  }
0x2b5: {  	[hbm4b:s18+s3] =	stream.linear.scatter [tilespmem:s14], [sflag:$0x9], $0x80, $0x38;
	[tilespmem:$0x1B000] =	vst v63  }
0x2b6: {  	p1 =	sne.s32 s13, $0x7700;
	s13 =	sadd.s32 $0x16C88, s9;
	s14 =	sadd.s32 $0x10, s18  }
0x2b7: {  	[hbm4b:s14+s3] =	stream.linear.scatter [tilespmem:s13], [sflag:$0x9], $0x80, $0x38;
	[tilespmem:$0x1B000] =	vst v63  }
0x2b8: {  	s13 =	sadd.s32 $0x16D10, s9;
	s14 =	sadd.s32 $0x20, s18  }
0x2b9: {  	[hbm4b:s14+s3] =	stream.linear.scatter [tilespmem:s13], [sflag:$0x9], $0x80, $0x38;
	[tilespmem:$0x1B000] =	vst v63  }
0x2ba: {  	s13 =	sadd.s32 $0x16D98, s9;
	s14 =	sadd.s32 $0x30, s18  }
0x2bb: {  	[hbm4b:s14+s3] =	stream.linear.scatter [tilespmem:s13], [sflag:$0x9], $0x80, $0x38;
	[tilespmem:$0x1B000] =	vst v63  }
0x2bc: {  	s13 =	sadd.s32 $0x16E20, s9;
	s14 =	sadd.s32 $0x40, s18  }
0x2bd: {  	[hbm4b:s14+s3] =	stream.linear.scatter [tilespmem:s13], [sflag:$0x9], $0x80, $0x38;
	[tilespmem:$0x1B000] =	vst v63  }
.Ltmp21:
0x2be: {  	s13 =	sadd.s32 $0x16EA8, s9;
	s14 =	sadd.s32 $0x50, s18;
	(pc) =	sbr.rel @p1 .LBB2_41-.Ltmp21, $4  }
0x2bf: {  	[hbm4b:s14+s3] =	stream.linear.scatter [tilespmem:s13], [sflag:$0x9], $0x80, $0x38;
	[tilespmem:$0x1B000] =	vst v63  }
0x2c0: {  	s19 =	sadd.s32 $0x70, s18;
	s13 =	sadd.s32 $0x16F30, s9;
	s14 =	sadd.s32 $0x60, s18  }
0x2c1: {  	[hbm4b:s14+s3] =	stream.linear.scatter [tilespmem:s13], [sflag:$0x9], $0x80, $0x38;
	[tilespmem:$0x1B000] =	vst v63  }
0x2c2: {  	s18 =	sadd.s32 $0x1000, s18;
	s14 =	sadd.s32 $0x16FB8, s9;
	s13 =	smov.u32 s21  }
0x2c3: {  	[hbm4b:s19+s3] =	stream.linear.scatter [tilespmem:s14], [sflag:$0x9], $0x80, $0x38;
	[tilespmem:$0x1B000] =	vst v63  }
0x2c4: {  	s9 =	sadd.s32 $0x16C00, s12  }
0x2c5: {  	[hbm4b:s18+s3] =	stream.linear.scatter [tilespmem:s9], [sflag:$0x9], $0x80, $0x38;
	[tilespmem:$0x1B000] =	vst v63  }
0x2c6: {  	s14 =	sadd.s32 $0x16C88, s12;
	s13 =	sadd.s32 $0x10, s18  }
0x2c7: {  	[hbm4b:s13+s3] =	stream.linear.scatter [tilespmem:s14], [sflag:$0x9], $0x80, $0x38;
	[tilespmem:$0x1B000] =	vst v63  }
0x2c8: {  	s19 =	sadd.s32 $0x16D10, s12;
	s21 =	sadd.s32 $0x20, s18  }
0x2c9: {  	[hbm4b:s21+s3] =	stream.linear.scatter [tilespmem:s19], [sflag:$0x9], $0x80, $0x38;
	[tilespmem:$0x1B000] =	vst v63  }
0x2ca: {  	s22 =	sadd.s32 $0x16D98, s12;
	s25 =	sadd.s32 $0x30, s18  }
0x2cb: {  	[hbm4b:s25+s3] =	stream.linear.scatter [tilespmem:s22], [sflag:$0x9], $0x80, $0x38;
	[tilespmem:$0x1B000] =	vst v63  }
0x2cc: {  	s13 =	sadd.s32 $0x16E20, s12;
	s14 =	sadd.s32 $0x40, s18  }
0x2cd: {  	[hbm4b:s14+s3] =	stream.linear.scatter [tilespmem:s13], [sflag:$0x9], $0x80, $0x38;
	[tilespmem:$0x1B000] =	vst v63  }
0x2ce: {  	s19 =	sadd.s32 $0x16EA8, s12;
	s21 =	sadd.s32 $0x50, s18  }
0x2cf: {  	[hbm4b:s21+s3] =	stream.linear.scatter [tilespmem:s19], [sflag:$0x9], $0x80, $0x38;
	[tilespmem:$0x1B000] =	vst v63  }
0x2d0: {  	s22 =	sadd.s32 $0x16F30, s12;
	s25 =	sadd.s32 $0x60, s18  }
0x2d1: {  	[hbm4b:s25+s3] =	stream.linear.scatter [tilespmem:s22], [sflag:$0x9], $0x80, $0x38;
	[tilespmem:$0x1B000] =	vst v63  }
0x2d2: {  	s9 =	simm.s32 @!p0 $0x8;
	s13 =	sadd.s32 $0x16FB8, s12;
	s14 =	sadd.s32 $0x70, s18  }
0x2d3: {  	[hbm4b:s14+s3] =	stream.linear.scatter [tilespmem:s13], [sflag:$0x9], $0x80, $0x38;
	[tilespmem:$0x1B000] =	vst v63  }
0x2d4: {  	_ =	swait.ge @!p0 [sflag:s9], $0x2000  }
0x2d5: {  	s12 =	simm.s32 @!p0 $0x80;
	[sflag:s9] =	ssyncset.done @!p0 $0x0  }
0x2d6: {  	s13 =	simm.s32 @!p0 $0xA600;
	[sflag:s9] =	ssyncadd.s32 @!p0 $0xFFFFE000;
	s9 =	sadd.s32 @!p0 $0x580, s17  }
0x2d7: {  	[tilespmem:s13], [sflag:$0x3] =	stream.indirect.gather @!p0 [hbm4b:s6+s12], $0x40, s9, s12, $0xb8;
	[tilespmem:$0x1B000] =	vst v63  }
0x2d8: {  	s12 =	sadd.s32 s4, s8  }
0x2d9: {  	s8 =	sshrl.u32 s12, $0x5  }
0x2da: {  	_ =	swait.ge [sflag:s0], $0x2000;
	s18 =	ssub.s32 s8, s5  }
0x2db: {  	[sflag:s0] =	ssyncset.done $0x0;
	s9 =	sshll.u32 s18, $0x8  }
0x2dc: {  	[sflag:s0] =	ssyncadd.s32 $0xFFFFE000;
	s17 =	sshra.s32 s9, $0x2  }
0x2dd: {  	s9 =	simm.s32 $0xE680;
	v4 =	vld [tilespmem:s17+$0x0]  }
0x2de: {  	s19 =	simm.s32 $0x3;
	s22 =	simm.s32 $0x1;
	v6 =	vld [tilespmem:s9+$0x40]  }
0x2df: {  	v5 =	vmov s19;
	v8 =	vmov s22;
	v7 =	vld [tilespmem:s9+$0xFFFFFFC0]  }
0x2e0: {  	v5 =	vand.u32 $0x7F, v5;
	v10 =	vand.u32 $0x7D, v8;
	v11 =	vld [tilespmem:s9+$0x0]  }
0x2e1: {  	s25 =	simm.s32 $0x2;
	v8 =	vadd.s32 v0, v5;
	v5 =	vadd.s32 v0, v10;
	v10 =	vld [tilespmem:s9+$0xFFFFFF80]  }
0x2e2: {  	s21 =	simm.s32 $0x0;
	v12 =	vmov s25  }
0x2e3: {  	v9 =	vmov s21;
	v13 =	vand.u32 $0x7E, v12;
	v14 =	vmul.f32 $8.000000000e+00, v6  }
0x2e4: {  	v15 =	vand.u32 $0x7C, v9;
	s13 =	simm.s32 $0xE780;
	v12 =	vmul.f32 $8.000000000e+00, v7;
	v6 =	vadd.s32 v0, v13  }
0x2e5: {  	s14 =	simm.s32 $0x4;
	s18 =	simm.s32 $0x8;
	v9 =	vld [tilespmem:s13+$0x40];
	v7 =	vadd.s32 v0, v15;
	v13 =	vmul.f32 $8.000000000e+00, v11;
	v11 =	vadd.f32 v14, v4  }
.LBB2_43:
0x2e6: {  	p1 =	slt.u32 s18, $0x7C;
	v14 =	vld [tilespmem:s13+$0xFFFFFFC0];
	s9 =	sadd.s32 $0x3, s14;
	v15 =	vmul.f32 $8.000000000e+00, v10;
	v12 =	vadd.f32 v12, v4  }
0x2e7: {  	v16 =	vmov s14;
	s19 =	sadd.s32 $0x1, s14;
	v17 =	vld [tilespmem:s13+$0x0];
	v18 =	vmov s9;
	v13 =	vadd.f32 v13, v4;
	[tilespmem:v8+s16+$0x0] =	vst.idx.msk $0xffff, v11  }
.Ltmp22:
0x2e8: {  	v8 =	vmov s19;
	s9 =	sadd.s32 $0x2, s14;
	s14 =	smov.u32 s18;
	v10 =	vld [tilespmem:s13+$0xFFFFFF80];
	v11 =	vand.u32 $0x7F, v18;
	v15 =	vadd.f32 v15, v4;
	[tilespmem:v5+s16+$0x0] =	vst.idx.msk $0xffff, v12;
	(pc) =	sbr.rel @p1 .LBB2_43-.Ltmp22, $4  }
0x2e9: {  	v5 =	vand.u32 $0x7D, v8;
	v12 =	vmov s9;
	v8 =	vadd.s32 v0, v11;
	[tilespmem:v6+s16+$0x0] =	vst.idx.msk $0xffff, v13  }
0x2ea: {  	v5 =	vadd.s32 v0, v5;
	v6 =	vand.u32 $0x7E, v12;
	v11 =	vmul.f32 $8.000000000e+00, v9;
	[tilespmem:v7+s16+$0x0] =	vst.idx.msk $0xffff, v15  }
0x2eb: {  	s13 =	sadd.s32 $0x100, s13;
	v7 =	vand.u32 $0x7C, v16;
	v6 =	vadd.s32 v0, v6;
	v12 =	vmul.f32 $8.000000000e+00, v14  }
0x2ec: {  	s18 =	sadd.s32 $0x4, s18;
	v7 =	vadd.s32 v0, v7;
	v9 =	vld [tilespmem:s13+$0x40];
	v13 =	vmul.f32 $8.000000000e+00, v17;
	v11 =	vadd.f32 v11, v4  }
0x2ed: {  	v14 =	vld [tilespmem:s13+$0xFFFFFFC0];
	s9 =	sadd.s32 $0x3, s14;
	v10 =	vmul.f32 $8.000000000e+00, v10;
	v12 =	vadd.f32 v12, v4  }
0x2ee: {  	v15 =	vmov s14;
	s18 =	sadd.s32 $0x1, s14;
	v16 =	vld [tilespmem:s13+$0x0];
	v17 =	vmov s9;
	v13 =	vadd.f32 v13, v4  }
0x2ef: {  	v18 =	vld [tilespmem:s13+$0xFFFFFF80];
	v19 =	vmov s18;
	s18 =	sadd.s32 $0x2, s14;
	v17 =	vand.u32 $0x7F, v17;
	v10 =	vadd.f32 v10, v4  }
0x2f0: {  	v19 =	vand.u32 $0x7D, v19;
	v20 =	vmov s18;
	v17 =	vadd.s32 v0, v17  }
0x2f1: {  	[tilespmem:v8+s16+$0x0] =	vst.idx.msk $0xffff, v11;
	v8 =	vadd.s32 v0, v19;
	v11 =	vand.u32 $0x7E, v20;
	v9 =	vmul.f32 $8.000000000e+00, v9  }
0x2f2: {  	[tilespmem:v5+s16+$0x0] =	vst.idx.msk $0xffff, v12;
	v5 =	vand.u32 $0x7C, v15;
	v11 =	vadd.s32 v0, v11;
	v12 =	vmul.f32 $8.000000000e+00, v14  }
0x2f3: {  	[tilespmem:v6+s16+$0x0] =	vst.idx.msk $0xffff, v13;
	v5 =	vadd.s32 v0, v5;
	v6 =	vmul.f32 $8.000000000e+00, v16;
	v9 =	vadd.f32 v9, v4  }
0x2f4: {  	[tilespmem:v7+s16+$0x0] =	vst.idx.msk $0xffff, v10;
	v7 =	vmul.f32 $8.000000000e+00, v18;
	v10 =	vadd.f32 v12, v4  }
0x2f5: {  	v6 =	vadd.f32 v6, v4;
	[tilespmem:v17+s16+$0x0] =	vst.idx.msk $0xffff, v9  }
0x2f6: {  	v4 =	vadd.f32 v7, v4;
	[tilespmem:v8+s16+$0x0] =	vst.idx.msk $0xffff, v10  }
0x2f7: {  	[tilespmem:v11+s16+$0x0] =	vst.idx.msk $0xffff, v6  }
0x2f8: {  	[tilespmem:v5+s16+$0x0] =	vst.idx.msk $0xffff, v4  }
0x2f9: {  	s9 =	simm.s32 $0xE690;
	v4 =	vld [tilespmem:s17+$0x10]  }
0x2fa: {  	s19 =	simm.s32 $0x3;
	s22 =	simm.s32 $0x1;
	v6 =	vld [tilespmem:s9+$0x40]  }
0x2fb: {  	v5 =	vmov s19;
	v8 =	vmov s22;
	v7 =	vld [tilespmem:s9+$0xFFFFFFC0]  }
0x2fc: {  	v11 =	vld [tilespmem:s9+$0x0];
	v5 =	vand.u32 $0x7F, v5;
	v10 =	vand.u32 $0x7D, v8  }
0x2fd: {  	s25 =	simm.s32 $0x2;
	v8 =	vadd.s32 v1, v5;
	v5 =	vadd.s32 v1, v10;
	v10 =	vld [tilespmem:s9+$0xFFFFFF80]  }
0x2fe: {  	s21 =	simm.s32 $0x0;
	v12 =	vmov s25  }
0x2ff: {  	v9 =	vmov s21;
	v13 =	vand.u32 $0x7E, v12;
	v14 =	vmul.f32 $8.000000000e+00, v6  }
0x300: {  	s13 =	simm.s32 $0xE790;
	v15 =	vand.u32 $0x7C, v9;
	v12 =	vmul.f32 $8.000000000e+00, v7;
	v6 =	vadd.s32 v1, v13  }
0x301: {  	s14 =	simm.s32 $0x4;
	s18 =	simm.s32 $0x8;
	v9 =	vld [tilespmem:s13+$0x40];
	v7 =	vadd.s32 v1, v15;
	v13 =	vmul.f32 $8.000000000e+00, v11;
	v11 =	vadd.f32 v14, v4  }
.LBB2_45:
0x302: {  	p1 =	slt.u32 s18, $0x7C;
	v14 =	vld [tilespmem:s13+$0xFFFFFFC0];
	s9 =	sadd.s32 $0x3, s14;
	v15 =	vmul.f32 $8.000000000e+00, v10;
	v12 =	vadd.f32 v12, v4  }
0x303: {  	v16 =	vmov s14;
	s19 =	sadd.s32 $0x1, s14;
	v17 =	vld [tilespmem:s13+$0x0];
	v18 =	vmov s9;
	v13 =	vadd.f32 v13, v4;
	[tilespmem:v8+s16+$0x0] =	vst.idx.msk $0xffff, v11  }
.Ltmp23:
0x304: {  	v8 =	vmov s19;
	s9 =	sadd.s32 $0x2, s14;
	s14 =	smov.u32 s18;
	v10 =	vld [tilespmem:s13+$0xFFFFFF80];
	v11 =	vand.u32 $0x7F, v18;
	v15 =	vadd.f32 v15, v4;
	[tilespmem:v5+s16+$0x0] =	vst.idx.msk $0xffff, v12;
	(pc) =	sbr.rel @p1 .LBB2_45-.Ltmp23, $4  }
0x305: {  	v5 =	vand.u32 $0x7D, v8;
	v12 =	vmov s9;
	v8 =	vadd.s32 v1, v11;
	[tilespmem:v6+s16+$0x0] =	vst.idx.msk $0xffff, v13  }
0x306: {  	v5 =	vadd.s32 v1, v5;
	v6 =	vand.u32 $0x7E, v12;
	v11 =	vmul.f32 $8.000000000e+00, v9;
	[tilespmem:v7+s16+$0x0] =	vst.idx.msk $0xffff, v15  }
0x307: {  	s13 =	sadd.s32 $0x100, s13;
	v7 =	vand.u32 $0x7C, v16;
	v6 =	vadd.s32 v1, v6;
	v12 =	vmul.f32 $8.000000000e+00, v14  }
0x308: {  	s18 =	sadd.s32 $0x4, s18;
	v7 =	vadd.s32 v1, v7;
	v9 =	vld [tilespmem:s13+$0x40];
	v13 =	vmul.f32 $8.000000000e+00, v17;
	v11 =	vadd.f32 v11, v4  }
0x309: {  	v14 =	vld [tilespmem:s13+$0xFFFFFFC0];
	s9 =	sadd.s32 $0x3, s14;
	v10 =	vmul.f32 $8.000000000e+00, v10;
	v12 =	vadd.f32 v12, v4  }
0x30a: {  	v15 =	vmov s14;
	s18 =	sadd.s32 $0x1, s14;
	v16 =	vld [tilespmem:s13+$0x0];
	v17 =	vmov s9;
	v13 =	vadd.f32 v13, v4  }
0x30b: {  	v18 =	vld [tilespmem:s13+$0xFFFFFF80];
	v19 =	vmov s18;
	s18 =	sadd.s32 $0x2, s14;
	v17 =	vand.u32 $0x7F, v17;
	v10 =	vadd.f32 v10, v4  }
0x30c: {  	v19 =	vand.u32 $0x7D, v19;
	v20 =	vmov s18;
	v17 =	vadd.s32 v1, v17  }
0x30d: {  	[tilespmem:v8+s16+$0x0] =	vst.idx.msk $0xffff, v11;
	v8 =	vadd.s32 v1, v19;
	v11 =	vand.u32 $0x7E, v20;
	v9 =	vmul.f32 $8.000000000e+00, v9  }
0x30e: {  	[tilespmem:v5+s16+$0x0] =	vst.idx.msk $0xffff, v12;
	v5 =	vand.u32 $0x7C, v15;
	v11 =	vadd.s32 v1, v11;
	v12 =	vmul.f32 $8.000000000e+00, v14  }
0x30f: {  	[tilespmem:v6+s16+$0x0] =	vst.idx.msk $0xffff, v13;
	v5 =	vadd.s32 v1, v5;
	v6 =	vmul.f32 $8.000000000e+00, v16;
	v9 =	vadd.f32 v9, v4  }
0x310: {  	[tilespmem:v7+s16+$0x0] =	vst.idx.msk $0xffff, v10;
	v7 =	vmul.f32 $8.000000000e+00, v18;
	v10 =	vadd.f32 v12, v4  }
0x311: {  	v6 =	vadd.f32 v6, v4;
	[tilespmem:v17+s16+$0x0] =	vst.idx.msk $0xffff, v9  }
0x312: {  	v4 =	vadd.f32 v7, v4;
	[tilespmem:v8+s16+$0x0] =	vst.idx.msk $0xffff, v10  }
0x313: {  	[tilespmem:v11+s16+$0x0] =	vst.idx.msk $0xffff, v6  }
0x314: {  	[tilespmem:v5+s16+$0x0] =	vst.idx.msk $0xffff, v4  }
0x315: {  	s9 =	simm.s32 $0xE6A0;
	v4 =	vld [tilespmem:s17+$0x20]  }
0x316: {  	s19 =	simm.s32 $0x3;
	s22 =	simm.s32 $0x1;
	v6 =	vld [tilespmem:s9+$0x40]  }
0x317: {  	v5 =	vmov s19;
	v8 =	vmov s22;
	v7 =	vld [tilespmem:s9+$0xFFFFFFC0]  }
0x318: {  	v11 =	vld [tilespmem:s9+$0x0];
	v5 =	vand.u32 $0x7F, v5;
	v10 =	vand.u32 $0x7D, v8  }
0x319: {  	s25 =	simm.s32 $0x2;
	v8 =	vadd.s32 v2, v5;
	v5 =	vadd.s32 v2, v10;
	v10 =	vld [tilespmem:s9+$0xFFFFFF80]  }
0x31a: {  	s21 =	simm.s32 $0x0;
	v12 =	vmov s25  }
0x31b: {  	v9 =	vmov s21;
	v13 =	vand.u32 $0x7E, v12;
	v14 =	vmul.f32 $8.000000000e+00, v6  }
0x31c: {  	s13 =	simm.s32 $0xE7A0;
	v15 =	vand.u32 $0x7C, v9;
	v12 =	vmul.f32 $8.000000000e+00, v7;
	v6 =	vadd.s32 v2, v13  }
0x31d: {  	s14 =	simm.s32 $0x4;
	s18 =	simm.s32 $0x8;
	v9 =	vld [tilespmem:s13+$0x40];
	v7 =	vadd.s32 v2, v15;
	v13 =	vmul.f32 $8.000000000e+00, v11;
	v11 =	vadd.f32 v14, v4  }
.LBB2_47:
0x31e: {  	p1 =	slt.u32 s18, $0x7C;
	v14 =	vld [tilespmem:s13+$0xFFFFFFC0];
	s9 =	sadd.s32 $0x3, s14;
	v15 =	vmul.f32 $8.000000000e+00, v10;
	v12 =	vadd.f32 v12, v4  }
0x31f: {  	v16 =	vmov s14;
	s19 =	sadd.s32 $0x1, s14;
	v17 =	vld [tilespmem:s13+$0x0];
	v18 =	vmov s9;
	v13 =	vadd.f32 v13, v4;
	[tilespmem:v8+s16+$0x0] =	vst.idx.msk $0xffff, v11  }
.Ltmp24:
0x320: {  	v8 =	vmov s19;
	s9 =	sadd.s32 $0x2, s14;
	s14 =	smov.u32 s18;
	v10 =	vld [tilespmem:s13+$0xFFFFFF80];
	v11 =	vand.u32 $0x7F, v18;
	v15 =	vadd.f32 v15, v4;
	[tilespmem:v5+s16+$0x0] =	vst.idx.msk $0xffff, v12;
	(pc) =	sbr.rel @p1 .LBB2_47-.Ltmp24, $4  }
0x321: {  	v5 =	vand.u32 $0x7D, v8;
	v12 =	vmov s9;
	v8 =	vadd.s32 v2, v11;
	[tilespmem:v6+s16+$0x0] =	vst.idx.msk $0xffff, v13  }
0x322: {  	v5 =	vadd.s32 v2, v5;
	v6 =	vand.u32 $0x7E, v12;
	v11 =	vmul.f32 $8.000000000e+00, v9;
	[tilespmem:v7+s16+$0x0] =	vst.idx.msk $0xffff, v15  }
0x323: {  	s13 =	sadd.s32 $0x100, s13;
	v7 =	vand.u32 $0x7C, v16;
	v6 =	vadd.s32 v2, v6;
	v12 =	vmul.f32 $8.000000000e+00, v14  }
0x324: {  	s18 =	sadd.s32 $0x4, s18;
	v7 =	vadd.s32 v2, v7;
	v9 =	vld [tilespmem:s13+$0x40];
	v13 =	vmul.f32 $8.000000000e+00, v17;
	v11 =	vadd.f32 v11, v4  }
0x325: {  	v14 =	vld [tilespmem:s13+$0xFFFFFFC0];
	s9 =	sadd.s32 $0x3, s14;
	v10 =	vmul.f32 $8.000000000e+00, v10;
	v12 =	vadd.f32 v12, v4  }
0x326: {  	v15 =	vmov s14;
	s18 =	sadd.s32 $0x1, s14;
	v16 =	vld [tilespmem:s13+$0x0];
	s14 =	sadd.s32 $0x2, s14;
	v17 =	vmov s9;
	v13 =	vadd.f32 v13, v4  }
0x327: {  	v18 =	vld [tilespmem:s13+$0xFFFFFF80];
	v19 =	vmov s18;
	v20 =	vmov s14;
	v17 =	vand.u32 $0x7F, v17  }
0x328: {  	v10 =	vadd.f32 v10, v4;
	v19 =	vand.u32 $0x7D, v19;
	v17 =	vadd.s32 v2, v17  }
0x329: {  	[tilespmem:v8+s16+$0x0] =	vst.idx.msk $0xffff, v11;
	v11 =	vand.u32 $0x7E, v20;
	v8 =	vadd.s32 v2, v19;
	v9 =	vmul.f32 $8.000000000e+00, v9  }
0x32a: {  	[tilespmem:v5+s16+$0x0] =	vst.idx.msk $0xffff, v12;
	v5 =	vand.u32 $0x7C, v15;
	v11 =	vadd.s32 v2, v11;
	v12 =	vmul.f32 $8.000000000e+00, v14  }
0x32b: {  	[tilespmem:v6+s16+$0x0] =	vst.idx.msk $0xffff, v13;
	v5 =	vadd.s32 v2, v5;
	v6 =	vmul.f32 $8.000000000e+00, v16;
	v9 =	vadd.f32 v9, v4  }
0x32c: {  	[tilespmem:v7+s16+$0x0] =	vst.idx.msk $0xffff, v10;
	v7 =	vmul.f32 $8.000000000e+00, v18;
	v10 =	vadd.f32 v12, v4  }
0x32d: {  	v6 =	vadd.f32 v6, v4;
	[tilespmem:v17+s16+$0x0] =	vst.idx.msk $0xffff, v9  }
0x32e: {  	v4 =	vadd.f32 v7, v4;
	[tilespmem:v8+s16+$0x0] =	vst.idx.msk $0xffff, v10  }
0x32f: {  	[tilespmem:v11+s16+$0x0] =	vst.idx.msk $0xffff, v6  }
0x330: {  	[tilespmem:v5+s16+$0x0] =	vst.idx.msk $0xffff, v4  }
0x331: {  	s18 =	simm.s32 $0xE6B0;
	v4 =	vld [tilespmem:s17+$0x30]  }
0x332: {  	s19 =	simm.s32 $0x3;
	s22 =	simm.s32 $0x1;
	v6 =	vld [tilespmem:s18+$0x40]  }
0x333: {  	v5 =	vmov s19;
	v8 =	vmov s22;
	v7 =	vld [tilespmem:s18+$0xFFFFFFC0]  }
0x334: {  	v11 =	vld [tilespmem:s18+$0x0];
	v5 =	vand.u32 $0x7F, v5;
	v10 =	vand.u32 $0x7D, v8  }
0x335: {  	s25 =	simm.s32 $0x2;
	v8 =	vadd.s32 v3, v5;
	v5 =	vadd.s32 v3, v10;
	v10 =	vld [tilespmem:s18+$0xFFFFFF80]  }
0x336: {  	s21 =	simm.s32 $0x0;
	v12 =	vmov s25  }
0x337: {  	v9 =	vmov s21;
	v13 =	vand.u32 $0x7E, v12;
	v14 =	vmul.f32 $8.000000000e+00, v6  }
0x338: {  	s13 =	simm.s32 $0xE7B0;
	v15 =	vand.u32 $0x7C, v9;
	v12 =	vmul.f32 $8.000000000e+00, v7;
	v6 =	vadd.s32 v3, v13  }
0x339: {  	s14 =	simm.s32 $0x4;
	v9 =	vld [tilespmem:s13+$0x40];
	s17 =	simm.s32 $0x8;
	v7 =	vadd.s32 v3, v15;
	v13 =	vmul.f32 $8.000000000e+00, v11;
	v11 =	vadd.f32 v14, v4  }
.LBB2_49:
0x33a: {  	p1 =	slt.u32 s17, $0x7C;
	v14 =	vld [tilespmem:s13+$0xFFFFFFC0];
	s9 =	sadd.s32 $0x3, s14;
	v15 =	vmul.f32 $8.000000000e+00, v10;
	v12 =	vadd.f32 v12, v4  }
0x33b: {  	v16 =	vmov s14;
	s18 =	sadd.s32 $0x1, s14;
	v17 =	vld [tilespmem:s13+$0x0];
	v18 =	vmov s9;
	v13 =	vadd.f32 v13, v4;
	[tilespmem:v8+s16+$0x0] =	vst.idx.msk $0xffff, v11  }
.Ltmp25:
0x33c: {  	v8 =	vmov s18;
	s9 =	sadd.s32 $0x2, s14;
	s14 =	smov.u32 s17;
	v10 =	vld [tilespmem:s13+$0xFFFFFF80];
	v11 =	vand.u32 $0x7F, v18;
	v15 =	vadd.f32 v15, v4;
	[tilespmem:v5+s16+$0x0] =	vst.idx.msk $0xffff, v12;
	(pc) =	sbr.rel @p1 .LBB2_49-.Ltmp25, $4  }
0x33d: {  	v5 =	vand.u32 $0x7D, v8;
	v12 =	vmov s9;
	v8 =	vadd.s32 v3, v11;
	[tilespmem:v6+s16+$0x0] =	vst.idx.msk $0xffff, v13  }
0x33e: {  	v5 =	vadd.s32 v3, v5;
	v6 =	vand.u32 $0x7E, v12;
	v11 =	vmul.f32 $8.000000000e+00, v9;
	[tilespmem:v7+s16+$0x0] =	vst.idx.msk $0xffff, v15  }
0x33f: {  	s13 =	sadd.s32 $0x100, s13;
	v7 =	vand.u32 $0x7C, v16;
	v6 =	vadd.s32 v3, v6;
	v12 =	vmul.f32 $8.000000000e+00, v14  }
0x340: {  	s17 =	sadd.s32 $0x4, s17;
	v7 =	vadd.s32 v3, v7;
	v9 =	vld [tilespmem:s13+$0x40];
	v13 =	vmul.f32 $8.000000000e+00, v17;
	v11 =	vadd.f32 v11, v4  }
0x341: {  	v14 =	vld [tilespmem:s13+$0xFFFFFFC0];
	s9 =	sadd.s32 $0x3, s14;
	v10 =	vmul.f32 $8.000000000e+00, v10;
	v12 =	vadd.f32 v12, v4  }
0x342: {  	v15 =	vmov s14;
	s17 =	sadd.s32 $0x1, s14;
	v16 =	vld [tilespmem:s13+$0x0];
	s14 =	sadd.s32 $0x2, s14;
	v17 =	vmov s9;
	v13 =	vadd.f32 v13, v4  }
0x343: {  	v18 =	vld [tilespmem:s13+$0xFFFFFF80];
	v19 =	vmov s17;
	v20 =	vmov s14;
	v17 =	vand.u32 $0x7F, v17  }
0x344: {  	v10 =	vadd.f32 v10, v4;
	v19 =	vand.u32 $0x7D, v19;
	v17 =	vadd.s32 v3, v17  }
0x345: {  	[tilespmem:v8+s16+$0x0] =	vst.idx.msk $0xffff, v11;
	v59 =	vand.u32 $0x7E, v20;
	v58 =	vadd.s32 v3, v19;
	v9 =	vmul.f32 $8.000000000e+00, v9  }
0x346: {  	[tilespmem:v5+s16+$0x0] =	vst.idx.msk $0xffff, v12;
	v5 =	vand.u32 $0x7C, v15;
	v11 =	vadd.s32 v3, v59;
	v60 =	vmul.f32 $8.000000000e+00, v14  }
0x347: {  	[tilespmem:v6+s16+$0x0] =	vst.idx.msk $0xffff, v13;
	v5 =	vadd.s32 v3, v5;
	v61 =	vmul.f32 $8.000000000e+00, v16;
	v9 =	vadd.f32 v9, v4  }
0x348: {  	[tilespmem:v7+s16+$0x0] =	vst.idx.msk $0xffff, v10;
	v62 =	vmul.f32 $8.000000000e+00, v18;
	v63 =	vadd.f32 v60, v4  }
0x349: {  	s17 =	sshll.u32 s12, $0x7;
	v6 =	vadd.f32 v61, v4;
	[tilespmem:v17+s16+$0x0] =	vst.idx.msk $0xffff, v9  }
0x34a: {  	s9 =	sand.u32 $0xF80, s17;
	v4 =	vadd.f32 v62, v4;
	[tilespmem:v58+s16+$0x0] =	vst.idx.msk $0xffff, v63  }
0x34b: {  	s8 =	sshll.u32 s8, $0xF;
	s9 =	sadd.s32 s2, s9;
	[tilespmem:v11+s16+$0x0] =	vst.idx.msk $0xffff, v6  }
0x34c: {  	s18 =	simm.s32 $0x18E00;
	s9 =	sadd.s32 s8, s9;
	[tilespmem:v5+s16+$0x0] =	vst.idx.msk $0xffff, v4  }
0x34d: {  	[hbm4b:s9+s3] =	stream.linear.scatter [tilespmem:s18], [sflag:$0xA], $0x80, $0x38;
	[tilespmem:$0x1B000] =	vst v63  }
0x34e: {  	s19 =	simm.s32 $0x18E88;
	s21 =	sadd.s32 $0x10, s9  }
0x34f: {  	[hbm4b:s21+s3] =	stream.linear.scatter [tilespmem:s19], [sflag:$0xA], $0x80, $0x38;
	[tilespmem:$0x1B000] =	vst v63  }
0x350: {  	s22 =	simm.s32 $0x18F10;
	s13 =	simm.s32 $0x18F98;
	s25 =	sadd.s32 $0x20, s9  }
0x351: {  	[hbm4b:s25+s3] =	stream.linear.scatter [tilespmem:s22], [sflag:$0xA], $0x80, $0x38;
	[tilespmem:$0x1B000] =	vst v63  }
0x352: {  	s17 =	simm.s32 $0x19020;
	s8 =	simm.s32 $0x440;
	s14 =	sadd.s32 $0x30, s9  }
0x353: {  	[hbm4b:s14+s3] =	stream.linear.scatter [tilespmem:s13], [sflag:$0xA], $0x80, $0x38;
	[tilespmem:$0x1B000] =	vst v63  }
0x354: {  	s12 =	sadd.s32 $0x1000, s9;
	s18 =	sadd.s32 $0x40, s9;
	s19 =	simm.s32 $0x190A8  }
0x355: {  	[hbm4b:s18+s3] =	stream.linear.scatter [tilespmem:s17], [sflag:$0xA], $0x80, $0x38;
	[tilespmem:$0x1B000] =	vst v63  }
0x356: {  	s21 =	sadd.s32 $0x50, s9;
	s22 =	simm.s32 $0x19130;
	s25 =	sadd.s32 $0x60, s9  }
0x357: {  	[hbm4b:s21+s3] =	stream.linear.scatter [tilespmem:s19], [sflag:$0xA], $0x80, $0x38;
	[tilespmem:$0x1B000] =	vst v63  }
0x358: {  	s13 =	simm.s32 $0x2200;
	s14 =	simm.s32 $0x191B8;
	s17 =	sadd.s32 $0x70, s9  }
0x359: {  	[hbm4b:s25+s3] =	stream.linear.scatter [tilespmem:s22], [sflag:$0xA], $0x80, $0x38;
	[tilespmem:$0x1B000] =	vst v63  }
.LBB2_51:
0x35a: {  	[hbm4b:s17+s3] =	stream.linear.scatter [tilespmem:s14], [sflag:$0xA], $0x80, $0x38;
	[tilespmem:$0x1B000] =	vst v63  }
0x35b: {  	s9 =	smov.u32 s8;
	s8 =	smov.u32 s13  }
0x35c: {  	s18 =	sadd.s32 $0x1100, s13;
	s8 =	sshra.s32 s8, $0x2;
	s14 =	sadd.s32 $0x18E00, s9  }
0x35d: {  	[hbm4b:s12+s3] =	stream.linear.scatter [tilespmem:s14], [sflag:$0xA], $0x80, $0x38;
	[tilespmem:$0x1B000] =	vst v63  }
0x35e: {  	p1 =	sne.s32 s13, $0x7700;
	s13 =	sadd.s32 $0x18E88, s9;
	s14 =	sadd.s32 $0x10, s12  }
0x35f: {  	[hbm4b:s14+s3] =	stream.linear.scatter [tilespmem:s13], [sflag:$0xA], $0x80, $0x38;
	[tilespmem:$0x1B000] =	vst v63  }
0x360: {  	s13 =	sadd.s32 $0x18F10, s9;
	s14 =	sadd.s32 $0x20, s12  }
0x361: {  	[hbm4b:s14+s3] =	stream.linear.scatter [tilespmem:s13], [sflag:$0xA], $0x80, $0x38;
	[tilespmem:$0x1B000] =	vst v63  }
0x362: {  	s13 =	sadd.s32 $0x18F98, s9;
	s14 =	sadd.s32 $0x30, s12  }
0x363: {  	[hbm4b:s14+s3] =	stream.linear.scatter [tilespmem:s13], [sflag:$0xA], $0x80, $0x38;
	[tilespmem:$0x1B000] =	vst v63  }
0x364: {  	s13 =	sadd.s32 $0x19020, s9;
	s14 =	sadd.s32 $0x40, s12  }
0x365: {  	[hbm4b:s14+s3] =	stream.linear.scatter [tilespmem:s13], [sflag:$0xA], $0x80, $0x38;
	[tilespmem:$0x1B000] =	vst v63  }
.Ltmp26:
0x366: {  	s13 =	sadd.s32 $0x190A8, s9;
	s14 =	sadd.s32 $0x50, s12;
	(pc) =	sbr.rel @p1 .LBB2_51-.Ltmp26, $4  }
0x367: {  	[hbm4b:s14+s3] =	stream.linear.scatter [tilespmem:s13], [sflag:$0xA], $0x80, $0x38;
	[tilespmem:$0x1B000] =	vst v63  }
0x368: {  	s17 =	sadd.s32 $0x70, s12;
	s13 =	sadd.s32 $0x19130, s9;
	s14 =	sadd.s32 $0x60, s12  }
0x369: {  	[hbm4b:s14+s3] =	stream.linear.scatter [tilespmem:s13], [sflag:$0xA], $0x80, $0x38;
	[tilespmem:$0x1B000] =	vst v63  }
0x36a: {  	s12 =	sadd.s32 $0x1000, s12;
	s14 =	sadd.s32 $0x191B8, s9;
	s13 =	smov.u32 s18  }
0x36b: {  	[hbm4b:s17+s3] =	stream.linear.scatter [tilespmem:s14], [sflag:$0xA], $0x80, $0x38;
	[tilespmem:$0x1B000] =	vst v63  }
0x36c: {  	s9 =	sadd.s32 $0x18E00, s8  }
0x36d: {  	[hbm4b:s12+s3] =	stream.linear.scatter [tilespmem:s9], [sflag:$0xA], $0x80, $0x38;
	[tilespmem:$0x1B000] =	vst v63  }
0x36e: {  	s18 =	sadd.s32 $0x18E88, s8;
	s13 =	sadd.s32 $0x10, s12  }
0x36f: {  	[hbm4b:s13+s3] =	stream.linear.scatter [tilespmem:s18], [sflag:$0xA], $0x80, $0x38;
	[tilespmem:$0x1B000] =	vst v63  }
0x370: {  	s19 =	sadd.s32 $0x18F10, s8;
	s21 =	sadd.s32 $0x20, s12  }
0x371: {  	[hbm4b:s21+s3] =	stream.linear.scatter [tilespmem:s19], [sflag:$0xA], $0x80, $0x38;
	[tilespmem:$0x1B000] =	vst v63  }
0x372: {  	s22 =	sadd.s32 $0x18F98, s8;
	s25 =	sadd.s32 $0x30, s12  }
0x373: {  	[hbm4b:s25+s3] =	stream.linear.scatter [tilespmem:s22], [sflag:$0xA], $0x80, $0x38;
	[tilespmem:$0x1B000] =	vst v63  }
0x374: {  	s14 =	sadd.s32 $0x40, s12;
	s13 =	sadd.s32 $0x19020, s8  }
0x375: {  	[hbm4b:s14+s3] =	stream.linear.scatter [tilespmem:s13], [sflag:$0xA], $0x80, $0x38;
	[tilespmem:$0x1B000] =	vst v63  }
0x376: {  	s17 =	sadd.s32 $0x190A8, s8;
	s18 =	sadd.s32 $0x50, s12  }
0x377: {  	[hbm4b:s18+s3] =	stream.linear.scatter [tilespmem:s17], [sflag:$0xA], $0x80, $0x38;
	[tilespmem:$0x1B000] =	vst v63  }
.Ltmp27:
0x378: {  	_ = 	snop;
	(pc) =	sbr.rel @p0 .LBB2_54-.Ltmp27, $4  }
0x379: {  	s19 =	sadd.s32 $0x19130, s8;
	s21 =	sadd.s32 $0x60, s12  }
0x37a: {  	[hbm4b:s21+s3] =	stream.linear.scatter [tilespmem:s19], [sflag:$0xA], $0x80, $0x38;
	[tilespmem:$0x1B000] =	vst v63  }
0x37b: {  	s22 =	sadd.s32 $0x191B8, s8;
	s25 =	sadd.s32 $0x70, s12  }
0x37c: {  	[hbm4b:s25+s3] =	stream.linear.scatter [tilespmem:s22], [sflag:$0xA], $0x80, $0x38;
	[tilespmem:$0x1B000] =	vst v63  }
0x37d: {  	s8 =	smul.u32 $0xA00, s7  }
.Ltmp28:
0x37e: {  	_ = 	snop;
	(pc) =	sbr.rel .LBB2_2-.Ltmp28, $4  }
0x37f: {  	_ =	swait.ge [sflag:s20], $0x2000  }
0x380: {  	s9 =	simm.s32 $0xC600;
	[sflag:s20] =	ssyncset.done $0x0;
	s8 =	sshra.s32 s8, $0x2  }
0x381: {  	s7 =	sadd.s32 $0x1, s7;
	[sflag:s20] =	ssyncadd.s32 $0xFFFFE000;
	s8 =	sadd.s32 $0x600, s8  }
0x382: {  	[tilespmem:s9], [sflag:$0x4] =	stream.indirect.gather [hbm4b:s6+s15], $0x40, s8, s15, $0xb8;
	[tilespmem:$0x1B000] =	vst v63  }
.LBB2_55:
0x383: {  	_ =	sfence.sel $0x180000  }
0x384: {  	[bflag:$0x0] =	sbarrier.arrive $0xFFFF  }
0x385: {  	_ =	strace $0x90000047  }
0x386: {  	s0 =	stileid.u32;
	[bflag:$0x2] =	sbarrier.arrive $0xFFFF  }
0x387: {  	p0 =	sne.s32 s0, $0x0;
	s0 =	rddreg [dreg:$0x2]  }
0x388: {  	s0 =	sadd.s32 @!p0 $0x100000, s0  }
0x389: {  	[sflag:s0] =	ssyncadd.tile.s32 @!p0 $0x1;
	_ =	shalt  }
.Lfunc_end2:
_tile_overlayer_lowered:
.L_overlay_start_2:
0x38a: {  	(tag) =	ssettag $0x2  }
0x38b: {  	s0 =	rddreg [dreg:$0x0];
	s2 =	stileid.u32  }
0x38c: {  	s1 =	rddreg [dreg:$0x1];
	p0 =	sne.s32 s2, $0x0  }
0x38d: {  	s3 =	rddreg [dreg:$0x2];
	[bflag:$0x3] =	sbarrier.arrive $0xFFFF;
	s2 =	simm.s32 @!p0 $0x1C0B  }
0x38e: {  	[timem:s3], [sflag:s2] =	dma.local @!p0 [hbm:s0], s1  }
0x38f: {  	s0 =	simm.s32 @!p0 $0xB  }
0x390: {  	_ =	swait.ge @!p0 [sflag:s0], s1  }
0x391: {  	s1 =	ssub.s32 @!p0 $0x0, s1;
	[sflag:s0] =	ssyncset.done @!p0 $0x0  }
0x392: {  	[sflag:s0] =	ssyncadd.s32 @!p0 s1  }
0x393: {  	[bflag:$0x3] =	sbarrier.arrive $0xFFFF  }
0x394: {  	_ =	shalt  }

</sc_bundles>
